<compile_context>
chip_gen: v7x
topology: tpu7x:2x2x1
jax: 0.10.2.dev20260603
libtpu: 0.0.44.dev20260713+nightly
codegen_flags: <defaults>
</compile_context>

<pallas_src>
import functools

import jax
import jax.numpy as jnp
from jax import lax
from jax.experimental import pallas as pl
from jax.experimental.pallas import tpu as pltpu
from jax.experimental.pallas import tpu_sc as plsc

N = 10000
E = 320000
D = 128
G = 64
ATOM_VOCAB = 119
BOND_VOCAB = 5

NC = 2
NS = 16
NW = NC * NS
EPW = E // NW
C = 128
EPW_P = 10240
NCHUNK = EPW_P // C
SBATCH = 16
N_PAD = 10240
RPT = N_PAD // NS
D16 = D // 16


def _sc_aggr_body(m_hbm, idx_hbm, dst_hbm, out_hbm,
                  aggr_sh, idx_b, dst_b, rows0, rows1,
                  gsem0, gsem1, ssem0, ssem1):
    c = lax.axis_index("c")
    s = lax.axis_index("s")
    wid = c * NS + s

    def _zb(i, carry):
        for j in range(D16):
            rows0[i, pl.ds(j * 16, 16)] = jnp.zeros((16,), jnp.float32)
        return carry
    lax.fori_loop(0, C, _zb, 0)
    for k in range(RPT // C):
        pltpu.sync_copy(rows0, aggr_sh.at[pl.ds(s * RPT + k * C, C)])
    plsc.subcore_barrier()

    def _super(sb, carry):
        pltpu.sync_copy(idx_hbm.at[wid, pl.ds(sb * SBATCH, SBATCH)], idx_b)
        pltpu.sync_copy(dst_hbm.at[wid, pl.ds(sb * SBATCH, SBATCH)], dst_b)
        pltpu.async_copy(m_hbm.at[idx_b.at[0]], rows0, gsem0)

        def _pair(t, cc):
            k0 = 2 * t
            k1 = 2 * t + 1
            pltpu.make_async_copy(m_hbm.at[idx_b.at[k0]], rows0, gsem0).wait()

            @pl.when(t > 0)
            def _w1():
                pltpu.make_async_copy(
                    rows1, aggr_sh.at[dst_b.at[k1 - 2]], ssem1).wait()
            pltpu.async_copy(m_hbm.at[idx_b.at[k1]], rows1, gsem1)
            pltpu.async_copy(rows0, aggr_sh.at[dst_b.at[k0]], ssem0, add=True)
            pltpu.make_async_copy(m_hbm.at[idx_b.at[k1]], rows1, gsem1).wait()
            pltpu.make_async_copy(rows0, aggr_sh.at[dst_b.at[k0]], ssem0).wait()

            @pl.when(t < SBATCH // 2 - 1)
            def _g2():
                pltpu.async_copy(m_hbm.at[idx_b.at[k0 + 2]], rows0, gsem0)
            pltpu.async_copy(rows1, aggr_sh.at[dst_b.at[k1]], ssem1, add=True)
            return cc
        lax.fori_loop(0, SBATCH // 2, _pair, 0)
        pltpu.make_async_copy(
            rows1, aggr_sh.at[dst_b.at[SBATCH - 1]], ssem1).wait()
        return carry
    lax.fori_loop(0, NCHUNK // SBATCH, _super, 0)

    plsc.subcore_barrier()
    pltpu.sync_copy(aggr_sh.at[pl.ds(s * RPT, RPT)],
                    out_hbm.at[c, pl.ds(s * RPT, RPT)])


@functools.cache
def _make_sc_aggr():
    return pl.kernel(
        _sc_aggr_body,
        out_type=jax.ShapeDtypeStruct((NC, N_PAD, D), jnp.float32),
        mesh=plsc.VectorSubcoreMesh(core_axis_name="c", subcore_axis_name="s",
                                    num_cores=NC, num_subcores=NS),
        scratch_types=[
            pltpu.VMEM_SHARED((N_PAD, D), jnp.float32),
            pltpu.VMEM((SBATCH, C), jnp.int32),
            pltpu.VMEM((SBATCH, C), jnp.int32),
            pltpu.VMEM((C, D), jnp.float32),
            pltpu.VMEM((C, D), jnp.float32),
            pltpu.SemaphoreType.DMA,
            pltpu.SemaphoreType.DMA,
            pltpu.SemaphoreType.DMA,
            pltpu.SemaphoreType.DMA,
        ],
    )


def _msg_body(h_ref, bond_ref, out_ref):
    h = h_ref[...]
    for v in range(BOND_VOCAB):
        out_ref[:, v * D:(v + 1) * D] = jnp.maximum(h + bond_ref[v:v + 1, :],
                                                    0.0)


_msg = pl.pallas_call(
    _msg_body,
    out_shape=jax.ShapeDtypeStruct((N, BOND_VOCAB * D), jnp.float32),
)


def _embed_body(x_ref, tab_ref, out_ref):
    xv = x_ref[...]
    ids = lax.broadcasted_iota(jnp.int32, (1, ATOM_VOCAB), 1)
    oh = (xv == ids).astype(jnp.float32)
    out_ref[...] = jnp.dot(oh, tab_ref[...], preferred_element_type=jnp.float32,
                           precision=lax.Precision.HIGHEST)


_embed = pl.pallas_call(
    _embed_body,
    out_shape=jax.ShapeDtypeStruct((N, D), jnp.float32),
)


def _bn(z, g, b):
    mean = jnp.mean(z, axis=0, keepdims=True)
    var = jnp.mean((z - mean) ** 2, axis=0, keepdims=True)
    return g * (z - mean) / jnp.sqrt(var + 1e-5) + b


def _dense_core(h_ref, a_ref, w1_ref, b1_ref, g1_ref, be1_ref,
                w2_ref, b2_ref, g2_ref, be2_ref):
    z = h_ref[...] + a_ref[0, :N] + a_ref[1, :N]
    z1 = jnp.dot(z.astype(jnp.bfloat16), w1_ref[...].astype(jnp.bfloat16),
                 preferred_element_type=jnp.float32) + b1_ref[...]
    z1 = jnp.maximum(_bn(z1, g1_ref[...], be1_ref[...]), 0.0)
    z2 = jnp.dot(z1.astype(jnp.bfloat16), w2_ref[...].astype(jnp.bfloat16),
                 preferred_element_type=jnp.float32) + b2_ref[...]
    return _bn(z2, g2_ref[...], be2_ref[...])


def _dense_mid_body(h_ref, a_ref, w1_ref, b1_ref, g1_ref, be1_ref,
                    w2_ref, b2_ref, g2_ref, be2_ref, out_ref):
    out_ref[...] = jnp.maximum(
        _dense_core(h_ref, a_ref, w1_ref, b1_ref, g1_ref, be1_ref,
                    w2_ref, b2_ref, g2_ref, be2_ref), 0.0)


def _dense_last_body(h_ref, a_ref, w1_ref, b1_ref, g1_ref, be1_ref,
                     w2_ref, b2_ref, g2_ref, be2_ref, batch_ref,
                     outh_ref, outp_ref):
    hn = _dense_core(h_ref, a_ref, w1_ref, b1_ref, g1_ref, be1_ref,
                     w2_ref, b2_ref, g2_ref, be2_ref)
    outh_ref[...] = hn
    bv = batch_ref[...]
    gi = lax.broadcasted_iota(jnp.int32, (1, G), 1)
    oh = (bv == gi).astype(jnp.float32)
    xp = lax.dot_general(oh, hn, (((0,), (0,)), ((), ())),
                         preferred_element_type=jnp.float32,
                         precision=lax.Precision.HIGHEST)
    nrm = jnp.sqrt(jnp.sum(xp * xp, axis=1, keepdims=True))
    outp_ref[...] = xp / jnp.maximum(nrm, 1e-12)


_dense_mid = pl.pallas_call(
    _dense_mid_body,
    out_shape=jax.ShapeDtypeStruct((N, D), jnp.float32),
)

_dense_last = pl.pallas_call(
    _dense_last_body,
    out_shape=(jax.ShapeDtypeStruct((N, D), jnp.float32),
               jax.ShapeDtypeStruct((G, D), jnp.float32)),
)


def kernel(params, batch, x, edge_index, edge_attr):
    atom = params['atom_table']
    bond = params['bond_table']
    layers = params['layers']
    src = edge_index[0].astype(jnp.int32)
    dst = edge_index[1].astype(jnp.int32)
    ea = edge_attr[:, 0].astype(jnp.int32)
    pad = ((0, 0), (0, EPW_P - EPW))
    idx = jnp.pad((src * BOND_VOCAB + ea).reshape(NW, EPW),
                  pad).reshape(NW, NCHUNK, C)
    dstp = jnp.pad(dst.reshape(NW, EPW), pad,
                   constant_values=N_PAD - 1).reshape(NW, NCHUNK, C)
    xi = x.astype(jnp.int32)
    batchf = batch.astype(jnp.int32).reshape(N, 1)

    h = _embed(xi, atom)
    n_layers = len(layers)
    xpool = None
    for i, p in enumerate(layers):
        msg = _msg(h, bond).reshape(N * BOND_VOCAB, D)
        aggr = _make_sc_aggr()(msg, idx, dstp)
        args = (h, aggr, p['W1'], p['b1'].reshape(1, -1),
                p['g_mlp'].reshape(1, -1), p['be_mlp'].reshape(1, -1),
                p['W2'], p['b2'].reshape(1, -1),
                p['g_bn'].reshape(1, -1), p['be_bn'].reshape(1, -1))
        if i < n_layers - 1:
            h = _dense_mid(*args)
        else:
            h, xpool = _dense_last(*args, batchf)
    return (xpool, h)

# --- scband reference (transcript-rebuilt; emitter-appended) ---
"""Pipeline reference for scband-encoder-34746285425414 (READ-ONLY COPY).

The authoritative reference and input builder live on the scoring server;
editing this copy changes nothing except your own understanding.
"""

import jax, jax.numpy as jnp
import numpy as np

N = 10000
E = 320000
D = 128
L = 3
G = 64
ATOM_VOCAB = 119
BOND_VOCAB = 5


def setup_inputs(seed: int = 0) -> dict:
    key = jax.random.key(seed)
    ks = jax.random.split(key, 8 + L)
    batch = jnp.sort(jax.random.randint(ks[0], (N,), 0, G))
    x = jax.random.randint(ks[1], (N, 1), 0, ATOM_VOCAB)
    edge_index = jax.random.randint(ks[2], (2, E), 0, N)
    edge_attr = jax.random.randint(ks[3], (E, 1), 0, BOND_VOCAB)
    layers = []
    for i in range(L):
        kk = jax.random.split(ks[6 + i], 4)
        s1 = float(np.sqrt(6.0 / (D + 2 * D)))
        s2 = float(np.sqrt(6.0 / (2 * D + D)))
        layers.append({
            'W1': jax.random.uniform(kk[0], (D, 2 * D), minval=-s1, maxval=s1, dtype=jnp.float32),
            'b1': jnp.zeros((2 * D,), jnp.float32),
            'g_mlp': jnp.ones((2 * D,), jnp.float32),
            'be_mlp': jnp.zeros((2 * D,), jnp.float32),
            'W2': jax.random.uniform(kk[1], (2 * D, D), minval=-s2, maxval=s2, dtype=jnp.float32),
            'b2': jnp.zeros((D,), jnp.float32),
            'g_bn': jnp.ones((D,), jnp.float32),
            'be_bn': jnp.zeros((D,), jnp.float32),
        })
    params = {
        'atom_table': jax.random.normal(ks[4], (ATOM_VOCAB, D), dtype=jnp.float32) * 0.1,
        'bond_table': jax.random.normal(ks[5], (BOND_VOCAB, D), dtype=jnp.float32) * 0.1,
        'layers': layers,
    }
    return {'params': params, 'batch': batch, 'x': x, 'edge_index': edge_index, 'edge_attr': edge_attr}


def _bn(h, g, b):
    # BatchNorm1d in training mode: batch statistics, eps=1e-5
    mean = jnp.mean(h, axis=0)
    var = jnp.mean((h - mean) ** 2, axis=0)
    return g * (h - mean) / jnp.sqrt(var + 1e-5) + b


def _forward(params, batch, x, edge_index, edge_attr):
    # AtomEncoder / BondEncoder: per-column embedding sum (single column here)
    h = params['atom_table'][x[:, 0]]
    e = params['bond_table'][edge_attr[:, 0]]
    src = edge_index[0]
    dst = edge_index[1]
    # edge_weight defaults to ones((E, 1))
    ew = jnp.ones((edge_index.shape[1], 1), dtype=h.dtype)
    n_layers = len(params['layers'])
    for i, p in enumerate(params['layers']):
        # GINEConv with eps=0: nn((1+eps)*x + sum_j relu(x_j + e_ij) * w_ij)
        msg = jax.nn.relu(h[src] + e) * ew
        aggr = jax.ops.segment_sum(msg, dst, num_segments=h.shape[0])
        z = h + aggr
        z = jnp.dot(z, p['W1']) + p['b1']
        z = _bn(z, p['g_mlp'], p['be_mlp'])
        z = jax.nn.relu(z)
        z = jnp.dot(z, p['W2']) + p['b2']
        h = _bn(z, p['g_bn'], p['be_bn'])
        if i < n_layers - 1:
            h = jax.nn.relu(h)
        # dropout with drop_ratio=0.0 is identity
    xpool = jax.ops.segment_sum(h, batch, num_segments=G)
    norm = jnp.linalg.norm(xpool, axis=1, keepdims=True)
    xpool = xpool / jnp.maximum(norm, 1e-12)
    return (xpool, h)


def reference(params, batch, x, edge_index, edge_attr):
    return _forward(params, batch, x, edge_index, edge_attr)

if __name__ == "__main__":
    import jax
    _d = setup_inputs()
    print(jax.jit(kernel)(*tuple(_d.values())))

</pallas_src>

<mosaic_0001>
#map = affine_map<(d0, d1) -> (0, 0)>
#map1 = affine_map<(d0, d1) -> (0, 0, 0)>
module attributes {stable_mosaic.version = 14 : i64} {
  func.func @_sc_aggr_body(%arg0: i32, %arg1: i32, %arg2: memref<50000x128xf32, #tpu.memory_space<hbm>>, %arg3: memref<32x80x128xi32, #tpu.memory_space<hbm>>, %arg4: memref<32x80x128xi32, #tpu.memory_space<hbm>>, %arg5: memref<2x10240x128xf32, #tpu.memory_space<hbm>>, %arg6: memref<10240x128xf32, #tpu.memory_space<vmem_shared>>, %arg7: memref<16x128xi32, #tpu.memory_space<vmem>>, %arg8: memref<16x128xi32, #tpu.memory_space<vmem>>, %arg9: memref<128x128xf32, #tpu.memory_space<vmem>>, %arg10: memref<128x128xf32, #tpu.memory_space<vmem>>, %arg11: memref<!tpu.dma_semaphore, #tpu.memory_space<semaphore_mem>>, %arg12: memref<!tpu.dma_semaphore, #tpu.memory_space<semaphore_mem>>, %arg13: memref<!tpu.dma_semaphore, #tpu.memory_space<semaphore_mem>>, %arg14: memref<!tpu.dma_semaphore, #tpu.memory_space<semaphore_mem>>) attributes {dimension_semantics = [#tpu.dimension_semantics<core_parallel>, #tpu.dimension_semantics<subcore_parallel>], iteration_bounds = array<i64: 2, 16>, scalar_prefetch = 0 : i64, scratch_operands = 9 : i64, tpu.core_type = #tpu.core_type<sc_vector_subcore>, window_params = [{transform_indices = #map}, {transform_indices = #map1}, {transform_indices = #map1}, {transform_indices = #map1}]} {
    %mul3A = arith.constant 16 : i32
    %mul3A_0 = arith.muli %arg0, %mul3A : i32
    %add3A = arith.addi %mul3A_0, %arg1 : i32
    %scan3A = arith.constant 0 : i32
    %scan3A_1 = arith.constant 0 : i32
    %scan3A_2 = arith.constant 128 : i32
    %scan3A_3 = arith.addi %scan3A_1, %scan3A_2 : i32
    %scan3A_4 = arith.constant 1 : i32
    scf.for %scan3A_37 = %scan3A_1 to %scan3A_3 step %scan3A_4  : i32 {
      %broadcast_in_dim3A = arith.constant 0.000000e+00 : f32
      %broadcast_in_dim3A_38 = vector.broadcast %broadcast_in_dim3A : f32 to vector<16xf32>
      %swap3A = arith.index_cast %scan3A_37 : i32 to index
      %swap3A_39 = arith.constant 0 : index
      %swap3A_40 = tpu.vector_load %arg9[%swap3A, %swap3A_39] {strides = array<i32>} : memref<128x128xf32, #tpu.memory_space<vmem>>, vector<1x16xf32>,
      %swap3A_41 = vector.shape_cast %swap3A_40 : vector<1x16xf32> to vector<16xf32>
      %swap3A_42 = vector.shape_cast %broadcast_in_dim3A_38 : vector<16xf32> to vector<1x16xf32>
      tpu.vector_store %arg9[%swap3A, %swap3A_39], %swap3A_42 {strides = array<i32>} : memref<128x128xf32, #tpu.memory_space<vmem>>, vector<1x16xf32>,
      %broadcast_in_dim3A_43 = arith.constant 0.000000e+00 : f32
      %broadcast_in_dim3A_44 = vector.broadcast %broadcast_in_dim3A_43 : f32 to vector<16xf32>
      %swap3A_45 = arith.index_cast %scan3A_37 : i32 to index
      %swap3A_46 = arith.constant 16 : index
      %swap3A_47 = tpu.vector_load %arg9[%swap3A_45, %swap3A_46] {strides = array<i32>} : memref<128x128xf32, #tpu.memory_space<vmem>>, vector<1x16xf32>,
      %swap3A_48 = vector.shape_cast %swap3A_47 : vector<1x16xf32> to vector<16xf32>
      %swap3A_49 = vector.shape_cast %broadcast_in_dim3A_44 : vector<16xf32> to vector<1x16xf32>
      tpu.vector_store %arg9[%swap3A_45, %swap3A_46], %swap3A_49 {strides = array<i32>} : memref<128x128xf32, #tpu.memory_space<vmem>>, vector<1x16xf32>,
      %broadcast_in_dim3A_50 = arith.constant 0.000000e+00 : f32
      %broadcast_in_dim3A_51 = vector.broadcast %broadcast_in_dim3A_50 : f32 to vector<16xf32>
      %swap3A_52 = arith.index_cast %scan3A_37 : i32 to index
      %swap3A_53 = arith.constant 32 : index
      %swap3A_54 = tpu.vector_load %arg9[%swap3A_52, %swap3A_53] {strides = array<i32>} : memref<128x128xf32, #tpu.memory_space<vmem>>, vector<1x16xf32>,
      %swap3A_55 = vector.shape_cast %swap3A_54 : vector<1x16xf32> to vector<16xf32>
      %swap3A_56 = vector.shape_cast %broadcast_in_dim3A_51 : vector<16xf32> to vector<1x16xf32>
      tpu.vector_store %arg9[%swap3A_52, %swap3A_53], %swap3A_56 {strides = array<i32>} : memref<128x128xf32, #tpu.memory_space<vmem>>, vector<1x16xf32>,
      %broadcast_in_dim3A_57 = arith.constant 0.000000e+00 : f32
      %broadcast_in_dim3A_58 = vector.broadcast %broadcast_in_dim3A_57 : f32 to vector<16xf32>
      %swap3A_59 = arith.index_cast %scan3A_37 : i32 to index
      %swap3A_60 = arith.constant 48 : index
      %swap3A_61 = tpu.vector_load %arg9[%swap3A_59, %swap3A_60] {strides = array<i32>} : memref<128x128xf32, #tpu.memory_space<vmem>>, vector<1x16xf32>,
      %swap3A_62 = vector.shape_cast %swap3A_61 : vector<1x16xf32> to vector<16xf32>
      %swap3A_63 = vector.shape_cast %broadcast_in_dim3A_58 : vector<16xf32> to vector<1x16xf32>
      tpu.vector_store %arg9[%swap3A_59, %swap3A_60], %swap3A_63 {strides = array<i32>} : memref<128x128xf32, #tpu.memory_space<vmem>>, vector<1x16xf32>,
      %broadcast_in_dim3A_64 = arith.constant 0.000000e+00 : f32
      %broadcast_in_dim3A_65 = vector.broadcast %broadcast_in_dim3A_64 : f32 to vector<16xf32>
      %swap3A_66 = arith.index_cast %scan3A_37 : i32 to index
      %swap3A_67 = arith.constant 64 : index
      %swap3A_68 = tpu.vector_load %arg9[%swap3A_66, %swap3A_67] {strides = array<i32>} : memref<128x128xf32, #tpu.memory_space<vmem>>, vector<1x16xf32>,
      %swap3A_69 = vector.shape_cast %swap3A_68 : vector<1x16xf32> to vector<16xf32>
      %swap3A_70 = vector.shape_cast %broadcast_in_dim3A_65 : vector<16xf32> to vector<1x16xf32>
      tpu.vector_store %arg9[%swap3A_66, %swap3A_67], %swap3A_70 {strides = array<i32>} : memref<128x128xf32, #tpu.memory_space<vmem>>, vector<1x16xf32>,
      %broadcast_in_dim3A_71 = arith.constant 0.000000e+00 : f32
      %broadcast_in_dim3A_72 = vector.broadcast %broadcast_in_dim3A_71 : f32 to vector<16xf32>
      %swap3A_73 = arith.index_cast %scan3A_37 : i32 to index
      %swap3A_74 = arith.constant 80 : index
      %swap3A_75 = tpu.vector_load %arg9[%swap3A_73, %swap3A_74] {strides = array<i32>} : memref<128x128xf32, #tpu.memory_space<vmem>>, vector<1x16xf32>,
      %swap3A_76 = vector.shape_cast %swap3A_75 : vector<1x16xf32> to vector<16xf32>
      %swap3A_77 = vector.shape_cast %broadcast_in_dim3A_72 : vector<16xf32> to vector<1x16xf32>
      tpu.vector_store %arg9[%swap3A_73, %swap3A_74], %swap3A_77 {strides = array<i32>} : memref<128x128xf32, #tpu.memory_space<vmem>>, vector<1x16xf32>,
      %broadcast_in_dim3A_78 = arith.constant 0.000000e+00 : f32
      %broadcast_in_dim3A_79 = vector.broadcast %broadcast_in_dim3A_78 : f32 to vector<16xf32>
      %swap3A_80 = arith.index_cast %scan3A_37 : i32 to index
      %swap3A_81 = arith.constant 96 : index
      %swap3A_82 = tpu.vector_load %arg9[%swap3A_80, %swap3A_81] {strides = array<i32>} : memref<128x128xf32, #tpu.memory_space<vmem>>, vector<1x16xf32>,
      %swap3A_83 = vector.shape_cast %swap3A_82 : vector<1x16xf32> to vector<16xf32>
      %swap3A_84 = vector.shape_cast %broadcast_in_dim3A_79 : vector<16xf32> to vector<1x16xf32>
      tpu.vector_store %arg9[%swap3A_80, %swap3A_81], %swap3A_84 {strides = array<i32>} : memref<128x128xf32, #tpu.memory_space<vmem>>, vector<1x16xf32>,
      %broadcast_in_dim3A_85 = arith.constant 0.000000e+00 : f32
      %broadcast_in_dim3A_86 = vector.broadcast %broadcast_in_dim3A_85 : f32 to vector<16xf32>
      %swap3A_87 = arith.index_cast %scan3A_37 : i32 to index
      %swap3A_88 = arith.constant 112 : index
      %swap3A_89 = tpu.vector_load %arg9[%swap3A_87, %swap3A_88] {strides = array<i32>} : memref<128x128xf32, #tpu.memory_space<vmem>>, vector<1x16xf32>,
      %swap3A_90 = vector.shape_cast %swap3A_89 : vector<1x16xf32> to vector<16xf32>
      %swap3A_91 = vector.shape_cast %broadcast_in_dim3A_86 : vector<16xf32> to vector<1x16xf32>
      tpu.vector_store %arg9[%swap3A_87, %swap3A_88], %swap3A_91 {strides = array<i32>} : memref<128x128xf32, #tpu.memory_space<vmem>>, vector<1x16xf32>,
    }
    %scan3A_5 = arith.constant 128 : i32
    %mul3A_6 = arith.constant 640 : i32
    %mul3A_7 = arith.muli %arg1, %mul3A_6 : i32
    %add3A_8 = arith.constant 0 : i32
    %add3A_9 = arith.addi %mul3A_7, %add3A_8 : i32
    "tpu.region"() ({
      %run_scoped3A = tpu.sem_alloc : memref<!tpu.dma_semaphore, #tpu.memory_space<semaphore_mem>>
      %dma_start3A = arith.constant 0 : i32
      %dma_start3A_37 = tpu.memref_slice %arg6[%add3A_9, %dma_start3A] : memref<10240x128xf32, #tpu.memory_space<vmem_shared>> -> memref<128x128xf32, #tpu.memory_space<vmem_shared>>
      %dma_start3A_38 = arith.constant 0 : i32
      %dma_start3A_39 = tpu.memref_slice %arg6[%add3A_9, %dma_start3A_38] : memref<10240x128xf32, #tpu.memory_space<vmem_shared>> -> memref<128x128xf32, #tpu.memory_space<vmem_shared>>
      tpu.enqueue_dma source(%arg9 : memref<128x128xf32, #tpu.memory_space<vmem>>) target(%dma_start3A_39 : memref<128x128xf32, #tpu.memory_space<vmem_shared>>) target_semaphore(%run_scoped3A : memref<!tpu.dma_semaphore, #tpu.memory_space<semaphore_mem>>)
      %dma_wait3A = arith.constant 0 : i32
      %dma_wait3A_40 = tpu.memref_slice %arg6[%add3A_9, %dma_wait3A] : memref<10240x128xf32, #tpu.memory_space<vmem_shared>> -> memref<128x128xf32, #tpu.memory_space<vmem_shared>>
      %dma_wait3A_41 = arith.constant 0 : i32
      %dma_wait3A_42 = tpu.memref_slice %arg6[%add3A_9, %dma_wait3A_41] : memref<10240x128xf32, #tpu.memory_space<vmem_shared>> -> memref<128x128xf32, #tpu.memory_space<vmem_shared>>
      tpu.wait_dma2 semaphore(%run_scoped3A : memref<!tpu.dma_semaphore, #tpu.memory_space<semaphore_mem>>) src(%arg9 : memref<128x128xf32, #tpu.memory_space<vmem>>) dst(%dma_wait3A_42 : memref<128x128xf32, #tpu.memory_space<vmem_shared>>)
      tpu.yield
    }) : () -> ()
    %mul3A_10 = arith.constant 640 : i32
    %mul3A_11 = arith.muli %arg1, %mul3A_10 : i32
    %add3A_12 = arith.constant 128 : i32
    %add3A_13 = arith.addi %mul3A_11, %add3A_12 : i32
    "tpu.region"() ({
      %run_scoped3A = tpu.sem_alloc : memref<!tpu.dma_semaphore, #tpu.memory_space<semaphore_mem>>
      %dma_start3A = arith.constant 0 : i32
      %dma_start3A_37 = tpu.memref_slice %arg6[%add3A_13, %dma_start3A] : memref<10240x128xf32, #tpu.memory_space<vmem_shared>> -> memref<128x128xf32, #tpu.memory_space<vmem_shared>>
      %dma_start3A_38 = arith.constant 0 : i32
      %dma_start3A_39 = tpu.memref_slice %arg6[%add3A_13, %dma_start3A_38] : memref<10240x128xf32, #tpu.memory_space<vmem_shared>> -> memref<128x128xf32, #tpu.memory_space<vmem_shared>>
      tpu.enqueue_dma source(%arg9 : memref<128x128xf32, #tpu.memory_space<vmem>>) target(%dma_start3A_39 : memref<128x128xf32, #tpu.memory_space<vmem_shared>>) target_semaphore(%run_scoped3A : memref<!tpu.dma_semaphore, #tpu.memory_space<semaphore_mem>>)
      %dma_wait3A = arith.constant 0 : i32
      %dma_wait3A_40 = tpu.memref_slice %arg6[%add3A_13, %dma_wait3A] : memref<10240x128xf32, #tpu.memory_space<vmem_shared>> -> memref<128x128xf32, #tpu.memory_space<vmem_shared>>
      %dma_wait3A_41 = arith.constant 0 : i32
      %dma_wait3A_42 = tpu.memref_slice %arg6[%add3A_13, %dma_wait3A_41] : memref<10240x128xf32, #tpu.memory_space<vmem_shared>> -> memref<128x128xf32, #tpu.memory_space<vmem_shared>>
      tpu.wait_dma2 semaphore(%run_scoped3A : memref<!tpu.dma_semaphore, #tpu.memory_space<semaphore_mem>>) src(%arg9 : memref<128x128xf32, #tpu.memory_space<vmem>>) dst(%dma_wait3A_42 : memref<128x128xf32, #tpu.memory_space<vmem_shared>>)
      tpu.yield
    }) : () -> ()
    %mul3A_14 = arith.constant 640 : i32
    %mul3A_15 = arith.muli %arg1, %mul3A_14 : i32
    %add3A_16 = arith.constant 256 : i32
    %add3A_17 = arith.addi %mul3A_15, %add3A_16 : i32
    "tpu.region"() ({
      %run_scoped3A = tpu.sem_alloc : memref<!tpu.dma_semaphore, #tpu.memory_space<semaphore_mem>>
      %dma_start3A = arith.constant 0 : i32
      %dma_start3A_37 = tpu.memref_slice %arg6[%add3A_17, %dma_start3A] : memref<10240x128xf32, #tpu.memory_space<vmem_shared>> -> memref<128x128xf32, #tpu.memory_space<vmem_shared>>
      %dma_start3A_38 = arith.constant 0 : i32
      %dma_start3A_39 = tpu.memref_slice %arg6[%add3A_17, %dma_start3A_38] : memref<10240x128xf32, #tpu.memory_space<vmem_shared>> -> memref<128x128xf32, #tpu.memory_space<vmem_shared>>
      tpu.enqueue_dma source(%arg9 : memref<128x128xf32, #tpu.memory_space<vmem>>) target(%dma_start3A_39 : memref<128x128xf32, #tpu.memory_space<vmem_shared>>) target_semaphore(%run_scoped3A : memref<!tpu.dma_semaphore, #tpu.memory_space<semaphore_mem>>)
      %dma_wait3A = arith.constant 0 : i32
      %dma_wait3A_40 = tpu.memref_slice %arg6[%add3A_17, %dma_wait3A] : memref<10240x128xf32, #tpu.memory_space<vmem_shared>> -> memref<128x128xf32, #tpu.memory_space<vmem_shared>>
      %dma_wait3A_41 = arith.constant 0 : i32
      %dma_wait3A_42 = tpu.memref_slice %arg6[%add3A_17, %dma_wait3A_41] : memref<10240x128xf32, #tpu.memory_space<vmem_shared>> -> memref<128x128xf32, #tpu.memory_space<vmem_shared>>
      tpu.wait_dma2 semaphore(%run_scoped3A : memref<!tpu.dma_semaphore, #tpu.memory_space<semaphore_mem>>) src(%arg9 : memref<128x128xf32, #tpu.memory_space<vmem>>) dst(%dma_wait3A_42 : memref<128x128xf32, #tpu.memory_space<vmem_shared>>)
      tpu.yield
    }) : () -> ()
    %mul3A_18 = arith.constant 640 : i32
    %mul3A_19 = arith.muli %arg1, %mul3A_18 : i32
    %add3A_20 = arith.constant 384 : i32
    %add3A_21 = arith.addi %mul3A_19, %add3A_20 : i32
    "tpu.region"() ({
      %run_scoped3A = tpu.sem_alloc : memref<!tpu.dma_semaphore, #tpu.memory_space<semaphore_mem>>
      %dma_start3A = arith.constant 0 : i32
      %dma_start3A_37 = tpu.memref_slice %arg6[%add3A_21, %dma_start3A] : memref<10240x128xf32, #tpu.memory_space<vmem_shared>> -> memref<128x128xf32, #tpu.memory_space<vmem_shared>>
      %dma_start3A_38 = arith.constant 0 : i32
      %dma_start3A_39 = tpu.memref_slice %arg6[%add3A_21, %dma_start3A_38] : memref<10240x128xf32, #tpu.memory_space<vmem_shared>> -> memref<128x128xf32, #tpu.memory_space<vmem_shared>>
      tpu.enqueue_dma source(%arg9 : memref<128x128xf32, #tpu.memory_space<vmem>>) target(%dma_start3A_39 : memref<128x128xf32, #tpu.memory_space<vmem_shared>>) target_semaphore(%run_scoped3A : memref<!tpu.dma_semaphore, #tpu.memory_space<semaphore_mem>>)
      %dma_wait3A = arith.constant 0 : i32
      %dma_wait3A_40 = tpu.memref_slice %arg6[%add3A_21, %dma_wait3A] : memref<10240x128xf32, #tpu.memory_space<vmem_shared>> -> memref<128x128xf32, #tpu.memory_space<vmem_shared>>
      %dma_wait3A_41 = arith.constant 0 : i32
      %dma_wait3A_42 = tpu.memref_slice %arg6[%add3A_21, %dma_wait3A_41] : memref<10240x128xf32, #tpu.memory_space<vmem_shared>> -> memref<128x128xf32, #tpu.memory_space<vmem_shared>>
      tpu.wait_dma2 semaphore(%run_scoped3A : memref<!tpu.dma_semaphore, #tpu.memory_space<semaphore_mem>>) src(%arg9 : memref<128x128xf32, #tpu.memory_space<vmem>>) dst(%dma_wait3A_42 : memref<128x128xf32, #tpu.memory_space<vmem_shared>>)
      tpu.yield
    }) : () -> ()
    %mul3A_22 = arith.constant 640 : i32
    %mul3A_23 = arith.muli %arg1, %mul3A_22 : i32
    %add3A_24 = arith.constant 512 : i32
    %add3A_25 = arith.addi %mul3A_23, %add3A_24 : i32
    "tpu.region"() ({
      %run_scoped3A = tpu.sem_alloc : memref<!tpu.dma_semaphore, #tpu.memory_space<semaphore_mem>>
      %dma_start3A = arith.constant 0 : i32
      %dma_start3A_37 = tpu.memref_slice %arg6[%add3A_25, %dma_start3A] : memref<10240x128xf32, #tpu.memory_space<vmem_shared>> -> memref<128x128xf32, #tpu.memory_space<vmem_shared>>
      %dma_start3A_38 = arith.constant 0 : i32
      %dma_start3A_39 = tpu.memref_slice %arg6[%add3A_25, %dma_start3A_38] : memref<10240x128xf32, #tpu.memory_space<vmem_shared>> -> memref<128x128xf32, #tpu.memory_space<vmem_shared>>
      tpu.enqueue_dma source(%arg9 : memref<128x128xf32, #tpu.memory_space<vmem>>) target(%dma_start3A_39 : memref<128x128xf32, #tpu.memory_space<vmem_shared>>) target_semaphore(%run_scoped3A : memref<!tpu.dma_semaphore, #tpu.memory_space<semaphore_mem>>)
      %dma_wait3A = arith.constant 0 : i32
      %dma_wait3A_40 = tpu.memref_slice %arg6[%add3A_25, %dma_wait3A] : memref<10240x128xf32, #tpu.memory_space<vmem_shared>> -> memref<128x128xf32, #tpu.memory_space<vmem_shared>>
      %dma_wait3A_41 = arith.constant 0 : i32
      %dma_wait3A_42 = tpu.memref_slice %arg6[%add3A_25, %dma_wait3A_41] : memref<10240x128xf32, #tpu.memory_space<vmem_shared>> -> memref<128x128xf32, #tpu.memory_space<vmem_shared>>
      tpu.wait_dma2 semaphore(%run_scoped3A : memref<!tpu.dma_semaphore, #tpu.memory_space<semaphore_mem>>) src(%arg9 : memref<128x128xf32, #tpu.memory_space<vmem>>) dst(%dma_wait3A_42 : memref<128x128xf32, #tpu.memory_space<vmem_shared>>)
      tpu.yield
    }) : () -> ()
    %barrier3A = arith.constant 0 : index
    tpu.barrier barrier_id(%barrier3A)
    %scan3A_26 = arith.constant 0 : i32
    %scan3A_27 = arith.constant 0 : i32
    %scan3A_28 = arith.constant 5 : i32
    %scan3A_29 = arith.addi %scan3A_27, %scan3A_28 : i32
    %scan3A_30 = arith.constant 1 : i32
    scf.for %scan3A_37 = %scan3A_27 to %scan3A_29 step %scan3A_30  : i32 {
      %mul3A_38 = arith.constant 16 : i32
      %mul3A_39 = arith.muli %scan3A_37, %mul3A_38 : i32
      "tpu.region"() ({
        %run_scoped3A = tpu.sem_alloc : memref<!tpu.dma_semaphore, #tpu.memory_space<semaphore_mem>>
        %dma_start3A_60 = arith.constant 0 : i32
        %dma_start3A_61 = tpu.memref_slice %arg3[%add3A, %mul3A_39, %dma_start3A_60] : memref<32x80x128xi32, #tpu.memory_space<hbm>> -> memref<1x16x128xi32, #tpu.memory_space<hbm>>
        %dma_start3A_62 = tpu.memref_squeeze %dma_start3A_61 : memref<1x16x128xi32, #tpu.memory_space<hbm>> -> memref<16x128xi32, #tpu.memory_space<hbm>>
        %dma_start3A_63 = arith.constant 0 : i32
        %dma_start3A_64 = tpu.memref_slice %arg3[%add3A, %mul3A_39, %dma_start3A_63] : memref<32x80x128xi32, #tpu.memory_space<hbm>> -> memref<1x16x128xi32, #tpu.memory_space<hbm>>
        %dma_start3A_65 = tpu.memref_squeeze %dma_start3A_64 : memref<1x16x128xi32, #tpu.memory_space<hbm>> -> memref<16x128xi32, #tpu.memory_space<hbm>>
        tpu.enqueue_dma source(%dma_start3A_65 : memref<16x128xi32, #tpu.memory_space<hbm>>) target(%arg7 : memref<16x128xi32, #tpu.memory_space<vmem>>) target_semaphore(%run_scoped3A : memref<!tpu.dma_semaphore, #tpu.memory_space<semaphore_mem>>)
        %dma_wait3A_66 = arith.constant 0 : i32
        %dma_wait3A_67 = tpu.memref_slice %arg3[%add3A, %mul3A_39, %dma_wait3A_66] : memref<32x80x128xi32, #tpu.memory_space<hbm>> -> memref<1x16x128xi32, #tpu.memory_space<hbm>>
        %dma_wait3A_68 = tpu.memref_squeeze %dma_wait3A_67 : memref<1x16x128xi32, #tpu.memory_space<hbm>> -> memref<16x128xi32, #tpu.memory_space<hbm>>
        %dma_wait3A_69 = arith.constant 0 : i32
        %dma_wait3A_70 = tpu.memref_slice %arg3[%add3A, %mul3A_39, %dma_wait3A_69] : memref<32x80x128xi32, #tpu.memory_space<hbm>> -> memref<1x16x128xi32, #tpu.memory_space<hbm>>
        %dma_wait3A_71 = tpu.memref_squeeze %dma_wait3A_70 : memref<1x16x128xi32, #tpu.memory_space<hbm>> -> memref<16x128xi32, #tpu.memory_space<hbm>>
        tpu.wait_dma2 semaphore(%run_scoped3A : memref<!tpu.dma_semaphore, #tpu.memory_space<semaphore_mem>>) src(%dma_wait3A_71 : memref<16x128xi32, #tpu.memory_space<hbm>>) dst(%arg7 : memref<16x128xi32, #tpu.memory_space<vmem>>)
        tpu.yield
      }) : () -> ()
      %mul3A_40 = arith.constant 16 : i32
      %mul3A_41 = arith.muli %scan3A_37, %mul3A_40 : i32
      "tpu.region"() ({
        %run_scoped3A = tpu.sem_alloc : memref<!tpu.dma_semaphore, #tpu.memory_space<semaphore_mem>>
        %dma_start3A_60 = arith.constant 0 : i32
        %dma_start3A_61 = tpu.memref_slice %arg4[%add3A, %mul3A_41, %dma_start3A_60] : memref<32x80x128xi32, #tpu.memory_space<hbm>> -> memref<1x16x128xi32, #tpu.memory_space<hbm>>
        %dma_start3A_62 = tpu.memref_squeeze %dma_start3A_61 : memref<1x16x128xi32, #tpu.memory_space<hbm>> -> memref<16x128xi32, #tpu.memory_space<hbm>>
        %dma_start3A_63 = arith.constant 0 : i32
        %dma_start3A_64 = tpu.memref_slice %arg4[%add3A, %mul3A_41, %dma_start3A_63] : memref<32x80x128xi32, #tpu.memory_space<hbm>> -> memref<1x16x128xi32, #tpu.memory_space<hbm>>
        %dma_start3A_65 = tpu.memref_squeeze %dma_start3A_64 : memref<1x16x128xi32, #tpu.memory_space<hbm>> -> memref<16x128xi32, #tpu.memory_space<hbm>>
        tpu.enqueue_dma source(%dma_start3A_65 : memref<16x128xi32, #tpu.memory_space<hbm>>) target(%arg8 : memref<16x128xi32, #tpu.memory_space<vmem>>) target_semaphore(%run_scoped3A : memref<!tpu.dma_semaphore, #tpu.memory_space<semaphore_mem>>)
        %dma_wait3A_66 = arith.constant 0 : i32
        %dma_wait3A_67 = tpu.memref_slice %arg4[%add3A, %mul3A_41, %dma_wait3A_66] : memref<32x80x128xi32, #tpu.memory_space<hbm>> -> memref<1x16x128xi32, #tpu.memory_space<hbm>>
        %dma_wait3A_68 = tpu.memref_squeeze %dma_wait3A_67 : memref<1x16x128xi32, #tpu.memory_space<hbm>> -> memref<16x128xi32, #tpu.memory_space<hbm>>
        %dma_wait3A_69 = arith.constant 0 : i32
        %dma_wait3A_70 = tpu.memref_slice %arg4[%add3A, %mul3A_41, %dma_wait3A_69] : memref<32x80x128xi32, #tpu.memory_space<hbm>> -> memref<1x16x128xi32, #tpu.memory_space<hbm>>
        %dma_wait3A_71 = tpu.memref_squeeze %dma_wait3A_70 : memref<1x16x128xi32, #tpu.memory_space<hbm>> -> memref<16x128xi32, #tpu.memory_space<hbm>>
        tpu.wait_dma2 semaphore(%run_scoped3A : memref<!tpu.dma_semaphore, #tpu.memory_space<semaphore_mem>>) src(%dma_wait3A_71 : memref<16x128xi32, #tpu.memory_space<hbm>>) dst(%arg8 : memref<16x128xi32, #tpu.memory_space<vmem>>)
        tpu.yield
      }) : () -> ()
      %dma_start3A = arith.constant 0 : i32
      %dma_start3A_42 = arith.constant 0 : i32
      %dma_start3A_43 = tpu.memref_slice %arg7[%dma_start3A, %dma_start3A_42] : memref<16x128xi32, #tpu.memory_space<vmem>> -> memref<1x128xi32, #tpu.memory_space<vmem>>
      %dma_start3A_44 = tpu.memref_squeeze %dma_start3A_43 : memref<1x128xi32, #tpu.memory_space<vmem>> -> memref<128xi32, #tpu.memory_space<vmem>>
      %dma_start3A_45 = arith.constant 0 : i32
      %dma_start3A_46 = arith.constant 0 : i32
      %dma_start3A_47 = tpu.memref_slice %arg2[%dma_start3A_45, %dma_start3A_46] : memref<50000x128xf32, #tpu.memory_space<hbm>> -> memref<50000x128xf32, #tpu.memory_space<hbm>>
      tpu.enqueue_indirect_dma source(%dma_start3A_47 : memref<50000x128xf32, #tpu.memory_space<hbm>>) target(%arg9 : memref<128x128xf32, #tpu.memory_space<vmem>>) offsets(%dma_start3A_44 : memref<128xi32, #tpu.memory_space<vmem>>) semaphore(%arg11 : memref<!tpu.dma_semaphore, #tpu.memory_space<semaphore_mem>>)
      %scan3A_48 = arith.constant 0 : i32
      %scan3A_49 = arith.constant 0 : i32
      %scan3A_50 = arith.constant 8 : i32
      %scan3A_51 = arith.addi %scan3A_49, %scan3A_50 : i32
      %scan3A_52 = arith.constant 1 : i32
      scf.for %scan3A_60 = %scan3A_49 to %scan3A_51 step %scan3A_52  : i32 {
        %mul3A_61 = arith.constant 2 : i32
        %mul3A_62 = arith.muli %mul3A_61, %scan3A_60 : i32
        %mul3A_63 = arith.constant 2 : i32
        %mul3A_64 = arith.muli %mul3A_63, %scan3A_60 : i32
        %add3A_65 = arith.constant 1 : i32
        %add3A_66 = arith.addi %mul3A_64, %add3A_65 : i32
        %dma_wait3A_67 = arith.constant 0 : i32
        %dma_wait3A_68 = tpu.memref_slice %arg7[%mul3A_62, %dma_wait3A_67] : memref<16x128xi32, #tpu.memory_space<vmem>> -> memref<1x128xi32, #tpu.memory_space<vmem>>
        %dma_wait3A_69 = tpu.memref_squeeze %dma_wait3A_68 : memref<1x128xi32, #tpu.memory_space<vmem>> -> memref<128xi32, #tpu.memory_space<vmem>>
        %dma_wait3A_70 = arith.constant 0 : i32
        %dma_wait3A_71 = arith.constant 0 : i32
        %dma_wait3A_72 = tpu.memref_slice %arg2[%dma_wait3A_70, %dma_wait3A_71] : memref<50000x128xf32, #tpu.memory_space<hbm>> -> memref<50000x128xf32, #tpu.memory_space<hbm>>
        tpu.wait_indirect_dma semaphore(%arg11 : memref<!tpu.dma_semaphore, #tpu.memory_space<semaphore_mem>>) src(%dma_wait3A_72 : memref<50000x128xf32, #tpu.memory_space<hbm>>) dst(%arg9 : memref<128x128xf32, #tpu.memory_space<vmem>>)
        %gt3A = arith.constant 0 : i32
        %gt3A_73 = arith.cmpi sgt, %scan3A_60, %gt3A : i32
        %convert_element_type3A = arith.extui %gt3A_73 : i1 to i32
        %cond3A = arith.constant 0 : i32
        %cond3A_74 = arith.cmpi ne, %convert_element_type3A, %cond3A : i32
        scf.if %cond3A_74 {
          %sub3A = arith.constant 2 : i32
          %sub3A_109 = arith.subi %add3A_66, %sub3A : i32
          %dma_wait3A_110 = arith.constant 0 : i32
          %dma_wait3A_111 = tpu.memref_slice %arg8[%sub3A_109, %dma_wait3A_110] : memref<16x128xi32, #tpu.memory_space<vmem>> -> memref<1x128xi32, #tpu.memory_space<vmem>>
          %dma_wait3A_112 = tpu.memref_squeeze %dma_wait3A_111 : memref<1x128xi32, #tpu.memory_space<vmem>> -> memref<128xi32, #tpu.memory_space<vmem>>
          %dma_wait3A_113 = arith.constant 0 : i32
          %dma_wait3A_114 = arith.constant 0 : i32
          %dma_wait3A_115 = tpu.memref_slice %arg6[%dma_wait3A_113, %dma_wait3A_114] : memref<10240x128xf32, #tpu.memory_space<vmem_shared>> -> memref<10240x128xf32, #tpu.memory_space<vmem_shared>>
          tpu.wait_indirect_dma semaphore(%arg14 : memref<!tpu.dma_semaphore, #tpu.memory_space<semaphore_mem>>) src(%arg10 : memref<128x128xf32, #tpu.memory_space<vmem>>) dst(%dma_wait3A_115 : memref<10240x128xf32, #tpu.memory_space<vmem_shared>>)
        } else {
        }
        %dma_start3A_75 = arith.constant 0 : i32
        %dma_start3A_76 = tpu.memref_slice %arg7[%add3A_66, %dma_start3A_75] : memref<16x128xi32, #tpu.memory_space<vmem>> -> memref<1x128xi32, #tpu.memory_space<vmem>>
        %dma_start3A_77 = tpu.memref_squeeze %dma_start3A_76 : memref<1x128xi32, #tpu.memory_space<vmem>> -> memref<128xi32, #tpu.memory_space<vmem>>
        %dma_start3A_78 = arith.constant 0 : i32
        %dma_start3A_79 = arith.constant 0 : i32
        %dma_start3A_80 = tpu.memref_slice %arg2[%dma_start3A_78, %dma_start3A_79] : memref<50000x128xf32, #tpu.memory_space<hbm>> -> memref<50000x128xf32, #tpu.memory_space<hbm>>
        tpu.enqueue_indirect_dma source(%dma_start3A_80 : memref<50000x128xf32, #tpu.memory_space<hbm>>) target(%arg10 : memref<128x128xf32, #tpu.memory_space<vmem>>) offsets(%dma_start3A_77 : memref<128xi32, #tpu.memory_space<vmem>>) semaphore(%arg12 : memref<!tpu.dma_semaphore, #tpu.memory_space<semaphore_mem>>)
        %dma_start3A_81 = arith.constant 0 : i32
        %dma_start3A_82 = tpu.memref_slice %arg8[%mul3A_62, %dma_start3A_81] : memref<16x128xi32, #tpu.memory_space<vmem>> -> memref<1x128xi32, #tpu.memory_space<vmem>>
        %dma_start3A_83 = tpu.memref_squeeze %dma_start3A_82 : memref<1x128xi32, #tpu.memory_space<vmem>> -> memref<128xi32, #tpu.memory_space<vmem>>
        %dma_start3A_84 = arith.constant 0 : i32
        %dma_start3A_85 = arith.constant 0 : i32
        %dma_start3A_86 = tpu.memref_slice %arg6[%dma_start3A_84, %dma_start3A_85] : memref<10240x128xf32, #tpu.memory_space<vmem_shared>> -> memref<10240x128xf32, #tpu.memory_space<vmem_shared>>
        tpu.enqueue_indirect_dma source(%arg9 : memref<128x128xf32, #tpu.memory_space<vmem>>) target(%dma_start3A_86 : memref<10240x128xf32, #tpu.memory_space<vmem_shared>>) offsets(%dma_start3A_83 : memref<128xi32, #tpu.memory_space<vmem>>) semaphore(%arg13 : memref<!tpu.dma_semaphore, #tpu.memory_space<semaphore_mem>>) {add = true}
        %dma_wait3A_87 = arith.constant 0 : i32
        %dma_wait3A_88 = tpu.memref_slice %arg7[%add3A_66, %dma_wait3A_87] : memref<16x128xi32, #tpu.memory_space<vmem>> -> memref<1x128xi32, #tpu.memory_space<vmem>>
        %dma_wait3A_89 = tpu.memref_squeeze %dma_wait3A_88 : memref<1x128xi32, #tpu.memory_space<vmem>> -> memref<128xi32, #tpu.memory_space<vmem>>
        %dma_wait3A_90 = arith.constant 0 : i32
        %dma_wait3A_91 = arith.constant 0 : i32
        %dma_wait3A_92 = tpu.memref_slice %arg2[%dma_wait3A_90, %dma_wait3A_91] : memref<50000x128xf32, #tpu.memory_space<hbm>> -> memref<50000x128xf32, #tpu.memory_space<hbm>>
        tpu.wait_indirect_dma semaphore(%arg12 : memref<!tpu.dma_semaphore, #tpu.memory_space<semaphore_mem>>) src(%dma_wait3A_92 : memref<50000x128xf32, #tpu.memory_space<hbm>>) dst(%arg10 : memref<128x128xf32, #tpu.memory_space<vmem>>)
        %dma_wait3A_93 = arith.constant 0 : i32
        %dma_wait3A_94 = tpu.memref_slice %arg8[%mul3A_62, %dma_wait3A_93] : memref<16x128xi32, #tpu.memory_space<vmem>> -> memref<1x128xi32, #tpu.memory_space<vmem>>
        %dma_wait3A_95 = tpu.memref_squeeze %dma_wait3A_94 : memref<1x128xi32, #tpu.memory_space<vmem>> -> memref<128xi32, #tpu.memory_space<vmem>>
        %dma_wait3A_96 = arith.constant 0 : i32
        %dma_wait3A_97 = arith.constant 0 : i32
        %dma_wait3A_98 = tpu.memref_slice %arg6[%dma_wait3A_96, %dma_wait3A_97] : memref<10240x128xf32, #tpu.memory_space<vmem_shared>> -> memref<10240x128xf32, #tpu.memory_space<vmem_shared>>
        tpu.wait_indirect_dma semaphore(%arg13 : memref<!tpu.dma_semaphore, #tpu.memory_space<semaphore_mem>>) src(%arg9 : memref<128x128xf32, #tpu.memory_space<vmem>>) dst(%dma_wait3A_98 : memref<10240x128xf32, #tpu.memory_space<vmem_shared>>)
        %lt3A = arith.constant 7 : i32
        %lt3A_99 = arith.cmpi slt, %scan3A_60, %lt3A : i32
        %convert_element_type3A_100 = arith.extui %lt3A_99 : i1 to i32
        %cond3A_101 = arith.constant 0 : i32
        %cond3A_102 = arith.cmpi ne, %convert_element_type3A_100, %cond3A_101 : i32
        scf.if %cond3A_102 {
          %add3A_109 = arith.constant 2 : i32
          %add3A_110 = arith.addi %mul3A_62, %add3A_109 : i32
          %dma_start3A_111 = arith.constant 0 : i32
          %dma_start3A_112 = tpu.memref_slice %arg7[%add3A_110, %dma_start3A_111] : memref<16x128xi32, #tpu.memory_space<vmem>> -> memref<1x128xi32, #tpu.memory_space<vmem>>
          %dma_start3A_113 = tpu.memref_squeeze %dma_start3A_112 : memref<1x128xi32, #tpu.memory_space<vmem>> -> memref<128xi32, #tpu.memory_space<vmem>>
          %dma_start3A_114 = arith.constant 0 : i32
          %dma_start3A_115 = arith.constant 0 : i32
          %dma_start3A_116 = tpu.memref_slice %arg2[%dma_start3A_114, %dma_start3A_115] : memref<50000x128xf32, #tpu.memory_space<hbm>> -> memref<50000x128xf32, #tpu.memory_space<hbm>>
          tpu.enqueue_indirect_dma source(%dma_start3A_116 : memref<50000x128xf32, #tpu.memory_space<hbm>>) target(%arg9 : memref<128x128xf32, #tpu.memory_space<vmem>>) offsets(%dma_start3A_113 : memref<128xi32, #tpu.memory_space<vmem>>) semaphore(%arg11 : memref<!tpu.dma_semaphore, #tpu.memory_space<semaphore_mem>>)
        } else {
        }
        %dma_start3A_103 = arith.constant 0 : i32
        %dma_start3A_104 = tpu.memref_slice %arg8[%add3A_66, %dma_start3A_103] : memref<16x128xi32, #tpu.memory_space<vmem>> -> memref<1x128xi32, #tpu.memory_space<vmem>>
        %dma_start3A_105 = tpu.memref_squeeze %dma_start3A_104 : memref<1x128xi32, #tpu.memory_space<vmem>> -> memref<128xi32, #tpu.memory_space<vmem>>
        %dma_start3A_106 = arith.constant 0 : i32
        %dma_start3A_107 = arith.constant 0 : i32
        %dma_start3A_108 = tpu.memref_slice %arg6[%dma_start3A_106, %dma_start3A_107] : memref<10240x128xf32, #tpu.memory_space<vmem_shared>> -> memref<10240x128xf32, #tpu.memory_space<vmem_shared>>
        tpu.enqueue_indirect_dma source(%arg10 : memref<128x128xf32, #tpu.memory_space<vmem>>) target(%dma_start3A_108 : memref<10240x128xf32, #tpu.memory_space<vmem_shared>>) offsets(%dma_start3A_105 : memref<128xi32, #tpu.memory_space<vmem>>) semaphore(%arg14 : memref<!tpu.dma_semaphore, #tpu.memory_space<semaphore_mem>>) {add = true}
      }
      %scan3A_53 = arith.constant 8 : i32
      %dma_wait3A = arith.constant 15 : i32
      %dma_wait3A_54 = arith.constant 0 : i32
      %dma_wait3A_55 = tpu.memref_slice %arg8[%dma_wait3A, %dma_wait3A_54] : memref<16x128xi32, #tpu.memory_space<vmem>> -> memref<1x128xi32, #tpu.memory_space<vmem>>
      %dma_wait3A_56 = tpu.memref_squeeze %dma_wait3A_55 : memref<1x128xi32, #tpu.memory_space<vmem>> -> memref<128xi32, #tpu.memory_space<vmem>>
      %dma_wait3A_57 = arith.constant 0 : i32
      %dma_wait3A_58 = arith.constant 0 : i32
      %dma_wait3A_59 = tpu.memref_slice %arg6[%dma_wait3A_57, %dma_wait3A_58] : memref<10240x128xf32, #tpu.memory_space<vmem_shared>> -> memref<10240x128xf32, #tpu.memory_space<vmem_shared>>
      tpu.wait_indirect_dma semaphore(%arg14 : memref<!tpu.dma_semaphore, #tpu.memory_space<semaphore_mem>>) src(%arg10 : memref<128x128xf32, #tpu.memory_space<vmem>>) dst(%dma_wait3A_59 : memref<10240x128xf32, #tpu.memory_space<vmem_shared>>)
    }
    %scan3A_31 = arith.constant 5 : i32
    %barrier3A_32 = arith.constant 0 : index
    tpu.barrier barrier_id(%barrier3A_32)
    %mul3A_33 = arith.constant 640 : i32
    %mul3A_34 = arith.muli %arg1, %mul3A_33 : i32
    %mul3A_35 = arith.constant 640 : i32
    %mul3A_36 = arith.muli %arg1, %mul3A_35 : i32
    "tpu.region"() ({
      %run_scoped3A = tpu.sem_alloc : memref<!tpu.dma_semaphore, #tpu.memory_space<semaphore_mem>>
      %dma_start3A = arith.constant 0 : i32
      %dma_start3A_37 = tpu.memref_slice %arg5[%arg0, %mul3A_36, %dma_start3A] : memref<2x10240x128xf32, #tpu.memory_space<hbm>> -> memref<1x640x128xf32, #tpu.memory_space<hbm>>
      %dma_start3A_38 = tpu.memref_squeeze %dma_start3A_37 : memref<1x640x128xf32, #tpu.memory_space<hbm>> -> memref<640x128xf32, #tpu.memory_space<hbm>>
      %dma_start3A_39 = arith.constant 0 : i32
      %dma_start3A_40 = tpu.memref_slice %arg6[%mul3A_34, %dma_start3A_39] : memref<10240x128xf32, #tpu.memory_space<vmem_shared>> -> memref<640x128xf32, #tpu.memory_space<vmem_shared>>
      tpu.enqueue_dma source(%dma_start3A_40 : memref<640x128xf32, #tpu.memory_space<vmem_shared>>) target(%dma_start3A_38 : memref<640x128xf32, #tpu.memory_space<hbm>>) target_semaphore(%run_scoped3A : memref<!tpu.dma_semaphore, #tpu.memory_space<semaphore_mem>>)
      %dma_wait3A = arith.constant 0 : i32
      %dma_wait3A_41 = tpu.memref_slice %arg5[%arg0, %mul3A_36, %dma_wait3A] : memref<2x10240x128xf32, #tpu.memory_space<hbm>> -> memref<1x640x128xf32, #tpu.memory_space<hbm>>
      %dma_wait3A_42 = tpu.memref_squeeze %dma_wait3A_41 : memref<1x640x128xf32, #tpu.memory_space<hbm>> -> memref<640x128xf32, #tpu.memory_space<hbm>>
      %dma_wait3A_43 = arith.constant 0 : i32
      %dma_wait3A_44 = tpu.memref_slice %arg6[%mul3A_34, %dma_wait3A_43] : memref<10240x128xf32, #tpu.memory_space<vmem_shared>> -> memref<640x128xf32, #tpu.memory_space<vmem_shared>>
      tpu.wait_dma2 semaphore(%run_scoped3A : memref<!tpu.dma_semaphore, #tpu.memory_space<semaphore_mem>>) src(%dma_wait3A_44 : memref<640x128xf32, #tpu.memory_space<vmem_shared>>) dst(%dma_wait3A_42 : memref<640x128xf32, #tpu.memory_space<hbm>>)
      tpu.yield
    }) : () -> ()
    return
  }
}

#map = affine_map<(d0, d1) -> (0, 0)>
#map1 = affine_map<(d0, d1) -> (0, 0, 0)>
module attributes {stable_mosaic.version = 14 : i64} {
  func.func @_sc_aggr_body(%arg0: i32, %arg1: i32, %arg2: memref<50000x128xf32, #tpu.memory_space<hbm>>, %arg3: memref<32x80x128xi32, #tpu.memory_space<hbm>>, %arg4: memref<32x80x128xi32, #tpu.memory_space<hbm>>, %arg5: memref<2x10240x128xf32, #tpu.memory_space<hbm>>, %arg6: memref<10240x128xf32, #tpu.memory_space<vmem_shared>>, %arg7: memref<16x128xi32, #tpu.memory_space<vmem>>, %arg8: memref<16x128xi32, #tpu.memory_space<vmem>>, %arg9: memref<128x128xf32, #tpu.memory_space<vmem>>, %arg10: memref<128x128xf32, #tpu.memory_space<vmem>>, %arg11: memref<!tpu.dma_semaphore, #tpu.memory_space<semaphore_mem>>, %arg12: memref<!tpu.dma_semaphore, #tpu.memory_space<semaphore_mem>>, %arg13: memref<!tpu.dma_semaphore, #tpu.memory_space<semaphore_mem>>, %arg14: memref<!tpu.dma_semaphore, #tpu.memory_space<semaphore_mem>>) attributes {dimension_semantics = [#tpu.dimension_semantics<core_parallel>, #tpu.dimension_semantics<subcore_parallel>], iteration_bounds = array<i64: 2, 16>, scalar_prefetch = 0 : i64, scratch_operands = 9 : i64, tpu.core_type = #tpu.core_type<sc_vector_subcore>, window_params = [{transform_indices = #map}, {transform_indices = #map1}, {transform_indices = #map1}, {transform_indices = #map1}]} {
    %mul3A = arith.constant 16 : i32
    %mul3A_0 = arith.muli %arg0, %mul3A : i32
    %add3A = arith.addi %mul3A_0, %arg1 : i32
    %scan3A = arith.constant 0 : i32
    %scan3A_1 = arith.constant 0 : i32
    %scan3A_2 = arith.constant 128 : i32
    %scan3A_3 = arith.addi %scan3A_1, %scan3A_2 : i32
    %scan3A_4 = arith.constant 1 : i32
    scf.for %scan3A_37 = %scan3A_1 to %scan3A_3 step %scan3A_4  : i32 {
      %broadcast_in_dim3A = arith.constant 0.000000e+00 : f32
      %broadcast_in_dim3A_38 = vector.broadcast %broadcast_in_dim3A : f32 to vector<16xf32>
      %swap3A = arith.index_cast %scan3A_37 : i32 to index
      %swap3A_39 = arith.constant 0 : index
      %swap3A_40 = tpu.vector_load %arg9[%swap3A, %swap3A_39] {strides = array<i32>} : memref<128x128xf32, #tpu.memory_space<vmem>>, vector<1x16xf32>,
      %swap3A_41 = vector.shape_cast %swap3A_40 : vector<1x16xf32> to vector<16xf32>
      %swap3A_42 = vector.shape_cast %broadcast_in_dim3A_38 : vector<16xf32> to vector<1x16xf32>
      tpu.vector_store %arg9[%swap3A, %swap3A_39], %swap3A_42 {strides = array<i32>} : memref<128x128xf32, #tpu.memory_space<vmem>>, vector<1x16xf32>,
      %broadcast_in_dim3A_43 = arith.constant 0.000000e+00 : f32
      %broadcast_in_dim3A_44 = vector.broadcast %broadcast_in_dim3A_43 : f32 to vector<16xf32>
      %swap3A_45 = arith.index_cast %scan3A_37 : i32 to index
      %swap3A_46 = arith.constant 16 : index
      %swap3A_47 = tpu.vector_load %arg9[%swap3A_45, %swap3A_46] {strides = array<i32>} : memref<128x128xf32, #tpu.memory_space<vmem>>, vector<1x16xf32>,
      %swap3A_48 = vector.shape_cast %swap3A_47 : vector<1x16xf32> to vector<16xf32>
      %swap3A_49 = vector.shape_cast %broadcast_in_dim3A_44 : vector<16xf32> to vector<1x16xf32>
      tpu.vector_store %arg9[%swap3A_45, %swap3A_46], %swap3A_49 {strides = array<i32>} : memref<128x128xf32, #tpu.memory_space<vmem>>, vector<1x16xf32>,
      %broadcast_in_dim3A_50 = arith.constant 0.000000e+00 : f32
      %broadcast_in_dim3A_51 = vector.broadcast %broadcast_in_dim3A_50 : f32 to vector<16xf32>
      %swap3A_52 = arith.index_cast %scan3A_37 : i32 to index
      %swap3A_53 = arith.constant 32 : index
      %swap3A_54 = tpu.vector_load %arg9[%swap3A_52, %swap3A_53] {strides = array<i32>} : memref<128x128xf32, #tpu.memory_space<vmem>>, vector<1x16xf32>,
      %swap3A_55 = vector.shape_cast %swap3A_54 : vector<1x16xf32> to vector<16xf32>
      %swap3A_56 = vector.shape_cast %broadcast_in_dim3A_51 : vector<16xf32> to vector<1x16xf32>
      tpu.vector_store %arg9[%swap3A_52, %swap3A_53], %swap3A_56 {strides = array<i32>} : memref<128x128xf32, #tpu.memory_space<vmem>>, vector<1x16xf32>,
      %broadcast_in_dim3A_57 = arith.constant 0.000000e+00 : f32
      %broadcast_in_dim3A_58 = vector.broadcast %broadcast_in_dim3A_57 : f32 to vector<16xf32>
      %swap3A_59 = arith.index_cast %scan3A_37 : i32 to index
      %swap3A_60 = arith.constant 48 : index
      %swap3A_61 = tpu.vector_load %arg9[%swap3A_59, %swap3A_60] {strides = array<i32>} : memref<128x128xf32, #tpu.memory_space<vmem>>, vector<1x16xf32>,
      %swap3A_62 = vector.shape_cast %swap3A_61 : vector<1x16xf32> to vector<16xf32>
      %swap3A_63 = vector.shape_cast %broadcast_in_dim3A_58 : vector<16xf32> to vector<1x16xf32>
      tpu.vector_store %arg9[%swap3A_59, %swap3A_60], %swap3A_63 {strides = array<i32>} : memref<128x128xf32, #tpu.memory_space<vmem>>, vector<1x16xf32>,
      %broadcast_in_dim3A_64 = arith.constant 0.000000e+00 : f32
      %broadcast_in_dim3A_65 = vector.broadcast %broadcast_in_dim3A_64 : f32 to vector<16xf32>
      %swap3A_66 = arith.index_cast %scan3A_37 : i32 to index
      %swap3A_67 = arith.constant 64 : index
      %swap3A_68 = tpu.vector_load %arg9[%swap3A_66, %swap3A_67] {strides = array<i32>} : memref<128x128xf32, #tpu.memory_space<vmem>>, vector<1x16xf32>,
      %swap3A_69 = vector.shape_cast %swap3A_68 : vector<1x16xf32> to vector<16xf32>
      %swap3A_70 = vector.shape_cast %broadcast_in_dim3A_65 : vector<16xf32> to vector<1x16xf32>
      tpu.vector_store %arg9[%swap3A_66, %swap3A_67], %swap3A_70 {strides = array<i32>} : memref<128x128xf32, #tpu.memory_space<vmem>>, vector<1x16xf32>,
      %broadcast_in_dim3A_71 = arith.constant 0.000000e+00 : f32
      %broadcast_in_dim3A_72 = vector.broadcast %broadcast_in_dim3A_71 : f32 to vector<16xf32>
      %swap3A_73 = arith.index_cast %scan3A_37 : i32 to index
      %swap3A_74 = arith.constant 80 : index
      %swap3A_75 = tpu.vector_load %arg9[%swap3A_73, %swap3A_74] {strides = array<i32>} : memref<128x128xf32, #tpu.memory_space<vmem>>, vector<1x16xf32>,
      %swap3A_76 = vector.shape_cast %swap3A_75 : vector<1x16xf32> to vector<16xf32>
      %swap3A_77 = vector.shape_cast %broadcast_in_dim3A_72 : vector<16xf32> to vector<1x16xf32>
      tpu.vector_store %arg9[%swap3A_73, %swap3A_74], %swap3A_77 {strides = array<i32>} : memref<128x128xf32, #tpu.memory_space<vmem>>, vector<1x16xf32>,
      %broadcast_in_dim3A_78 = arith.constant 0.000000e+00 : f32
      %broadcast_in_dim3A_79 = vector.broadcast %broadcast_in_dim3A_78 : f32 to vector<16xf32>
      %swap3A_80 = arith.index_cast %scan3A_37 : i32 to index
      %swap3A_81 = arith.constant 96 : index
      %swap3A_82 = tpu.vector_load %arg9[%swap3A_80, %swap3A_81] {strides = array<i32>} : memref<128x128xf32, #tpu.memory_space<vmem>>, vector<1x16xf32>,
      %swap3A_83 = vector.shape_cast %swap3A_82 : vector<1x16xf32> to vector<16xf32>
      %swap3A_84 = vector.shape_cast %broadcast_in_dim3A_79 : vector<16xf32> to vector<1x16xf32>
      tpu.vector_store %arg9[%swap3A_80, %swap3A_81], %swap3A_84 {strides = array<i32>} : memref<128x128xf32, #tpu.memory_space<vmem>>, vector<1x16xf32>,
      %broadcast_in_dim3A_85 = arith.constant 0.000000e+00 : f32
      %broadcast_in_dim3A_86 = vector.broadcast %broadcast_in_dim3A_85 : f32 to vector<16xf32>
      %swap3A_87 = arith.index_cast %scan3A_37 : i32 to index
      %swap3A_88 = arith.constant 112 : index
      %swap3A_89 = tpu.vector_load %arg9[%swap3A_87, %swap3A_88] {strides = array<i32>} : memref<128x128xf32, #tpu.memory_space<vmem>>, vector<1x16xf32>,
      %swap3A_90 = vector.shape_cast %swap3A_89 : vector<1x16xf32> to vector<16xf32>
      %swap3A_91 = vector.shape_cast %broadcast_in_dim3A_86 : vector<16xf32> to vector<1x16xf32>
      tpu.vector_store %arg9[%swap3A_87, %swap3A_88], %swap3A_91 {strides = array<i32>} : memref<128x128xf32, #tpu.memory_space<vmem>>, vector<1x16xf32>,
    }
    %scan3A_5 = arith.constant 128 : i32
    %mul3A_6 = arith.constant 640 : i32
    %mul3A_7 = arith.muli %arg1, %mul3A_6 : i32
    %add3A_8 = arith.constant 0 : i32
    %add3A_9 = arith.addi %mul3A_7, %add3A_8 : i32
    "tpu.region"() ({
      %run_scoped3A = tpu.sem_alloc : memref<!tpu.dma_semaphore, #tpu.memory_space<semaphore_mem>>
      %dma_start3A = arith.constant 0 : i32
      %dma_start3A_37 = tpu.memref_slice %arg6[%add3A_9, %dma_start3A] : memref<10240x128xf32, #tpu.memory_space<vmem_shared>> -> memref<128x128xf32, #tpu.memory_space<vmem_shared>>
      %dma_start3A_38 = arith.constant 0 : i32
      %dma_start3A_39 = tpu.memref_slice %arg6[%add3A_9, %dma_start3A_38] : memref<10240x128xf32, #tpu.memory_space<vmem_shared>> -> memref<128x128xf32, #tpu.memory_space<vmem_shared>>
      tpu.enqueue_dma source(%arg9 : memref<128x128xf32, #tpu.memory_space<vmem>>) target(%dma_start3A_39 : memref<128x128xf32, #tpu.memory_space<vmem_shared>>) target_semaphore(%run_scoped3A : memref<!tpu.dma_semaphore, #tpu.memory_space<semaphore_mem>>)
      %dma_wait3A = arith.constant 0 : i32
      %dma_wait3A_40 = tpu.memref_slice %arg6[%add3A_9, %dma_wait3A] : memref<10240x128xf32, #tpu.memory_space<vmem_shared>> -> memref<128x128xf32, #tpu.memory_space<vmem_shared>>
      %dma_wait3A_41 = arith.constant 0 : i32
      %dma_wait3A_42 = tpu.memref_slice %arg6[%add3A_9, %dma_wait3A_41] : memref<10240x128xf32, #tpu.memory_space<vmem_shared>> -> memref<128x128xf32, #tpu.memory_space<vmem_shared>>
      tpu.wait_dma2 semaphore(%run_scoped3A : memref<!tpu.dma_semaphore, #tpu.memory_space<semaphore_mem>>) src(%arg9 : memref<128x128xf32, #tpu.memory_space<vmem>>) dst(%dma_wait3A_42 : memref<128x128xf32, #tpu.memory_space<vmem_shared>>)
      tpu.yield
    }) : () -> ()
    %mul3A_10 = arith.constant 640 : i32
    %mul3A_11 = arith.muli %arg1, %mul3A_10 : i32
    %add3A_12 = arith.constant 128 : i32
    %add3A_13 = arith.addi %mul3A_11, %add3A_12 : i32
    "tpu.region"() ({
      %run_scoped3A = tpu.sem_alloc : memref<!tpu.dma_semaphore, #tpu.memory_space<semaphore_mem>>
      %dma_start3A = arith.constant 0 : i32
      %dma_start3A_37 = tpu.memref_slice %arg6[%add3A_13, %dma_start3A] : memref<10240x128xf32, #tpu.memory_space<vmem_shared>> -> memref<128x128xf32, #tpu.memory_space<vmem_shared>>
      %dma_start3A_38 = arith.constant 0 : i32
      %dma_start3A_39 = tpu.memref_slice %arg6[%add3A_13, %dma_start3A_38] : memref<10240x128xf32, #tpu.memory_space<vmem_shared>> -> memref<128x128xf32, #tpu.memory_space<vmem_shared>>
      tpu.enqueue_dma source(%arg9 : memref<128x128xf32, #tpu.memory_space<vmem>>) target(%dma_start3A_39 : memref<128x128xf32, #tpu.memory_space<vmem_shared>>) target_semaphore(%run_scoped3A : memref<!tpu.dma_semaphore, #tpu.memory_space<semaphore_mem>>)
      %dma_wait3A = arith.constant 0 : i32
      %dma_wait3A_40 = tpu.memref_slice %arg6[%add3A_13, %dma_wait3A] : memref<10240x128xf32, #tpu.memory_space<vmem_shared>> -> memref<128x128xf32, #tpu.memory_space<vmem_shared>>
      %dma_wait3A_41 = arith.constant 0 : i32
      %dma_wait3A_42 = tpu.memref_slice %arg6[%add3A_13, %dma_wait3A_41] : memref<10240x128xf32, #tpu.memory_space<vmem_shared>> -> memref<128x128xf32, #tpu.memory_space<vmem_shared>>
      tpu.wait_dma2 semaphore(%run_scoped3A : memref<!tpu.dma_semaphore, #tpu.memory_space<semaphore_mem>>) src(%arg9 : memref<128x128xf32, #tpu.memory_space<vmem>>) dst(%dma_wait3A_42 : memref<128x128xf32, #tpu.memory_space<vmem_shared>>)
      tpu.yield
    }) : () -> ()
    %mul3A_14 = arith.constant 640 : i32
    %mul3A_15 = arith.muli %arg1, %mul3A_14 : i32
    %add3A_16 = arith.constant 256 : i32
    %add3A_17 = arith.addi %mul3A_15, %add3A_16 : i32
    "tpu.region"() ({
      %run_scoped3A = tpu.sem_alloc : memref<!tpu.dma_semaphore, #tpu.memory_space<semaphore_mem>>
      %dma_start3A = arith.constant 0 : i32
      %dma_start3A_37 = tpu.memref_slice %arg6[%add3A_17, %dma_start3A] : memref<10240x128xf32, #tpu.memory_space<vmem_shared>> -> memref<128x128xf32, #tpu.memory_space<vmem_shared>>
      %dma_start3A_38 = arith.constant 0 : i32
      %dma_start3A_39 = tpu.memref_slice %arg6[%add3A_17, %dma_start3A_38] : memref<10240x128xf32, #tpu.memory_space<vmem_shared>> -> memref<128x128xf32, #tpu.memory_space<vmem_shared>>
      tpu.enqueue_dma source(%arg9 : memref<128x128xf32, #tpu.memory_space<vmem>>) target(%dma_start3A_39 : memref<128x128xf32, #tpu.memory_space<vmem_shared>>) target_semaphore(%run_scoped3A : memref<!tpu.dma_semaphore, #tpu.memory_space<semaphore_mem>>)
      %dma_wait3A = arith.constant 0 : i32
      %dma_wait3A_40 = tpu.memref_slice %arg6[%add3A_17, %dma_wait3A] : memref<10240x128xf32, #tpu.memory_space<vmem_shared>> -> memref<128x128xf32, #tpu.memory_space<vmem_shared>>
      %dma_wait3A_41 = arith.constant 0 : i32
      %dma_wait3A_42 = tpu.memref_slice %arg6[%add3A_17, %dma_wait3A_41] : memref<10240x128xf32, #tpu.memory_space<vmem_shared>> -> memref<128x128xf32, #tpu.memory_space<vmem_shared>>
      tpu.wait_dma2 semaphore(%run_scoped3A : memref<!tpu.dma_semaphore, #tpu.memory_space<semaphore_mem>>) src(%arg9 : memref<128x128xf32, #tpu.memory_space<vmem>>) dst(%dma_wait3A_42 : memref<128x128xf32, #tpu.memory_space<vmem_shared>>)
      tpu.yield
    }) : () -> ()
    %mul3A_18 = arith.constant 640 : i32
    %mul3A_19 = arith.muli %arg1, %mul3A_18 : i32
    %add3A_20 = arith.constant 384 : i32
    %add3A_21 = arith.addi %mul3A_19, %add3A_20 : i32
    "tpu.region"() ({
      %run_scoped3A = tpu.sem_alloc : memref<!tpu.dma_semaphore, #tpu.memory_space<semaphore_mem>>
      %dma_start3A = arith.constant 0 : i32
      %dma_start3A_37 = tpu.memref_slice %arg6[%add3A_21, %dma_start3A] : memref<10240x128xf32, #tpu.memory_space<vmem_shared>> -> memref<128x128xf32, #tpu.memory_space<vmem_shared>>
      %dma_start3A_38 = arith.constant 0 : i32
      %dma_start3A_39 = tpu.memref_slice %arg6[%add3A_21, %dma_start3A_38] : memref<10240x128xf32, #tpu.memory_space<vmem_shared>> -> memref<128x128xf32, #tpu.memory_space<vmem_shared>>
      tpu.enqueue_dma source(%arg9 : memref<128x128xf32, #tpu.memory_space<vmem>>) target(%dma_start3A_39 : memref<128x128xf32, #tpu.memory_space<vmem_shared>>) target_semaphore(%run_scoped3A : memref<!tpu.dma_semaphore, #tpu.memory_space<semaphore_mem>>)
      %dma_wait3A = arith.constant 0 : i32
      %dma_wait3A_40 = tpu.memref_slice %arg6[%add3A_21, %dma_wait3A] : memref<10240x128xf32, #tpu.memory_space<vmem_shared>> -> memref<128x128xf32, #tpu.memory_space<vmem_shared>>
      %dma_wait3A_41 = arith.constant 0 : i32
      %dma_wait3A_42 = tpu.memref_slice %arg6[%add3A_21, %dma_wait3A_41] : memref<10240x128xf32, #tpu.memory_space<vmem_shared>> -> memref<128x128xf32, #tpu.memory_space<vmem_shared>>
      tpu.wait_dma2 semaphore(%run_scoped3A : memref<!tpu.dma_semaphore, #tpu.memory_space<semaphore_mem>>) src(%arg9 : memref<128x128xf32, #tpu.memory_space<vmem>>) dst(%dma_wait3A_42 : memref<128x128xf32, #tpu.memory_space<vmem_shared>>)
      tpu.yield
    }) : () -> ()
    %mul3A_22 = arith.constant 640 : i32
    %mul3A_23 = arith.muli %arg1, %mul3A_22 : i32
    %add3A_24 = arith.constant 512 : i32
    %add3A_25 = arith.addi %mul3A_23, %add3A_24 : i32
    "tpu.region"() ({
      %run_scoped3A = tpu.sem_alloc : memref<!tpu.dma_semaphore, #tpu.memory_space<semaphore_mem>>
      %dma_start3A = arith.constant 0 : i32
      %dma_start3A_37 = tpu.memref_slice %arg6[%add3A_25, %dma_start3A] : memref<10240x128xf32, #tpu.memory_space<vmem_shared>> -> memref<128x128xf32, #tpu.memory_space<vmem_shared>>
      %dma_start3A_38 = arith.constant 0 : i32
      %dma_start3A_39 = tpu.memref_slice %arg6[%add3A_25, %dma_start3A_38] : memref<10240x128xf32, #tpu.memory_space<vmem_shared>> -> memref<128x128xf32, #tpu.memory_space<vmem_shared>>
      tpu.enqueue_dma source(%arg9 : memref<128x128xf32, #tpu.memory_space<vmem>>) target(%dma_start3A_39 : memref<128x128xf32, #tpu.memory_space<vmem_shared>>) target_semaphore(%run_scoped3A : memref<!tpu.dma_semaphore, #tpu.memory_space<semaphore_mem>>)
      %dma_wait3A = arith.constant 0 : i32
      %dma_wait3A_40 = tpu.memref_slice %arg6[%add3A_25, %dma_wait3A] : memref<10240x128xf32, #tpu.memory_space<vmem_shared>> -> memref<128x128xf32, #tpu.memory_space<vmem_shared>>
      %dma_wait3A_41 = arith.constant 0 : i32
      %dma_wait3A_42 = tpu.memref_slice %arg6[%add3A_25, %dma_wait3A_41] : memref<10240x128xf32, #tpu.memory_space<vmem_shared>> -> memref<128x128xf32, #tpu.memory_space<vmem_shared>>
      tpu.wait_dma2 semaphore(%run_scoped3A : memref<!tpu.dma_semaphore, #tpu.memory_space<semaphore_mem>>) src(%arg9 : memref<128x128xf32, #tpu.memory_space<vmem>>) dst(%dma_wait3A_42 : memref<128x128xf32, #tpu.memory_space<vmem_shared>>)
      tpu.yield
    }) : () -> ()
    %barrier3A = arith.constant 0 : index
    tpu.barrier barrier_id(%barrier3A)
    %scan3A_26 = arith.constant 0 : i32
    %scan3A_27 = arith.constant 0 : i32
    %scan3A_28 = arith.constant 5 : i32
    %scan3A_29 = arith.addi %scan3A_27, %scan3A_28 : i32
    %scan3A_30 = arith.constant 1 : i32
    scf.for %scan3A_37 = %scan3A_27 to %scan3A_29 step %scan3A_30  : i32 {
      %mul3A_38 = arith.constant 16 : i32
      %mul3A_39 = arith.muli %scan3A_37, %mul3A_38 : i32
      "tpu.region"() ({
        %run_scoped3A = tpu.sem_alloc : memref<!tpu.dma_semaphore, #tpu.memory_space<semaphore_mem>>
        %dma_start3A_60 = arith.constant 0 : i32
        %dma_start3A_61 = tpu.memref_slice %arg3[%add3A, %mul3A_39, %dma_start3A_60] : memref<32x80x128xi32, #tpu.memory_space<hbm>> -> memref<1x16x128xi32, #tpu.memory_space<hbm>>
        %dma_start3A_62 = tpu.memref_squeeze %dma_start3A_61 : memref<1x16x128xi32, #tpu.memory_space<hbm>> -> memref<16x128xi32, #tpu.memory_space<hbm>>
        %dma_start3A_63 = arith.constant 0 : i32
        %dma_start3A_64 = tpu.memref_slice %arg3[%add3A, %mul3A_39, %dma_start3A_63] : memref<32x80x128xi32, #tpu.memory_space<hbm>> -> memref<1x16x128xi32, #tpu.memory_space<hbm>>
        %dma_start3A_65 = tpu.memref_squeeze %dma_start3A_64 : memref<1x16x128xi32, #tpu.memory_space<hbm>> -> memref<16x128xi32, #tpu.memory_space<hbm>>
        tpu.enqueue_dma source(%dma_start3A_65 : memref<16x128xi32, #tpu.memory_space<hbm>>) target(%arg7 : memref<16x128xi32, #tpu.memory_space<vmem>>) target_semaphore(%run_scoped3A : memref<!tpu.dma_semaphore, #tpu.memory_space<semaphore_mem>>)
        %dma_wait3A_66 = arith.constant 0 : i32
        %dma_wait3A_67 = tpu.memref_slice %arg3[%add3A, %mul3A_39, %dma_wait3A_66] : memref<32x80x128xi32, #tpu.memory_space<hbm>> -> memref<1x16x128xi32, #tpu.memory_space<hbm>>
        %dma_wait3A_68 = tpu.memref_squeeze %dma_wait3A_67 : memref<1x16x128xi32, #tpu.memory_space<hbm>> -> memref<16x128xi32, #tpu.memory_space<hbm>>
        %dma_wait3A_69 = arith.constant 0 : i32
        %dma_wait3A_70 = tpu.memref_slice %arg3[%add3A, %mul3A_39, %dma_wait3A_69] : memref<32x80x128xi32, #tpu.memory_space<hbm>> -> memref<1x16x128xi32, #tpu.memory_space<hbm>>
        %dma_wait3A_71 = tpu.memref_squeeze %dma_wait3A_70 : memref<1x16x128xi32, #tpu.memory_space<hbm>> -> memref<16x128xi32, #tpu.memory_space<hbm>>
        tpu.wait_dma2 semaphore(%run_scoped3A : memref<!tpu.dma_semaphore, #tpu.memory_space<semaphore_mem>>) src(%dma_wait3A_71 : memref<16x128xi32, #tpu.memory_space<hbm>>) dst(%arg7 : memref<16x128xi32, #tpu.memory_space<vmem>>)
        tpu.yield
      }) : () -> ()
      %mul3A_40 = arith.constant 16 : i32
      %mul3A_41 = arith.muli %scan3A_37, %mul3A_40 : i32
      "tpu.region"() ({
        %run_scoped3A = tpu.sem_alloc : memref<!tpu.dma_semaphore, #tpu.memory_space<semaphore_mem>>
        %dma_start3A_60 = arith.constant 0 : i32
        %dma_start3A_61 = tpu.memref_slice %arg4[%add3A, %mul3A_41, %dma_start3A_60] : memref<32x80x128xi32, #tpu.memory_space<hbm>> -> memref<1x16x128xi32, #tpu.memory_space<hbm>>
        %dma_start3A_62 = tpu.memref_squeeze %dma_start3A_61 : memref<1x16x128xi32, #tpu.memory_space<hbm>> -> memref<16x128xi32, #tpu.memory_space<hbm>>
        %dma_start3A_63 = arith.constant 0 : i32
        %dma_start3A_64 = tpu.memref_slice %arg4[%add3A, %mul3A_41, %dma_start3A_63] : memref<32x80x128xi32, #tpu.memory_space<hbm>> -> memref<1x16x128xi32, #tpu.memory_space<hbm>>
        %dma_start3A_65 = tpu.memref_squeeze %dma_start3A_64 : memref<1x16x128xi32, #tpu.memory_space<hbm>> -> memref<16x128xi32, #tpu.memory_space<hbm>>
        tpu.enqueue_dma source(%dma_start3A_65 : memref<16x128xi32, #tpu.memory_space<hbm>>) target(%arg8 : memref<16x128xi32, #tpu.memory_space<vmem>>) target_semaphore(%run_scoped3A : memref<!tpu.dma_semaphore, #tpu.memory_space<semaphore_mem>>)
        %dma_wait3A_66 = arith.constant 0 : i32
        %dma_wait3A_67 = tpu.memref_slice %arg4[%add3A, %mul3A_41, %dma_wait3A_66] : memref<32x80x128xi32, #tpu.memory_space<hbm>> -> memref<1x16x128xi32, #tpu.memory_space<hbm>>
        %dma_wait3A_68 = tpu.memref_squeeze %dma_wait3A_67 : memref<1x16x128xi32, #tpu.memory_space<hbm>> -> memref<16x128xi32, #tpu.memory_space<hbm>>
        %dma_wait3A_69 = arith.constant 0 : i32
        %dma_wait3A_70 = tpu.memref_slice %arg4[%add3A, %mul3A_41, %dma_wait3A_69] : memref<32x80x128xi32, #tpu.memory_space<hbm>> -> memref<1x16x128xi32, #tpu.memory_space<hbm>>
        %dma_wait3A_71 = tpu.memref_squeeze %dma_wait3A_70 : memref<1x16x128xi32, #tpu.memory_space<hbm>> -> memref<16x128xi32, #tpu.memory_space<hbm>>
        tpu.wait_dma2 semaphore(%run_scoped3A : memref<!tpu.dma_semaphore, #tpu.memory_space<semaphore_mem>>) src(%dma_wait3A_71 : memref<16x128xi32, #tpu.memory_space<hbm>>) dst(%arg8 : memref<16x128xi32, #tpu.memory_space<vmem>>)
        tpu.yield
      }) : () -> ()
      %dma_start3A = arith.constant 0 : i32
      %dma_start3A_42 = arith.constant 0 : i32
      %dma_start3A_43 = tpu.memref_slice %arg7[%dma_start3A, %dma_start3A_42] : memref<16x128xi32, #tpu.memory_space<vmem>> -> memref<1x128xi32, #tpu.memory_space<vmem>>
      %dma_start3A_44 = tpu.memref_squeeze %dma_start3A_43 : memref<1x128xi32, #tpu.memory_space<vmem>> -> memref<128xi32, #tpu.memory_space<vmem>>
      %dma_start3A_45 = arith.constant 0 : i32
      %dma_start3A_46 = arith.constant 0 : i32
      %dma_start3A_47 = tpu.memref_slice %arg2[%dma_start3A_45, %dma_start3A_46] : memref<50000x128xf32, #tpu.memory_space<hbm>> -> memref<50000x128xf32, #tpu.memory_space<hbm>>
      tpu.enqueue_indirect_dma source(%dma_start3A_47 : memref<50000x128xf32, #tpu.memory_space<hbm>>) target(%arg9 : memref<128x128xf32, #tpu.memory_space<vmem>>) offsets(%dma_start3A_44 : memref<128xi32, #tpu.memory_space<vmem>>) semaphore(%arg11 : memref<!tpu.dma_semaphore, #tpu.memory_space<semaphore_mem>>)
      %scan3A_48 = arith.constant 0 : i32
      %scan3A_49 = arith.constant 0 : i32
      %scan3A_50 = arith.constant 8 : i32
      %scan3A_51 = arith.addi %scan3A_49, %scan3A_50 : i32
      %scan3A_52 = arith.constant 1 : i32
      scf.for %scan3A_60 = %scan3A_49 to %scan3A_51 step %scan3A_52  : i32 {
        %mul3A_61 = arith.constant 2 : i32
        %mul3A_62 = arith.muli %mul3A_61, %scan3A_60 : i32
        %mul3A_63 = arith.constant 2 : i32
        %mul3A_64 = arith.muli %mul3A_63, %scan3A_60 : i32
        %add3A_65 = arith.constant 1 : i32
        %add3A_66 = arith.addi %mul3A_64, %add3A_65 : i32
        %dma_wait3A_67 = arith.constant 0 : i32
        %dma_wait3A_68 = tpu.memref_slice %arg7[%mul3A_62, %dma_wait3A_67] : memref<16x128xi32, #tpu.memory_space<vmem>> -> memref<1x128xi32, #tpu.memory_space<vmem>>
        %dma_wait3A_69 = tpu.memref_squeeze %dma_wait3A_68 : memref<1x128xi32, #tpu.memory_space<vmem>> -> memref<128xi32, #tpu.memory_space<vmem>>
        %dma_wait3A_70 = arith.constant 0 : i32
        %dma_wait3A_71 = arith.constant 0 : i32
        %dma_wait3A_72 = tpu.memref_slice %arg2[%dma_wait3A_70, %dma_wait3A_71] : memref<50000x128xf32, #tpu.memory_space<hbm>> -> memref<50000x128xf32, #tpu.memory_space<hbm>>
        tpu.wait_indirect_dma semaphore(%arg11 : memref<!tpu.dma_semaphore, #tpu.memory_space<semaphore_mem>>) src(%dma_wait3A_72 : memref<50000x128xf32, #tpu.memory_space<hbm>>) dst(%arg9 : memref<128x128xf32, #tpu.memory_space<vmem>>)
        %gt3A = arith.constant 0 : i32
        %gt3A_73 = arith.cmpi sgt, %scan3A_60, %gt3A : i32
        %convert_element_type3A = arith.extui %gt3A_73 : i1 to i32
        %cond3A = arith.constant 0 : i32
        %cond3A_74 = arith.cmpi ne, %convert_element_type3A, %cond3A : i32
        scf.if %cond3A_74 {
          %sub3A = arith.constant 2 : i32
          %sub3A_109 = arith.subi %add3A_66, %sub3A : i32
          %dma_wait3A_110 = arith.constant 0 : i32
          %dma_wait3A_111 = tpu.memref_slice %arg8[%sub3A_109, %dma_wait3A_110] : memref<16x128xi32, #tpu.memory_space<vmem>> -> memref<1x128xi32, #tpu.memory_space<vmem>>
          %dma_wait3A_112 = tpu.memref_squeeze %dma_wait3A_111 : memref<1x128xi32, #tpu.memory_space<vmem>> -> memref<128xi32, #tpu.memory_space<vmem>>
          %dma_wait3A_113 = arith.constant 0 : i32
          %dma_wait3A_114 = arith.constant 0 : i32
          %dma_wait3A_115 = tpu.memref_slice %arg6[%dma_wait3A_113, %dma_wait3A_114] : memref<10240x128xf32, #tpu.memory_space<vmem_shared>> -> memref<10240x128xf32, #tpu.memory_space<vmem_shared>>
          tpu.wait_indirect_dma semaphore(%arg14 : memref<!tpu.dma_semaphore, #tpu.memory_space<semaphore_mem>>) src(%arg10 : memref<128x128xf32, #tpu.memory_space<vmem>>) dst(%dma_wait3A_115 : memref<10240x128xf32, #tpu.memory_space<vmem_shared>>)
        } else {
        }
        %dma_start3A_75 = arith.constant 0 : i32
        %dma_start3A_76 = tpu.memref_slice %arg7[%add3A_66, %dma_start3A_75] : memref<16x128xi32, #tpu.memory_space<vmem>> -> memref<1x128xi32, #tpu.memory_space<vmem>>
        %dma_start3A_77 = tpu.memref_squeeze %dma_start3A_76 : memref<1x128xi32, #tpu.memory_space<vmem>> -> memref<128xi32, #tpu.memory_space<vmem>>
        %dma_start3A_78 = arith.constant 0 : i32
        %dma_start3A_79 = arith.constant 0 : i32
        %dma_start3A_80 = tpu.memref_slice %arg2[%dma_start3A_78, %dma_start3A_79] : memref<50000x128xf32, #tpu.memory_space<hbm>> -> memref<50000x128xf32, #tpu.memory_space<hbm>>
        tpu.enqueue_indirect_dma source(%dma_start3A_80 : memref<50000x128xf32, #tpu.memory_space<hbm>>) target(%arg10 : memref<128x128xf32, #tpu.memory_space<vmem>>) offsets(%dma_start3A_77 : memref<128xi32, #tpu.memory_space<vmem>>) semaphore(%arg12 : memref<!tpu.dma_semaphore, #tpu.memory_space<semaphore_mem>>)
        %dma_start3A_81 = arith.constant 0 : i32
        %dma_start3A_82 = tpu.memref_slice %arg8[%mul3A_62, %dma_start3A_81] : memref<16x128xi32, #tpu.memory_space<vmem>> -> memref<1x128xi32, #tpu.memory_space<vmem>>
        %dma_start3A_83 = tpu.memref_squeeze %dma_start3A_82 : memref<1x128xi32, #tpu.memory_space<vmem>> -> memref<128xi32, #tpu.memory_space<vmem>>
        %dma_start3A_84 = arith.constant 0 : i32
        %dma_start3A_85 = arith.constant 0 : i32
        %dma_start3A_86 = tpu.memref_slice %arg6[%dma_start3A_84, %dma_start3A_85] : memref<10240x128xf32, #tpu.memory_space<vmem_shared>> -> memref<10240x128xf32, #tpu.memory_space<vmem_shared>>
        tpu.enqueue_indirect_dma source(%arg9 : memref<128x128xf32, #tpu.memory_space<vmem>>) target(%dma_start3A_86 : memref<10240x128xf32, #tpu.memory_space<vmem_shared>>) offsets(%dma_start3A_83 : memref<128xi32, #tpu.memory_space<vmem>>) semaphore(%arg13 : memref<!tpu.dma_semaphore, #tpu.memory_space<semaphore_mem>>) {add = true}
        %dma_wait3A_87 = arith.constant 0 : i32
        %dma_wait3A_88 = tpu.memref_slice %arg7[%add3A_66, %dma_wait3A_87] : memref<16x128xi32, #tpu.memory_space<vmem>> -> memref<1x128xi32, #tpu.memory_space<vmem>>
        %dma_wait3A_89 = tpu.memref_squeeze %dma_wait3A_88 : memref<1x128xi32, #tpu.memory_space<vmem>> -> memref<128xi32, #tpu.memory_space<vmem>>
        %dma_wait3A_90 = arith.constant 0 : i32
        %dma_wait3A_91 = arith.constant 0 : i32
        %dma_wait3A_92 = tpu.memref_slice %arg2[%dma_wait3A_90, %dma_wait3A_91] : memref<50000x128xf32, #tpu.memory_space<hbm>> -> memref<50000x128xf32, #tpu.memory_space<hbm>>
        tpu.wait_indirect_dma semaphore(%arg12 : memref<!tpu.dma_semaphore, #tpu.memory_space<semaphore_mem>>) src(%dma_wait3A_92 : memref<50000x128xf32, #tpu.memory_space<hbm>>) dst(%arg10 : memref<128x128xf32, #tpu.memory_space<vmem>>)
        %dma_wait3A_93 = arith.constant 0 : i32
        %dma_wait3A_94 = tpu.memref_slice %arg8[%mul3A_62, %dma_wait3A_93] : memref<16x128xi32, #tpu.memory_space<vmem>> -> memref<1x128xi32, #tpu.memory_space<vmem>>
        %dma_wait3A_95 = tpu.memref_squeeze %dma_wait3A_94 : memref<1x128xi32, #tpu.memory_space<vmem>> -> memref<128xi32, #tpu.memory_space<vmem>>
        %dma_wait3A_96 = arith.constant 0 : i32
        %dma_wait3A_97 = arith.constant 0 : i32
        %dma_wait3A_98 = tpu.memref_slice %arg6[%dma_wait3A_96, %dma_wait3A_97] : memref<10240x128xf32, #tpu.memory_space<vmem_shared>> -> memref<10240x128xf32, #tpu.memory_space<vmem_shared>>
        tpu.wait_indirect_dma semaphore(%arg13 : memref<!tpu.dma_semaphore, #tpu.memory_space<semaphore_mem>>) src(%arg9 : memref<128x128xf32, #tpu.memory_space<vmem>>) dst(%dma_wait3A_98 : memref<10240x128xf32, #tpu.memory_space<vmem_shared>>)
        %lt3A = arith.constant 7 : i32
        %lt3A_99 = arith.cmpi slt, %scan3A_60, %lt3A : i32
        %convert_element_type3A_100 = arith.extui %lt3A_99 : i1 to i32
        %cond3A_101 = arith.constant 0 : i32
        %cond3A_102 = arith.cmpi ne, %convert_element_type3A_100, %cond3A_101 : i32
        scf.if %cond3A_102 {
          %add3A_109 = arith.constant 2 : i32
          %add3A_110 = arith.addi %mul3A_62, %add3A_109 : i32
          %dma_start3A_111 = arith.constant 0 : i32
          %dma_start3A_112 = tpu.memref_slice %arg7[%add3A_110, %dma_start3A_111] : memref<16x128xi32, #tpu.memory_space<vmem>> -> memref<1x128xi32, #tpu.memory_space<vmem>>
          %dma_start3A_113 = tpu.memref_squeeze %dma_start3A_112 : memref<1x128xi32, #tpu.memory_space<vmem>> -> memref<128xi32, #tpu.memory_space<vmem>>
          %dma_start3A_114 = arith.constant 0 : i32
          %dma_start3A_115 = arith.constant 0 : i32
          %dma_start3A_116 = tpu.memref_slice %arg2[%dma_start3A_114, %dma_start3A_115] : memref<50000x128xf32, #tpu.memory_space<hbm>> -> memref<50000x128xf32, #tpu.memory_space<hbm>>
          tpu.enqueue_indirect_dma source(%dma_start3A_116 : memref<50000x128xf32, #tpu.memory_space<hbm>>) target(%arg9 : memref<128x128xf32, #tpu.memory_space<vmem>>) offsets(%dma_start3A_113 : memref<128xi32, #tpu.memory_space<vmem>>) semaphore(%arg11 : memref<!tpu.dma_semaphore, #tpu.memory_space<semaphore_mem>>)
        } else {
        }
        %dma_start3A_103 = arith.constant 0 : i32
        %dma_start3A_104 = tpu.memref_slice %arg8[%add3A_66, %dma_start3A_103] : memref<16x128xi32, #tpu.memory_space<vmem>> -> memref<1x128xi32, #tpu.memory_space<vmem>>
        %dma_start3A_105 = tpu.memref_squeeze %dma_start3A_104 : memref<1x128xi32, #tpu.memory_space<vmem>> -> memref<128xi32, #tpu.memory_space<vmem>>
        %dma_start3A_106 = arith.constant 0 : i32
        %dma_start3A_107 = arith.constant 0 : i32
        %dma_start3A_108 = tpu.memref_slice %arg6[%dma_start3A_106, %dma_start3A_107] : memref<10240x128xf32, #tpu.memory_space<vmem_shared>> -> memref<10240x128xf32, #tpu.memory_space<vmem_shared>>
        tpu.enqueue_indirect_dma source(%arg10 : memref<128x128xf32, #tpu.memory_space<vmem>>) target(%dma_start3A_108 : memref<10240x128xf32, #tpu.memory_space<vmem_shared>>) offsets(%dma_start3A_105 : memref<128xi32, #tpu.memory_space<vmem>>) semaphore(%arg14 : memref<!tpu.dma_semaphore, #tpu.memory_space<semaphore_mem>>) {add = true}
      }
      %scan3A_53 = arith.constant 8 : i32
      %dma_wait3A = arith.constant 15 : i32
      %dma_wait3A_54 = arith.constant 0 : i32
      %dma_wait3A_55 = tpu.memref_slice %arg8[%dma_wait3A, %dma_wait3A_54] : memref<16x128xi32, #tpu.memory_space<vmem>> -> memref<1x128xi32, #tpu.memory_space<vmem>>
      %dma_wait3A_56 = tpu.memref_squeeze %dma_wait3A_55 : memref<1x128xi32, #tpu.memory_space<vmem>> -> memref<128xi32, #tpu.memory_space<vmem>>
      %dma_wait3A_57 = arith.constant 0 : i32
      %dma_wait3A_58 = arith.constant 0 : i32
      %dma_wait3A_59 = tpu.memref_slice %arg6[%dma_wait3A_57, %dma_wait3A_58] : memref<10240x128xf32, #tpu.memory_space<vmem_shared>> -> memref<10240x128xf32, #tpu.memory_space<vmem_shared>>
      tpu.wait_indirect_dma semaphore(%arg14 : memref<!tpu.dma_semaphore, #tpu.memory_space<semaphore_mem>>) src(%arg10 : memref<128x128xf32, #tpu.memory_space<vmem>>) dst(%dma_wait3A_59 : memref<10240x128xf32, #tpu.memory_space<vmem_shared>>)
    }
    %scan3A_31 = arith.constant 5 : i32
    %barrier3A_32 = arith.constant 0 : index
    tpu.barrier barrier_id(%barrier3A_32)
    %mul3A_33 = arith.constant 640 : i32
    %mul3A_34 = arith.muli %arg1, %mul3A_33 : i32
    %mul3A_35 = arith.constant 640 : i32
    %mul3A_36 = arith.muli %arg1, %mul3A_35 : i32
    "tpu.region"() ({
      %run_scoped3A = tpu.sem_alloc : memref<!tpu.dma_semaphore, #tpu.memory_space<semaphore_mem>>
      %dma_start3A = arith.constant 0 : i32
      %dma_start3A_37 = tpu.memref_slice %arg5[%arg0, %mul3A_36, %dma_start3A] : memref<2x10240x128xf32, #tpu.memory_space<hbm>> -> memref<1x640x128xf32, #tpu.memory_space<hbm>>
      %dma_start3A_38 = tpu.memref_squeeze %dma_start3A_37 : memref<1x640x128xf32, #tpu.memory_space<hbm>> -> memref<640x128xf32, #tpu.memory_space<hbm>>
      %dma_start3A_39 = arith.constant 0 : i32
      %dma_start3A_40 = tpu.memref_slice %arg6[%mul3A_34, %dma_start3A_39] : memref<10240x128xf32, #tpu.memory_space<vmem_shared>> -> memref<640x128xf32, #tpu.memory_space<vmem_shared>>
      tpu.enqueue_dma source(%dma_start3A_40 : memref<640x128xf32, #tpu.memory_space<vmem_shared>>) target(%dma_start3A_38 : memref<640x128xf32, #tpu.memory_space<hbm>>) target_semaphore(%run_scoped3A : memref<!tpu.dma_semaphore, #tpu.memory_space<semaphore_mem>>)
      %dma_wait3A = arith.constant 0 : i32
      %dma_wait3A_41 = tpu.memref_slice %arg5[%arg0, %mul3A_36, %dma_wait3A] : memref<2x10240x128xf32, #tpu.memory_space<hbm>> -> memref<1x640x128xf32, #tpu.memory_space<hbm>>
      %dma_wait3A_42 = tpu.memref_squeeze %dma_wait3A_41 : memref<1x640x128xf32, #tpu.memory_space<hbm>> -> memref<640x128xf32, #tpu.memory_space<hbm>>
      %dma_wait3A_43 = arith.constant 0 : i32
      %dma_wait3A_44 = tpu.memref_slice %arg6[%mul3A_34, %dma_wait3A_43] : memref<10240x128xf32, #tpu.memory_space<vmem_shared>> -> memref<640x128xf32, #tpu.memory_space<vmem_shared>>
      tpu.wait_dma2 semaphore(%run_scoped3A : memref<!tpu.dma_semaphore, #tpu.memory_space<semaphore_mem>>) src(%dma_wait3A_44 : memref<640x128xf32, #tpu.memory_space<vmem_shared>>) dst(%dma_wait3A_42 : memref<640x128xf32, #tpu.memory_space<hbm>>)
      tpu.yield
    }) : () -> ()
    return
  }
}

#map = affine_map<(d0, d1) -> (0, 0)>
#map1 = affine_map<(d0, d1) -> (0, 0, 0)>
module attributes {stable_mosaic.version = 14 : i64} {
  func.func @_sc_aggr_body(%arg0: i32, %arg1: i32, %arg2: memref<50000x128xf32, #tpu.memory_space<hbm>>, %arg3: memref<32x80x128xi32, #tpu.memory_space<hbm>>, %arg4: memref<32x80x128xi32, #tpu.memory_space<hbm>>, %arg5: memref<2x10240x128xf32, #tpu.memory_space<hbm>>, %arg6: memref<10240x128xf32, #tpu.memory_space<vmem_shared>>, %arg7: memref<16x128xi32, #tpu.memory_space<vmem>>, %arg8: memref<16x128xi32, #tpu.memory_space<vmem>>, %arg9: memref<128x128xf32, #tpu.memory_space<vmem>>, %arg10: memref<128x128xf32, #tpu.memory_space<vmem>>, %arg11: memref<!tpu.dma_semaphore, #tpu.memory_space<semaphore_mem>>, %arg12: memref<!tpu.dma_semaphore, #tpu.memory_space<semaphore_mem>>, %arg13: memref<!tpu.dma_semaphore, #tpu.memory_space<semaphore_mem>>, %arg14: memref<!tpu.dma_semaphore, #tpu.memory_space<semaphore_mem>>) attributes {dimension_semantics = [#tpu.dimension_semantics<core_parallel>, #tpu.dimension_semantics<subcore_parallel>], iteration_bounds = array<i64: 2, 16>, scalar_prefetch = 0 : i64, scratch_operands = 9 : i64, tpu.core_type = #tpu.core_type<sc_vector_subcore>, window_params = [{transform_indices = #map}, {transform_indices = #map1}, {transform_indices = #map1}, {transform_indices = #map1}]} {
    %mul3A = arith.constant 16 : i32
    %mul3A_0 = arith.muli %arg0, %mul3A : i32
    %add3A = arith.addi %mul3A_0, %arg1 : i32
    %scan3A = arith.constant 0 : i32
    %scan3A_1 = arith.constant 0 : i32
    %scan3A_2 = arith.constant 128 : i32
    %scan3A_3 = arith.addi %scan3A_1, %scan3A_2 : i32
    %scan3A_4 = arith.constant 1 : i32
    scf.for %scan3A_37 = %scan3A_1 to %scan3A_3 step %scan3A_4  : i32 {
      %broadcast_in_dim3A = arith.constant 0.000000e+00 : f32
      %broadcast_in_dim3A_38 = vector.broadcast %broadcast_in_dim3A : f32 to vector<16xf32>
      %swap3A = arith.index_cast %scan3A_37 : i32 to index
      %swap3A_39 = arith.constant 0 : index
      %swap3A_40 = tpu.vector_load %arg9[%swap3A, %swap3A_39] {strides = array<i32>} : memref<128x128xf32, #tpu.memory_space<vmem>>, vector<1x16xf32>,
      %swap3A_41 = vector.shape_cast %swap3A_40 : vector<1x16xf32> to vector<16xf32>
      %swap3A_42 = vector.shape_cast %broadcast_in_dim3A_38 : vector<16xf32> to vector<1x16xf32>
      tpu.vector_store %arg9[%swap3A, %swap3A_39], %swap3A_42 {strides = array<i32>} : memref<128x128xf32, #tpu.memory_space<vmem>>, vector<1x16xf32>,
      %broadcast_in_dim3A_43 = arith.constant 0.000000e+00 : f32
      %broadcast_in_dim3A_44 = vector.broadcast %broadcast_in_dim3A_43 : f32 to vector<16xf32>
      %swap3A_45 = arith.index_cast %scan3A_37 : i32 to index
      %swap3A_46 = arith.constant 16 : index
      %swap3A_47 = tpu.vector_load %arg9[%swap3A_45, %swap3A_46] {strides = array<i32>} : memref<128x128xf32, #tpu.memory_space<vmem>>, vector<1x16xf32>,
      %swap3A_48 = vector.shape_cast %swap3A_47 : vector<1x16xf32> to vector<16xf32>
      %swap3A_49 = vector.shape_cast %broadcast_in_dim3A_44 : vector<16xf32> to vector<1x16xf32>
      tpu.vector_store %arg9[%swap3A_45, %swap3A_46], %swap3A_49 {strides = array<i32>} : memref<128x128xf32, #tpu.memory_space<vmem>>, vector<1x16xf32>,
      %broadcast_in_dim3A_50 = arith.constant 0.000000e+00 : f32
      %broadcast_in_dim3A_51 = vector.broadcast %broadcast_in_dim3A_50 : f32 to vector<16xf32>
      %swap3A_52 = arith.index_cast %scan3A_37 : i32 to index
      %swap3A_53 = arith.constant 32 : index
      %swap3A_54 = tpu.vector_load %arg9[%swap3A_52, %swap3A_53] {strides = array<i32>} : memref<128x128xf32, #tpu.memory_space<vmem>>, vector<1x16xf32>,
      %swap3A_55 = vector.shape_cast %swap3A_54 : vector<1x16xf32> to vector<16xf32>
      %swap3A_56 = vector.shape_cast %broadcast_in_dim3A_51 : vector<16xf32> to vector<1x16xf32>
      tpu.vector_store %arg9[%swap3A_52, %swap3A_53], %swap3A_56 {strides = array<i32>} : memref<128x128xf32, #tpu.memory_space<vmem>>, vector<1x16xf32>,
      %broadcast_in_dim3A_57 = arith.constant 0.000000e+00 : f32
      %broadcast_in_dim3A_58 = vector.broadcast %broadcast_in_dim3A_57 : f32 to vector<16xf32>
      %swap3A_59 = arith.index_cast %scan3A_37 : i32 to index
      %swap3A_60 = arith.constant 48 : index
      %swap3A_61 = tpu.vector_load %arg9[%swap3A_59, %swap3A_60] {strides = array<i32>} : memref<128x128xf32, #tpu.memory_space<vmem>>, vector<1x16xf32>,
      %swap3A_62 = vector.shape_cast %swap3A_61 : vector<1x16xf32> to vector<16xf32>
      %swap3A_63 = vector.shape_cast %broadcast_in_dim3A_58 : vector<16xf32> to vector<1x16xf32>
      tpu.vector_store %arg9[%swap3A_59, %swap3A_60], %swap3A_63 {strides = array<i32>} : memref<128x128xf32, #tpu.memory_space<vmem>>, vector<1x16xf32>,
      %broadcast_in_dim3A_64 = arith.constant 0.000000e+00 : f32
      %broadcast_in_dim3A_65 = vector.broadcast %broadcast_in_dim3A_64 : f32 to vector<16xf32>
      %swap3A_66 = arith.index_cast %scan3A_37 : i32 to index
      %swap3A_67 = arith.constant 64 : index
      %swap3A_68 = tpu.vector_load %arg9[%swap3A_66, %swap3A_67] {strides = array<i32>} : memref<128x128xf32, #tpu.memory_space<vmem>>, vector<1x16xf32>,
      %swap3A_69 = vector.shape_cast %swap3A_68 : vector<1x16xf32> to vector<16xf32>
      %swap3A_70 = vector.shape_cast %broadcast_in_dim3A_65 : vector<16xf32> to vector<1x16xf32>
      tpu.vector_store %arg9[%swap3A_66, %swap3A_67], %swap3A_70 {strides = array<i32>} : memref<128x128xf32, #tpu.memory_space<vmem>>, vector<1x16xf32>,
      %broadcast_in_dim3A_71 = arith.constant 0.000000e+00 : f32
      %broadcast_in_dim3A_72 = vector.broadcast %broadcast_in_dim3A_71 : f32 to vector<16xf32>
      %swap3A_73 = arith.index_cast %scan3A_37 : i32 to index
      %swap3A_74 = arith.constant 80 : index
      %swap3A_75 = tpu.vector_load %arg9[%swap3A_73, %swap3A_74] {strides = array<i32>} : memref<128x128xf32, #tpu.memory_space<vmem>>, vector<1x16xf32>,
      %swap3A_76 = vector.shape_cast %swap3A_75 : vector<1x16xf32> to vector<16xf32>
      %swap3A_77 = vector.shape_cast %broadcast_in_dim3A_72 : vector<16xf32> to vector<1x16xf32>
      tpu.vector_store %arg9[%swap3A_73, %swap3A_74], %swap3A_77 {strides = array<i32>} : memref<128x128xf32, #tpu.memory_space<vmem>>, vector<1x16xf32>,
      %broadcast_in_dim3A_78 = arith.constant 0.000000e+00 : f32
      %broadcast_in_dim3A_79 = vector.broadcast %broadcast_in_dim3A_78 : f32 to vector<16xf32>
      %swap3A_80 = arith.index_cast %scan3A_37 : i32 to index
      %swap3A_81 = arith.constant 96 : index
      %swap3A_82 = tpu.vector_load %arg9[%swap3A_80, %swap3A_81] {strides = array<i32>} : memref<128x128xf32, #tpu.memory_space<vmem>>, vector<1x16xf32>,
      %swap3A_83 = vector.shape_cast %swap3A_82 : vector<1x16xf32> to vector<16xf32>
      %swap3A_84 = vector.shape_cast %broadcast_in_dim3A_79 : vector<16xf32> to vector<1x16xf32>
      tpu.vector_store %arg9[%swap3A_80, %swap3A_81], %swap3A_84 {strides = array<i32>} : memref<128x128xf32, #tpu.memory_space<vmem>>, vector<1x16xf32>,
      %broadcast_in_dim3A_85 = arith.constant 0.000000e+00 : f32
      %broadcast_in_dim3A_86 = vector.broadcast %broadcast_in_dim3A_85 : f32 to vector<16xf32>
      %swap3A_87 = arith.index_cast %scan3A_37 : i32 to index
      %swap3A_88 = arith.constant 112 : index
      %swap3A_89 = tpu.vector_load %arg9[%swap3A_87, %swap3A_88] {strides = array<i32>} : memref<128x128xf32, #tpu.memory_space<vmem>>, vector<1x16xf32>,
      %swap3A_90 = vector.shape_cast %swap3A_89 : vector<1x16xf32> to vector<16xf32>
      %swap3A_91 = vector.shape_cast %broadcast_in_dim3A_86 : vector<16xf32> to vector<1x16xf32>
      tpu.vector_store %arg9[%swap3A_87, %swap3A_88], %swap3A_91 {strides = array<i32>} : memref<128x128xf32, #tpu.memory_space<vmem>>, vector<1x16xf32>,
    }
    %scan3A_5 = arith.constant 128 : i32
    %mul3A_6 = arith.constant 640 : i32
    %mul3A_7 = arith.muli %arg1, %mul3A_6 : i32
    %add3A_8 = arith.constant 0 : i32
    %add3A_9 = arith.addi %mul3A_7, %add3A_8 : i32
    "tpu.region"() ({
      %run_scoped3A = tpu.sem_alloc : memref<!tpu.dma_semaphore, #tpu.memory_space<semaphore_mem>>
      %dma_start3A = arith.constant 0 : i32
      %dma_start3A_37 = tpu.memref_slice %arg6[%add3A_9, %dma_start3A] : memref<10240x128xf32, #tpu.memory_space<vmem_shared>> -> memref<128x128xf32, #tpu.memory_space<vmem_shared>>
      %dma_start3A_38 = arith.constant 0 : i32
      %dma_start3A_39 = tpu.memref_slice %arg6[%add3A_9, %dma_start3A_38] : memref<10240x128xf32, #tpu.memory_space<vmem_shared>> -> memref<128x128xf32, #tpu.memory_space<vmem_shared>>
      tpu.enqueue_dma source(%arg9 : memref<128x128xf32, #tpu.memory_space<vmem>>) target(%dma_start3A_39 : memref<128x128xf32, #tpu.memory_space<vmem_shared>>) target_semaphore(%run_scoped3A : memref<!tpu.dma_semaphore, #tpu.memory_space<semaphore_mem>>)
      %dma_wait3A = arith.constant 0 : i32
      %dma_wait3A_40 = tpu.memref_slice %arg6[%add3A_9, %dma_wait3A] : memref<10240x128xf32, #tpu.memory_space<vmem_shared>> -> memref<128x128xf32, #tpu.memory_space<vmem_shared>>
      %dma_wait3A_41 = arith.constant 0 : i32
      %dma_wait3A_42 = tpu.memref_slice %arg6[%add3A_9, %dma_wait3A_41] : memref<10240x128xf32, #tpu.memory_space<vmem_shared>> -> memref<128x128xf32, #tpu.memory_space<vmem_shared>>
      tpu.wait_dma2 semaphore(%run_scoped3A : memref<!tpu.dma_semaphore, #tpu.memory_space<semaphore_mem>>) src(%arg9 : memref<128x128xf32, #tpu.memory_space<vmem>>) dst(%dma_wait3A_42 : memref<128x128xf32, #tpu.memory_space<vmem_shared>>)
      tpu.yield
    }) : () -> ()
    %mul3A_10 = arith.constant 640 : i32
    %mul3A_11 = arith.muli %arg1, %mul3A_10 : i32
    %add3A_12 = arith.constant 128 : i32
    %add3A_13 = arith.addi %mul3A_11, %add3A_12 : i32
    "tpu.region"() ({
      %run_scoped3A = tpu.sem_alloc : memref<!tpu.dma_semaphore, #tpu.memory_space<semaphore_mem>>
      %dma_start3A = arith.constant 0 : i32
      %dma_start3A_37 = tpu.memref_slice %arg6[%add3A_13, %dma_start3A] : memref<10240x128xf32, #tpu.memory_space<vmem_shared>> -> memref<128x128xf32, #tpu.memory_space<vmem_shared>>
      %dma_start3A_38 = arith.constant 0 : i32
      %dma_start3A_39 = tpu.memref_slice %arg6[%add3A_13, %dma_start3A_38] : memref<10240x128xf32, #tpu.memory_space<vmem_shared>> -> memref<128x128xf32, #tpu.memory_space<vmem_shared>>
      tpu.enqueue_dma source(%arg9 : memref<128x128xf32, #tpu.memory_space<vmem>>) target(%dma_start3A_39 : memref<128x128xf32, #tpu.memory_space<vmem_shared>>) target_semaphore(%run_scoped3A : memref<!tpu.dma_semaphore, #tpu.memory_space<semaphore_mem>>)
      %dma_wait3A = arith.constant 0 : i32
      %dma_wait3A_40 = tpu.memref_slice %arg6[%add3A_13, %dma_wait3A] : memref<10240x128xf32, #tpu.memory_space<vmem_shared>> -> memref<128x128xf32, #tpu.memory_space<vmem_shared>>
      %dma_wait3A_41 = arith.constant 0 : i32
      %dma_wait3A_42 = tpu.memref_slice %arg6[%add3A_13, %dma_wait3A_41] : memref<10240x128xf32, #tpu.memory_space<vmem_shared>> -> memref<128x128xf32, #tpu.memory_space<vmem_shared>>
      tpu.wait_dma2 semaphore(%run_scoped3A : memref<!tpu.dma_semaphore, #tpu.memory_space<semaphore_mem>>) src(%arg9 : memref<128x128xf32, #tpu.memory_space<vmem>>) dst(%dma_wait3A_42 : memref<128x128xf32, #tpu.memory_space<vmem_shared>>)
      tpu.yield
    }) : () -> ()
    %mul3A_14 = arith.constant 640 : i32
    %mul3A_15 = arith.muli %arg1, %mul3A_14 : i32
    %add3A_16 = arith.constant 256 : i32
    %add3A_17 = arith.addi %mul3A_15, %add3A_16 : i32
    "tpu.region"() ({
      %run_scoped3A = tpu.sem_alloc : memref<!tpu.dma_semaphore, #tpu.memory_space<semaphore_mem>>
      %dma_start3A = arith.constant 0 : i32
      %dma_start3A_37 = tpu.memref_slice %arg6[%add3A_17, %dma_start3A] : memref<10240x128xf32, #tpu.memory_space<vmem_shared>> -> memref<128x128xf32, #tpu.memory_space<vmem_shared>>
      %dma_start3A_38 = arith.constant 0 : i32
      %dma_start3A_39 = tpu.memref_slice %arg6[%add3A_17, %dma_start3A_38] : memref<10240x128xf32, #tpu.memory_space<vmem_shared>> -> memref<128x128xf32, #tpu.memory_space<vmem_shared>>
      tpu.enqueue_dma source(%arg9 : memref<128x128xf32, #tpu.memory_space<vmem>>) target(%dma_start3A_39 : memref<128x128xf32, #tpu.memory_space<vmem_shared>>) target_semaphore(%run_scoped3A : memref<!tpu.dma_semaphore, #tpu.memory_space<semaphore_mem>>)
      %dma_wait3A = arith.constant 0 : i32
      %dma_wait3A_40 = tpu.memref_slice %arg6[%add3A_17, %dma_wait3A] : memref<10240x128xf32, #tpu.memory_space<vmem_shared>> -> memref<128x128xf32, #tpu.memory_space<vmem_shared>>
      %dma_wait3A_41 = arith.constant 0 : i32
      %dma_wait3A_42 = tpu.memref_slice %arg6[%add3A_17, %dma_wait3A_41] : memref<10240x128xf32, #tpu.memory_space<vmem_shared>> -> memref<128x128xf32, #tpu.memory_space<vmem_shared>>
      tpu.wait_dma2 semaphore(%run_scoped3A : memref<!tpu.dma_semaphore, #tpu.memory_space<semaphore_mem>>) src(%arg9 : memref<128x128xf32, #tpu.memory_space<vmem>>) dst(%dma_wait3A_42 : memref<128x128xf32, #tpu.memory_space<vmem_shared>>)
      tpu.yield
    }) : () -> ()
    %mul3A_18 = arith.constant 640 : i32
    %mul3A_19 = arith.muli %arg1, %mul3A_18 : i32
    %add3A_20 = arith.constant 384 : i32
    %add3A_21 = arith.addi %mul3A_19, %add3A_20 : i32
    "tpu.region"() ({
      %run_scoped3A = tpu.sem_alloc : memref<!tpu.dma_semaphore, #tpu.memory_space<semaphore_mem>>
      %dma_start3A = arith.constant 0 : i32
      %dma_start3A_37 = tpu.memref_slice %arg6[%add3A_21, %dma_start3A] : memref<10240x128xf32, #tpu.memory_space<vmem_shared>> -> memref<128x128xf32, #tpu.memory_space<vmem_shared>>
      %dma_start3A_38 = arith.constant 0 : i32
      %dma_start3A_39 = tpu.memref_slice %arg6[%add3A_21, %dma_start3A_38] : memref<10240x128xf32, #tpu.memory_space<vmem_shared>> -> memref<128x128xf32, #tpu.memory_space<vmem_shared>>
      tpu.enqueue_dma source(%arg9 : memref<128x128xf32, #tpu.memory_space<vmem>>) target(%dma_start3A_39 : memref<128x128xf32, #tpu.memory_space<vmem_shared>>) target_semaphore(%run_scoped3A : memref<!tpu.dma_semaphore, #tpu.memory_space<semaphore_mem>>)
      %dma_wait3A = arith.constant 0 : i32
      %dma_wait3A_40 = tpu.memref_slice %arg6[%add3A_21, %dma_wait3A] : memref<10240x128xf32, #tpu.memory_space<vmem_shared>> -> memref<128x128xf32, #tpu.memory_space<vmem_shared>>
      %dma_wait3A_41 = arith.constant 0 : i32
      %dma_wait3A_42 = tpu.memref_slice %arg6[%add3A_21, %dma_wait3A_41] : memref<10240x128xf32, #tpu.memory_space<vmem_shared>> -> memref<128x128xf32, #tpu.memory_space<vmem_shared>>
      tpu.wait_dma2 semaphore(%run_scoped3A : memref<!tpu.dma_semaphore, #tpu.memory_space<semaphore_mem>>) src(%arg9 : memref<128x128xf32, #tpu.memory_space<vmem>>) dst(%dma_wait3A_42 : memref<128x128xf32, #tpu.memory_space<vmem_shared>>)
      tpu.yield
    }) : () -> ()
    %mul3A_22 = arith.constant 640 : i32
    %mul3A_23 = arith.muli %arg1, %mul3A_22 : i32
    %add3A_24 = arith.constant 512 : i32
    %add3A_25 = arith.addi %mul3A_23, %add3A_24 : i32
    "tpu.region"() ({
      %run_scoped3A = tpu.sem_alloc : memref<!tpu.dma_semaphore, #tpu.memory_space<semaphore_mem>>
      %dma_start3A = arith.constant 0 : i32
      %dma_start3A_37 = tpu.memref_slice %arg6[%add3A_25, %dma_start3A] : memref<10240x128xf32, #tpu.memory_space<vmem_shared>> -> memref<128x128xf32, #tpu.memory_space<vmem_shared>>
      %dma_start3A_38 = arith.constant 0 : i32
      %dma_start3A_39 = tpu.memref_slice %arg6[%add3A_25, %dma_start3A_38] : memref<10240x128xf32, #tpu.memory_space<vmem_shared>> -> memref<128x128xf32, #tpu.memory_space<vmem_shared>>
      tpu.enqueue_dma source(%arg9 : memref<128x128xf32, #tpu.memory_space<vmem>>) target(%dma_start3A_39 : memref<128x128xf32, #tpu.memory_space<vmem_shared>>) target_semaphore(%run_scoped3A : memref<!tpu.dma_semaphore, #tpu.memory_space<semaphore_mem>>)
      %dma_wait3A = arith.constant 0 : i32
      %dma_wait3A_40 = tpu.memref_slice %arg6[%add3A_25, %dma_wait3A] : memref<10240x128xf32, #tpu.memory_space<vmem_shared>> -> memref<128x128xf32, #tpu.memory_space<vmem_shared>>
      %dma_wait3A_41 = arith.constant 0 : i32
      %dma_wait3A_42 = tpu.memref_slice %arg6[%add3A_25, %dma_wait3A_41] : memref<10240x128xf32, #tpu.memory_space<vmem_shared>> -> memref<128x128xf32, #tpu.memory_space<vmem_shared>>
      tpu.wait_dma2 semaphore(%run_scoped3A : memref<!tpu.dma_semaphore, #tpu.memory_space<semaphore_mem>>) src(%arg9 : memref<128x128xf32, #tpu.memory_space<vmem>>) dst(%dma_wait3A_42 : memref<128x128xf32, #tpu.memory_space<vmem_shared>>)
      tpu.yield
    }) : () -> ()
    %barrier3A = arith.constant 0 : index
    tpu.barrier barrier_id(%barrier3A)
    %scan3A_26 = arith.constant 0 : i32
    %scan3A_27 = arith.constant 0 : i32
    %scan3A_28 = arith.constant 5 : i32
    %scan3A_29 = arith.addi %scan3A_27, %scan3A_28 : i32
    %scan3A_30 = arith.constant 1 : i32
    scf.for %scan3A_37 = %scan3A_27 to %scan3A_29 step %scan3A_30  : i32 {
      %mul3A_38 = arith.constant 16 : i32
      %mul3A_39 = arith.muli %scan3A_37, %mul3A_38 : i32
      "tpu.region"() ({
        %run_scoped3A = tpu.sem_alloc : memref<!tpu.dma_semaphore, #tpu.memory_space<semaphore_mem>>
        %dma_start3A_60 = arith.constant 0 : i32
        %dma_start3A_61 = tpu.memref_slice %arg3[%add3A, %mul3A_39, %dma_start3A_60] : memref<32x80x128xi32, #tpu.memory_space<hbm>> -> memref<1x16x128xi32, #tpu.memory_space<hbm>>
        %dma_start3A_62 = tpu.memref_squeeze %dma_start3A_61 : memref<1x16x128xi32, #tpu.memory_space<hbm>> -> memref<16x128xi32, #tpu.memory_space<hbm>>
        %dma_start3A_63 = arith.constant 0 : i32
        %dma_start3A_64 = tpu.memref_slice %arg3[%add3A, %mul3A_39, %dma_start3A_63] : memref<32x80x128xi32, #tpu.memory_space<hbm>> -> memref<1x16x128xi32, #tpu.memory_space<hbm>>
        %dma_start3A_65 = tpu.memref_squeeze %dma_start3A_64 : memref<1x16x128xi32, #tpu.memory_space<hbm>> -> memref<16x128xi32, #tpu.memory_space<hbm>>
        tpu.enqueue_dma source(%dma_start3A_65 : memref<16x128xi32, #tpu.memory_space<hbm>>) target(%arg7 : memref<16x128xi32, #tpu.memory_space<vmem>>) target_semaphore(%run_scoped3A : memref<!tpu.dma_semaphore, #tpu.memory_space<semaphore_mem>>)
        %dma_wait3A_66 = arith.constant 0 : i32
        %dma_wait3A_67 = tpu.memref_slice %arg3[%add3A, %mul3A_39, %dma_wait3A_66] : memref<32x80x128xi32, #tpu.memory_space<hbm>> -> memref<1x16x128xi32, #tpu.memory_space<hbm>>
        %dma_wait3A_68 = tpu.memref_squeeze %dma_wait3A_67 : memref<1x16x128xi32, #tpu.memory_space<hbm>> -> memref<16x128xi32, #tpu.memory_space<hbm>>
        %dma_wait3A_69 = arith.constant 0 : i32
        %dma_wait3A_70 = tpu.memref_slice %arg3[%add3A, %mul3A_39, %dma_wait3A_69] : memref<32x80x128xi32, #tpu.memory_space<hbm>> -> memref<1x16x128xi32, #tpu.memory_space<hbm>>
        %dma_wait3A_71 = tpu.memref_squeeze %dma_wait3A_70 : memref<1x16x128xi32, #tpu.memory_space<hbm>> -> memref<16x128xi32, #tpu.memory_space<hbm>>
        tpu.wait_dma2 semaphore(%run_scoped3A : memref<!tpu.dma_semaphore, #tpu.memory_space<semaphore_mem>>) src(%dma_wait3A_71 : memref<16x128xi32, #tpu.memory_space<hbm>>) dst(%arg7 : memref<16x128xi32, #tpu.memory_space<vmem>>)
        tpu.yield
      }) : () -> ()
      %mul3A_40 = arith.constant 16 : i32
      %mul3A_41 = arith.muli %scan3A_37, %mul3A_40 : i32
      "tpu.region"() ({
        %run_scoped3A = tpu.sem_alloc : memref<!tpu.dma_semaphore, #tpu.memory_space<semaphore_mem>>
        %dma_start3A_60 = arith.constant 0 : i32
        %dma_start3A_61 = tpu.memref_slice %arg4[%add3A, %mul3A_41, %dma_start3A_60] : memref<32x80x128xi32, #tpu.memory_space<hbm>> -> memref<1x16x128xi32, #tpu.memory_space<hbm>>
        %dma_start3A_62 = tpu.memref_squeeze %dma_start3A_61 : memref<1x16x128xi32, #tpu.memory_space<hbm>> -> memref<16x128xi32, #tpu.memory_space<hbm>>
        %dma_start3A_63 = arith.constant 0 : i32
        %dma_start3A_64 = tpu.memref_slice %arg4[%add3A, %mul3A_41, %dma_start3A_63] : memref<32x80x128xi32, #tpu.memory_space<hbm>> -> memref<1x16x128xi32, #tpu.memory_space<hbm>>
        %dma_start3A_65 = tpu.memref_squeeze %dma_start3A_64 : memref<1x16x128xi32, #tpu.memory_space<hbm>> -> memref<16x128xi32, #tpu.memory_space<hbm>>
        tpu.enqueue_dma source(%dma_start3A_65 : memref<16x128xi32, #tpu.memory_space<hbm>>) target(%arg8 : memref<16x128xi32, #tpu.memory_space<vmem>>) target_semaphore(%run_scoped3A : memref<!tpu.dma_semaphore, #tpu.memory_space<semaphore_mem>>)
        %dma_wait3A_66 = arith.constant 0 : i32
        %dma_wait3A_67 = tpu.memref_slice %arg4[%add3A, %mul3A_41, %dma_wait3A_66] : memref<32x80x128xi32, #tpu.memory_space<hbm>> -> memref<1x16x128xi32, #tpu.memory_space<hbm>>
        %dma_wait3A_68 = tpu.memref_squeeze %dma_wait3A_67 : memref<1x16x128xi32, #tpu.memory_space<hbm>> -> memref<16x128xi32, #tpu.memory_space<hbm>>
        %dma_wait3A_69 = arith.constant 0 : i32
        %dma_wait3A_70 = tpu.memref_slice %arg4[%add3A, %mul3A_41, %dma_wait3A_69] : memref<32x80x128xi32, #tpu.memory_space<hbm>> -> memref<1x16x128xi32, #tpu.memory_space<hbm>>
        %dma_wait3A_71 = tpu.memref_squeeze %dma_wait3A_70 : memref<1x16x128xi32, #tpu.memory_space<hbm>> -> memref<16x128xi32, #tpu.memory_space<hbm>>
        tpu.wait_dma2 semaphore(%run_scoped3A : memref<!tpu.dma_semaphore, #tpu.memory_space<semaphore_mem>>) src(%dma_wait3A_71 : memref<16x128xi32, #tpu.memory_space<hbm>>) dst(%arg8 : memref<16x128xi32, #tpu.memory_space<vmem>>)
        tpu.yield
      }) : () -> ()
      %dma_start3A = arith.constant 0 : i32
      %dma_start3A_42 = arith.constant 0 : i32
      %dma_start3A_43 = tpu.memref_slice %arg7[%dma_start3A, %dma_start3A_42] : memref<16x128xi32, #tpu.memory_space<vmem>> -> memref<1x128xi32, #tpu.memory_space<vmem>>
      %dma_start3A_44 = tpu.memref_squeeze %dma_start3A_43 : memref<1x128xi32, #tpu.memory_space<vmem>> -> memref<128xi32, #tpu.memory_space<vmem>>
      %dma_start3A_45 = arith.constant 0 : i32
      %dma_start3A_46 = arith.constant 0 : i32
      %dma_start3A_47 = tpu.memref_slice %arg2[%dma_start3A_45, %dma_start3A_46] : memref<50000x128xf32, #tpu.memory_space<hbm>> -> memref<50000x128xf32, #tpu.memory_space<hbm>>
      tpu.enqueue_indirect_dma source(%dma_start3A_47 : memref<50000x128xf32, #tpu.memory_space<hbm>>) target(%arg9 : memref<128x128xf32, #tpu.memory_space<vmem>>) offsets(%dma_start3A_44 : memref<128xi32, #tpu.memory_space<vmem>>) semaphore(%arg11 : memref<!tpu.dma_semaphore, #tpu.memory_space<semaphore_mem>>)
      %scan3A_48 = arith.constant 0 : i32
      %scan3A_49 = arith.constant 0 : i32
      %scan3A_50 = arith.constant 8 : i32
      %scan3A_51 = arith.addi %scan3A_49, %scan3A_50 : i32
      %scan3A_52 = arith.constant 1 : i32
      scf.for %scan3A_60 = %scan3A_49 to %scan3A_51 step %scan3A_52  : i32 {
        %mul3A_61 = arith.constant 2 : i32
        %mul3A_62 = arith.muli %mul3A_61, %scan3A_60 : i32
        %mul3A_63 = arith.constant 2 : i32
        %mul3A_64 = arith.muli %mul3A_63, %scan3A_60 : i32
        %add3A_65 = arith.constant 1 : i32
        %add3A_66 = arith.addi %mul3A_64, %add3A_65 : i32
        %dma_wait3A_67 = arith.constant 0 : i32
        %dma_wait3A_68 = tpu.memref_slice %arg7[%mul3A_62, %dma_wait3A_67] : memref<16x128xi32, #tpu.memory_space<vmem>> -> memref<1x128xi32, #tpu.memory_space<vmem>>
        %dma_wait3A_69 = tpu.memref_squeeze %dma_wait3A_68 : memref<1x128xi32, #tpu.memory_space<vmem>> -> memref<128xi32, #tpu.memory_space<vmem>>
        %dma_wait3A_70 = arith.constant 0 : i32
        %dma_wait3A_71 = arith.constant 0 : i32
        %dma_wait3A_72 = tpu.memref_slice %arg2[%dma_wait3A_70, %dma_wait3A_71] : memref<50000x128xf32, #tpu.memory_space<hbm>> -> memref<50000x128xf32, #tpu.memory_space<hbm>>
        tpu.wait_indirect_dma semaphore(%arg11 : memref<!tpu.dma_semaphore, #tpu.memory_space<semaphore_mem>>) src(%dma_wait3A_72 : memref<50000x128xf32, #tpu.memory_space<hbm>>) dst(%arg9 : memref<128x128xf32, #tpu.memory_space<vmem>>)
        %gt3A = arith.constant 0 : i32
        %gt3A_73 = arith.cmpi sgt, %scan3A_60, %gt3A : i32
        %convert_element_type3A = arith.extui %gt3A_73 : i1 to i32
        %cond3A = arith.constant 0 : i32
        %cond3A_74 = arith.cmpi ne, %convert_element_type3A, %cond3A : i32
        scf.if %cond3A_74 {
          %sub3A = arith.constant 2 : i32
          %sub3A_109 = arith.subi %add3A_66, %sub3A : i32
          %dma_wait3A_110 = arith.constant 0 : i32
          %dma_wait3A_111 = tpu.memref_slice %arg8[%sub3A_109, %dma_wait3A_110] : memref<16x128xi32, #tpu.memory_space<vmem>> -> memref<1x128xi32, #tpu.memory_space<vmem>>
          %dma_wait3A_112 = tpu.memref_squeeze %dma_wait3A_111 : memref<1x128xi32, #tpu.memory_space<vmem>> -> memref<128xi32, #tpu.memory_space<vmem>>
          %dma_wait3A_113 = arith.constant 0 : i32
          %dma_wait3A_114 = arith.constant 0 : i32
          %dma_wait3A_115 = tpu.memref_slice %arg6[%dma_wait3A_113, %dma_wait3A_114] : memref<10240x128xf32, #tpu.memory_space<vmem_shared>> -> memref<10240x128xf32, #tpu.memory_space<vmem_shared>>
          tpu.wait_indirect_dma semaphore(%arg14 : memref<!tpu.dma_semaphore, #tpu.memory_space<semaphore_mem>>) src(%arg10 : memref<128x128xf32, #tpu.memory_space<vmem>>) dst(%dma_wait3A_115 : memref<10240x128xf32, #tpu.memory_space<vmem_shared>>)
        } else {
        }
        %dma_start3A_75 = arith.constant 0 : i32
        %dma_start3A_76 = tpu.memref_slice %arg7[%add3A_66, %dma_start3A_75] : memref<16x128xi32, #tpu.memory_space<vmem>> -> memref<1x128xi32, #tpu.memory_space<vmem>>
        %dma_start3A_77 = tpu.memref_squeeze %dma_start3A_76 : memref<1x128xi32, #tpu.memory_space<vmem>> -> memref<128xi32, #tpu.memory_space<vmem>>
        %dma_start3A_78 = arith.constant 0 : i32
        %dma_start3A_79 = arith.constant 0 : i32
        %dma_start3A_80 = tpu.memref_slice %arg2[%dma_start3A_78, %dma_start3A_79] : memref<50000x128xf32, #tpu.memory_space<hbm>> -> memref<50000x128xf32, #tpu.memory_space<hbm>>
        tpu.enqueue_indirect_dma source(%dma_start3A_80 : memref<50000x128xf32, #tpu.memory_space<hbm>>) target(%arg10 : memref<128x128xf32, #tpu.memory_space<vmem>>) offsets(%dma_start3A_77 : memref<128xi32, #tpu.memory_space<vmem>>) semaphore(%arg12 : memref<!tpu.dma_semaphore, #tpu.memory_space<semaphore_mem>>)
        %dma_start3A_81 = arith.constant 0 : i32
        %dma_start3A_82 = tpu.memref_slice %arg8[%mul3A_62, %dma_start3A_81] : memref<16x128xi32, #tpu.memory_space<vmem>> -> memref<1x128xi32, #tpu.memory_space<vmem>>
        %dma_start3A_83 = tpu.memref_squeeze %dma_start3A_82 : memref<1x128xi32, #tpu.memory_space<vmem>> -> memref<128xi32, #tpu.memory_space<vmem>>
        %dma_start3A_84 = arith.constant 0 : i32
        %dma_start3A_85 = arith.constant 0 : i32
        %dma_start3A_86 = tpu.memref_slice %arg6[%dma_start3A_84, %dma_start3A_85] : memref<10240x128xf32, #tpu.memory_space<vmem_shared>> -> memref<10240x128xf32, #tpu.memory_space<vmem_shared>>
        tpu.enqueue_indirect_dma source(%arg9 : memref<128x128xf32, #tpu.memory_space<vmem>>) target(%dma_start3A_86 : memref<10240x128xf32, #tpu.memory_space<vmem_shared>>) offsets(%dma_start3A_83 : memref<128xi32, #tpu.memory_space<vmem>>) semaphore(%arg13 : memref<!tpu.dma_semaphore, #tpu.memory_space<semaphore_mem>>) {add = true}
        %dma_wait3A_87 = arith.constant 0 : i32
        %dma_wait3A_88 = tpu.memref_slice %arg7[%add3A_66, %dma_wait3A_87] : memref<16x128xi32, #tpu.memory_space<vmem>> -> memref<1x128xi32, #tpu.memory_space<vmem>>
        %dma_wait3A_89 = tpu.memref_squeeze %dma_wait3A_88 : memref<1x128xi32, #tpu.memory_space<vmem>> -> memref<128xi32, #tpu.memory_space<vmem>>
        %dma_wait3A_90 = arith.constant 0 : i32
        %dma_wait3A_91 = arith.constant 0 : i32
        %dma_wait3A_92 = tpu.memref_slice %arg2[%dma_wait3A_90, %dma_wait3A_91] : memref<50000x128xf32, #tpu.memory_space<hbm>> -> memref<50000x128xf32, #tpu.memory_space<hbm>>
        tpu.wait_indirect_dma semaphore(%arg12 : memref<!tpu.dma_semaphore, #tpu.memory_space<semaphore_mem>>) src(%dma_wait3A_92 : memref<50000x128xf32, #tpu.memory_space<hbm>>) dst(%arg10 : memref<128x128xf32, #tpu.memory_space<vmem>>)
        %dma_wait3A_93 = arith.constant 0 : i32
        %dma_wait3A_94 = tpu.memref_slice %arg8[%mul3A_62, %dma_wait3A_93] : memref<16x128xi32, #tpu.memory_space<vmem>> -> memref<1x128xi32, #tpu.memory_space<vmem>>
        %dma_wait3A_95 = tpu.memref_squeeze %dma_wait3A_94 : memref<1x128xi32, #tpu.memory_space<vmem>> -> memref<128xi32, #tpu.memory_space<vmem>>
        %dma_wait3A_96 = arith.constant 0 : i32
        %dma_wait3A_97 = arith.constant 0 : i32
        %dma_wait3A_98 = tpu.memref_slice %arg6[%dma_wait3A_96, %dma_wait3A_97] : memref<10240x128xf32, #tpu.memory_space<vmem_shared>> -> memref<10240x128xf32, #tpu.memory_space<vmem_shared>>
        tpu.wait_indirect_dma semaphore(%arg13 : memref<!tpu.dma_semaphore, #tpu.memory_space<semaphore_mem>>) src(%arg9 : memref<128x128xf32, #tpu.memory_space<vmem>>) dst(%dma_wait3A_98 : memref<10240x128xf32, #tpu.memory_space<vmem_shared>>)
        %lt3A = arith.constant 7 : i32
        %lt3A_99 = arith.cmpi slt, %scan3A_60, %lt3A : i32
        %convert_element_type3A_100 = arith.extui %lt3A_99 : i1 to i32
        %cond3A_101 = arith.constant 0 : i32
        %cond3A_102 = arith.cmpi ne, %convert_element_type3A_100, %cond3A_101 : i32
        scf.if %cond3A_102 {
          %add3A_109 = arith.constant 2 : i32
          %add3A_110 = arith.addi %mul3A_62, %add3A_109 : i32
          %dma_start3A_111 = arith.constant 0 : i32
          %dma_start3A_112 = tpu.memref_slice %arg7[%add3A_110, %dma_start3A_111] : memref<16x128xi32, #tpu.memory_space<vmem>> -> memref<1x128xi32, #tpu.memory_space<vmem>>
          %dma_start3A_113 = tpu.memref_squeeze %dma_start3A_112 : memref<1x128xi32, #tpu.memory_space<vmem>> -> memref<128xi32, #tpu.memory_space<vmem>>
          %dma_start3A_114 = arith.constant 0 : i32
          %dma_start3A_115 = arith.constant 0 : i32
          %dma_start3A_116 = tpu.memref_slice %arg2[%dma_start3A_114, %dma_start3A_115] : memref<50000x128xf32, #tpu.memory_space<hbm>> -> memref<50000x128xf32, #tpu.memory_space<hbm>>
          tpu.enqueue_indirect_dma source(%dma_start3A_116 : memref<50000x128xf32, #tpu.memory_space<hbm>>) target(%arg9 : memref<128x128xf32, #tpu.memory_space<vmem>>) offsets(%dma_start3A_113 : memref<128xi32, #tpu.memory_space<vmem>>) semaphore(%arg11 : memref<!tpu.dma_semaphore, #tpu.memory_space<semaphore_mem>>)
        } else {
        }
        %dma_start3A_103 = arith.constant 0 : i32
        %dma_start3A_104 = tpu.memref_slice %arg8[%add3A_66, %dma_start3A_103] : memref<16x128xi32, #tpu.memory_space<vmem>> -> memref<1x128xi32, #tpu.memory_space<vmem>>
        %dma_start3A_105 = tpu.memref_squeeze %dma_start3A_104 : memref<1x128xi32, #tpu.memory_space<vmem>> -> memref<128xi32, #tpu.memory_space<vmem>>
        %dma_start3A_106 = arith.constant 0 : i32
        %dma_start3A_107 = arith.constant 0 : i32
        %dma_start3A_108 = tpu.memref_slice %arg6[%dma_start3A_106, %dma_start3A_107] : memref<10240x128xf32, #tpu.memory_space<vmem_shared>> -> memref<10240x128xf32, #tpu.memory_space<vmem_shared>>
        tpu.enqueue_indirect_dma source(%arg10 : memref<128x128xf32, #tpu.memory_space<vmem>>) target(%dma_start3A_108 : memref<10240x128xf32, #tpu.memory_space<vmem_shared>>) offsets(%dma_start3A_105 : memref<128xi32, #tpu.memory_space<vmem>>) semaphore(%arg14 : memref<!tpu.dma_semaphore, #tpu.memory_space<semaphore_mem>>) {add = true}
      }
      %scan3A_53 = arith.constant 8 : i32
      %dma_wait3A = arith.constant 15 : i32
      %dma_wait3A_54 = arith.constant 0 : i32
      %dma_wait3A_55 = tpu.memref_slice %arg8[%dma_wait3A, %dma_wait3A_54] : memref<16x128xi32, #tpu.memory_space<vmem>> -> memref<1x128xi32, #tpu.memory_space<vmem>>
      %dma_wait3A_56 = tpu.memref_squeeze %dma_wait3A_55 : memref<1x128xi32, #tpu.memory_space<vmem>> -> memref<128xi32, #tpu.memory_space<vmem>>
      %dma_wait3A_57 = arith.constant 0 : i32
      %dma_wait3A_58 = arith.constant 0 : i32
      %dma_wait3A_59 = tpu.memref_slice %arg6[%dma_wait3A_57, %dma_wait3A_58] : memref<10240x128xf32, #tpu.memory_space<vmem_shared>> -> memref<10240x128xf32, #tpu.memory_space<vmem_shared>>
      tpu.wait_indirect_dma semaphore(%arg14 : memref<!tpu.dma_semaphore, #tpu.memory_space<semaphore_mem>>) src(%arg10 : memref<128x128xf32, #tpu.memory_space<vmem>>) dst(%dma_wait3A_59 : memref<10240x128xf32, #tpu.memory_space<vmem_shared>>)
    }
    %scan3A_31 = arith.constant 5 : i32
    %barrier3A_32 = arith.constant 0 : index
    tpu.barrier barrier_id(%barrier3A_32)
    %mul3A_33 = arith.constant 640 : i32
    %mul3A_34 = arith.muli %arg1, %mul3A_33 : i32
    %mul3A_35 = arith.constant 640 : i32
    %mul3A_36 = arith.muli %arg1, %mul3A_35 : i32
    "tpu.region"() ({
      %run_scoped3A = tpu.sem_alloc : memref<!tpu.dma_semaphore, #tpu.memory_space<semaphore_mem>>
      %dma_start3A = arith.constant 0 : i32
      %dma_start3A_37 = tpu.memref_slice %arg5[%arg0, %mul3A_36, %dma_start3A] : memref<2x10240x128xf32, #tpu.memory_space<hbm>> -> memref<1x640x128xf32, #tpu.memory_space<hbm>>
      %dma_start3A_38 = tpu.memref_squeeze %dma_start3A_37 : memref<1x640x128xf32, #tpu.memory_space<hbm>> -> memref<640x128xf32, #tpu.memory_space<hbm>>
      %dma_start3A_39 = arith.constant 0 : i32
      %dma_start3A_40 = tpu.memref_slice %arg6[%mul3A_34, %dma_start3A_39] : memref<10240x128xf32, #tpu.memory_space<vmem_shared>> -> memref<640x128xf32, #tpu.memory_space<vmem_shared>>
      tpu.enqueue_dma source(%dma_start3A_40 : memref<640x128xf32, #tpu.memory_space<vmem_shared>>) target(%dma_start3A_38 : memref<640x128xf32, #tpu.memory_space<hbm>>) target_semaphore(%run_scoped3A : memref<!tpu.dma_semaphore, #tpu.memory_space<semaphore_mem>>)
      %dma_wait3A = arith.constant 0 : i32
      %dma_wait3A_41 = tpu.memref_slice %arg5[%arg0, %mul3A_36, %dma_wait3A] : memref<2x10240x128xf32, #tpu.memory_space<hbm>> -> memref<1x640x128xf32, #tpu.memory_space<hbm>>
      %dma_wait3A_42 = tpu.memref_squeeze %dma_wait3A_41 : memref<1x640x128xf32, #tpu.memory_space<hbm>> -> memref<640x128xf32, #tpu.memory_space<hbm>>
      %dma_wait3A_43 = arith.constant 0 : i32
      %dma_wait3A_44 = tpu.memref_slice %arg6[%mul3A_34, %dma_wait3A_43] : memref<10240x128xf32, #tpu.memory_space<vmem_shared>> -> memref<640x128xf32, #tpu.memory_space<vmem_shared>>
      tpu.wait_dma2 semaphore(%run_scoped3A : memref<!tpu.dma_semaphore, #tpu.memory_space<semaphore_mem>>) src(%dma_wait3A_44 : memref<640x128xf32, #tpu.memory_space<vmem_shared>>) dst(%dma_wait3A_42 : memref<640x128xf32, #tpu.memory_space<hbm>>)
      tpu.yield
    }) : () -> ()
    return
  }
}

module attributes {stable_mosaic.version = 14 : i64} {
  func.func @_embed_body(%arg0: memref<10000x1xi32, #tpu.memory_space<vmem>>, %arg1: memref<119x128xf32, #tpu.memory_space<vmem>>, %arg2: memref<10000x128xf32, #tpu.memory_space<vmem>>) attributes {dimension_semantics = [], scalar_prefetch = 0 : i64, scratch_operands = 0 : i64, tpu.core_type = #tpu.core_type<tc>} {
    %get3A = arith.constant 0 : index
    %get3A_0 = arith.constant 0 : index
    %get3A_1 = vector.load %arg0[%get3A, %get3A_0] : memref<10000x1xi32, #tpu.memory_space<vmem>>, vector<10000x1xi32>
    %iota3A = tpu.iota {dimensions = array<i32: 1>} : vector<1x119xi32>
    %eq3A = vector.broadcast %get3A_1 : vector<10000x1xi32> to vector<10000x119xi32>
    %eq3A_2 = vector.broadcast %iota3A : vector<1x119xi32> to vector<10000x119xi32>
    %eq3A_3 = arith.cmpi eq, %eq3A, %eq3A_2 : vector<10000x119xi32>
    %convert_element_type3A = arith.extui %eq3A_3 : vector<10000x119xi1> to vector<10000x119xi32>
    %convert_element_type3A_4 = arith.sitofp %convert_element_type3A : vector<10000x119xi32> to vector<10000x119xf32>
    %get3A_5 = arith.constant 0 : index
    %get3A_6 = arith.constant 0 : index
    %get3A_7 = vector.load %arg1[%get3A_5, %get3A_6] : memref<119x128xf32, #tpu.memory_space<vmem>>, vector<119x128xf32>
    %dot_general3A = arith.constant dense<0.000000e+00> : vector<10000x128xf32>
    %dot_general3A_8 = tpu.matmul %convert_element_type3A_4, %get3A_7, %dot_general3A {dimension_numbers = #tpu.dot_dimension_numbers<[1], [0], [0], [1], [0, 0, 1, 1], [], []>, precision = #tpu.contract_precision<fp32>, transpose_lhs_hint = false} : vector<10000x119xf32>, vector<119x128xf32>, vector<10000x128xf32> -> vector<10000x128xf32>
    %swap3A = arith.constant 0 : index
    %swap3A_9 = arith.constant 0 : index
    %swap3A_10 = vector.load %arg2[%swap3A, %swap3A_9] : memref<10000x128xf32, #tpu.memory_space<vmem>>, vector<10000x128xf32>
    tpu.vector_store %arg2[%swap3A, %swap3A_9], %dot_general3A_8 {strides = array<i32>} : memref<10000x128xf32, #tpu.memory_space<vmem>>, vector<10000x128xf32>,
    return
  }
}

module attributes {stable_mosaic.version = 14 : i64} {
  func.func @_msg_body(%arg0: memref<10000x128xf32, #tpu.memory_space<vmem>>, %arg1: memref<5x128xf32, #tpu.memory_space<vmem>>, %arg2: memref<10000x640xf32, #tpu.memory_space<vmem>>) attributes {dimension_semantics = [], scalar_prefetch = 0 : i64, scratch_operands = 0 : i64, tpu.core_type = #tpu.core_type<tc>} {
    %get3A = arith.constant 0 : index
    %get3A_0 = arith.constant 0 : index
    %get3A_1 = vector.load %arg0[%get3A, %get3A_0] : memref<10000x128xf32, #tpu.memory_space<vmem>>, vector<10000x128xf32>
    %get3A_2 = arith.constant 0 : index
    %get3A_3 = arith.constant 0 : index
    %get3A_4 = vector.load %arg1[%get3A_2, %get3A_3] : memref<5x128xf32, #tpu.memory_space<vmem>>, vector<1x128xf32>
    %add3A = vector.broadcast %get3A_4 : vector<1x128xf32> to vector<10000x128xf32>
    %add3A_5 = arith.addf %get3A_1, %add3A : vector<10000x128xf32>
    %max3A = arith.constant 0.000000e+00 : f32
    %max3A_6 = vector.broadcast %max3A : f32 to vector<10000x128xf32>
    %max3A_7 = arith.maximumf %add3A_5, %max3A_6 : vector<10000x128xf32>
    %swap3A = arith.constant 0 : index
    %swap3A_8 = arith.constant 0 : index
    %swap3A_9 = vector.load %arg2[%swap3A, %swap3A_8] : memref<10000x640xf32, #tpu.memory_space<vmem>>, vector<10000x128xf32>
    tpu.vector_store %arg2[%swap3A, %swap3A_8], %max3A_7 {strides = array<i32>} : memref<10000x640xf32, #tpu.memory_space<vmem>>, vector<10000x128xf32>,
    %get3A_10 = arith.constant 1 : index
    %get3A_11 = arith.constant 0 : index
    %get3A_12 = vector.load %arg1[%get3A_10, %get3A_11] : memref<5x128xf32, #tpu.memory_space<vmem>>, vector<1x128xf32>
    %add3A_13 = vector.broadcast %get3A_12 : vector<1x128xf32> to vector<10000x128xf32>
    %add3A_14 = arith.addf %get3A_1, %add3A_13 : vector<10000x128xf32>
    %max3A_15 = arith.constant 0.000000e+00 : f32
    %max3A_16 = vector.broadcast %max3A_15 : f32 to vector<10000x128xf32>
    %max3A_17 = arith.maximumf %add3A_14, %max3A_16 : vector<10000x128xf32>
    %swap3A_18 = arith.constant 0 : index
    %swap3A_19 = arith.constant 128 : index
    %swap3A_20 = vector.load %arg2[%swap3A_18, %swap3A_19] : memref<10000x640xf32, #tpu.memory_space<vmem>>, vector<10000x128xf32>
    tpu.vector_store %arg2[%swap3A_18, %swap3A_19], %max3A_17 {strides = array<i32>} : memref<10000x640xf32, #tpu.memory_space<vmem>>, vector<10000x128xf32>,
    %get3A_21 = arith.constant 2 : index
    %get3A_22 = arith.constant 0 : index
    %get3A_23 = vector.load %arg1[%get3A_21, %get3A_22] : memref<5x128xf32, #tpu.memory_space<vmem>>, vector<1x128xf32>
    %add3A_24 = vector.broadcast %get3A_23 : vector<1x128xf32> to vector<10000x128xf32>
    %add3A_25 = arith.addf %get3A_1, %add3A_24 : vector<10000x128xf32>
    %max3A_26 = arith.constant 0.000000e+00 : f32
    %max3A_27 = vector.broadcast %max3A_26 : f32 to vector<10000x128xf32>
    %max3A_28 = arith.maximumf %add3A_25, %max3A_27 : vector<10000x128xf32>
    %swap3A_29 = arith.constant 0 : index
    %swap3A_30 = arith.constant 256 : index
    %swap3A_31 = vector.load %arg2[%swap3A_29, %swap3A_30] : memref<10000x640xf32, #tpu.memory_space<vmem>>, vector<10000x128xf32>
    tpu.vector_store %arg2[%swap3A_29, %swap3A_30], %max3A_28 {strides = array<i32>} : memref<10000x640xf32, #tpu.memory_space<vmem>>, vector<10000x128xf32>,
    %get3A_32 = arith.constant 3 : index
    %get3A_33 = arith.constant 0 : index
    %get3A_34 = vector.load %arg1[%get3A_32, %get3A_33] : memref<5x128xf32, #tpu.memory_space<vmem>>, vector<1x128xf32>
    %add3A_35 = vector.broadcast %get3A_34 : vector<1x128xf32> to vector<10000x128xf32>
    %add3A_36 = arith.addf %get3A_1, %add3A_35 : vector<10000x128xf32>
    %max3A_37 = arith.constant 0.000000e+00 : f32
    %max3A_38 = vector.broadcast %max3A_37 : f32 to vector<10000x128xf32>
    %max3A_39 = arith.maximumf %add3A_36, %max3A_38 : vector<10000x128xf32>
    %swap3A_40 = arith.constant 0 : index
    %swap3A_41 = arith.constant 384 : index
    %swap3A_42 = vector.load %arg2[%swap3A_40, %swap3A_41] : memref<10000x640xf32, #tpu.memory_space<vmem>>, vector<10000x128xf32>
    tpu.vector_store %arg2[%swap3A_40, %swap3A_41], %max3A_39 {strides = array<i32>} : memref<10000x640xf32, #tpu.memory_space<vmem>>, vector<10000x128xf32>,
    %get3A_43 = arith.constant 4 : index
    %get3A_44 = arith.constant 0 : index
    %get3A_45 = vector.load %arg1[%get3A_43, %get3A_44] : memref<5x128xf32, #tpu.memory_space<vmem>>, vector<1x128xf32>
    %add3A_46 = vector.broadcast %get3A_45 : vector<1x128xf32> to vector<10000x128xf32>
    %add3A_47 = arith.addf %get3A_1, %add3A_46 : vector<10000x128xf32>
    %max3A_48 = arith.constant 0.000000e+00 : f32
    %max3A_49 = vector.broadcast %max3A_48 : f32 to vector<10000x128xf32>
    %max3A_50 = arith.maximumf %add3A_47, %max3A_49 : vector<10000x128xf32>
    %swap3A_51 = arith.constant 0 : index
    %swap3A_52 = arith.constant 512 : index
    %swap3A_53 = vector.load %arg2[%swap3A_51, %swap3A_52] : memref<10000x640xf32, #tpu.memory_space<vmem>>, vector<10000x128xf32>
    tpu.vector_store %arg2[%swap3A_51, %swap3A_52], %max3A_50 {strides = array<i32>} : memref<10000x640xf32, #tpu.memory_space<vmem>>, vector<10000x128xf32>,
    return
  }
}

module attributes {stable_mosaic.version = 14 : i64} {
  func.func @_dense_mid_body(%arg0: memref<10000x128xf32, #tpu.memory_space<vmem>>, %arg1: memref<2x10240x128xf32, #tpu.memory_space<vmem>>, %arg2: memref<128x256xf32, #tpu.memory_space<vmem>>, %arg3: memref<1x256xf32, #tpu.memory_space<vmem>>, %arg4: memref<1x256xf32, #tpu.memory_space<vmem>>, %arg5: memref<1x256xf32, #tpu.memory_space<vmem>>, %arg6: memref<256x128xf32, #tpu.memory_space<vmem>>, %arg7: memref<1x128xf32, #tpu.memory_space<vmem>>, %arg8: memref<1x128xf32, #tpu.memory_space<vmem>>, %arg9: memref<1x128xf32, #tpu.memory_space<vmem>>, %arg10: memref<10000x128xf32, #tpu.memory_space<vmem>>) attributes {dimension_semantics = [], scalar_prefetch = 0 : i64, scratch_operands = 0 : i64, tpu.core_type = #tpu.core_type<tc>} {
    %get3A = arith.constant 0 : index
    %get3A_0 = arith.constant 0 : index
    %get3A_1 = vector.load %arg0[%get3A, %get3A_0] : memref<10000x128xf32, #tpu.memory_space<vmem>>, vector<10000x128xf32>
    %get3A_2 = arith.constant 0 : index
    %get3A_3 = arith.constant 0 : index
    %get3A_4 = arith.constant 0 : index
    %get3A_5 = vector.load %arg1[%get3A_2, %get3A_3, %get3A_4] : memref<2x10240x128xf32, #tpu.memory_space<vmem>>, vector<1x10000x128xf32>
    %get3A_6 = vector.shape_cast %get3A_5 : vector<1x10000x128xf32> to vector<10000x128xf32>
    %add3A = arith.addf %get3A_1, %get3A_6 : vector<10000x128xf32>
    %get3A_7 = arith.constant 1 : index
    %get3A_8 = arith.constant 0 : index
    %get3A_9 = arith.constant 0 : index
    %get3A_10 = vector.load %arg1[%get3A_7, %get3A_8, %get3A_9] : memref<2x10240x128xf32, #tpu.memory_space<vmem>>, vector<1x10000x128xf32>
    %get3A_11 = vector.shape_cast %get3A_10 : vector<1x10000x128xf32> to vector<10000x128xf32>
    %add3A_12 = arith.addf %add3A, %get3A_11 : vector<10000x128xf32>
    %convert_element_type3A = arith.truncf %add3A_12 : vector<10000x128xf32> to vector<10000x128xbf16>
    %get3A_13 = arith.constant 0 : index
    %get3A_14 = arith.constant 0 : index
    %get3A_15 = vector.load %arg2[%get3A_13, %get3A_14] : memref<128x256xf32, #tpu.memory_space<vmem>>, vector<128x256xf32>
    %convert_element_type3A_16 = arith.truncf %get3A_15 : vector<128x256xf32> to vector<128x256xbf16>
    %dot_general3A = arith.constant dense<0.000000e+00> : vector<10000x256xf32>
    %dot_general3A_17 = tpu.matmul %convert_element_type3A, %convert_element_type3A_16, %dot_general3A {dimension_numbers = #tpu.dot_dimension_numbers<[1], [0], [0], [1], [0, 0, 1, 1], [], []>, transpose_lhs_hint = false} : vector<10000x128xbf16>, vector<128x256xbf16>, vector<10000x256xf32> -> vector<10000x256xf32>
    %get3A_18 = arith.constant 0 : index
    %get3A_19 = arith.constant 0 : index
    %get3A_20 = vector.load %arg3[%get3A_18, %get3A_19] : memref<1x256xf32, #tpu.memory_space<vmem>>, vector<1x256xf32>
    %add3A_21 = vector.broadcast %get3A_20 : vector<1x256xf32> to vector<10000x256xf32>
    %add3A_22 = arith.addf %dot_general3A_17, %add3A_21 : vector<10000x256xf32>
    %get3A_23 = arith.constant 0 : index
    %get3A_24 = arith.constant 0 : index
    %get3A_25 = vector.load %arg4[%get3A_23, %get3A_24] : memref<1x256xf32, #tpu.memory_space<vmem>>, vector<1x256xf32>
    %get3A_26 = arith.constant 0 : index
    %get3A_27 = arith.constant 0 : index
    %get3A_28 = vector.load %arg5[%get3A_26, %get3A_27] : memref<1x256xf32, #tpu.memory_space<vmem>>, vector<1x256xf32>
    %reduce_sum3A = arith.constant dense<0.000000e+00> : vector<256xf32>
    %reduce_sum3A_29 = vector.multi_reduction <add>, %add3A_22, %reduce_sum3A [0] : vector<10000x256xf32> to vector<256xf32>
    %div3A = arith.constant 1.000000e+04 : f32
    %div3A_30 = vector.broadcast %div3A : f32 to vector<256xf32>
    %div3A_31 = arith.divf %reduce_sum3A_29, %div3A_30 : vector<256xf32>
    %broadcast_in_dim3A = vector.shape_cast %div3A_31 : vector<256xf32> to vector<1x256xf32>
    %sub3A = vector.broadcast %broadcast_in_dim3A : vector<1x256xf32> to vector<10000x256xf32>
    %sub3A_32 = arith.subf %add3A_22, %sub3A : vector<10000x256xf32>
    %integer_pow3A = arith.mulf %sub3A_32, %sub3A_32 : vector<10000x256xf32>
    %reduce_sum3A_33 = arith.constant dense<0.000000e+00> : vector<256xf32>
    %reduce_sum3A_34 = vector.multi_reduction <add>, %integer_pow3A, %reduce_sum3A_33 [0] : vector<10000x256xf32> to vector<256xf32>
    %div3A_35 = arith.constant 1.000000e+04 : f32
    %div3A_36 = vector.broadcast %div3A_35 : f32 to vector<256xf32>
    %div3A_37 = arith.divf %reduce_sum3A_34, %div3A_36 : vector<256xf32>
    %broadcast_in_dim3A_38 = vector.shape_cast %div3A_31 : vector<256xf32> to vector<1x256xf32>
    %sub3A_39 = vector.broadcast %broadcast_in_dim3A_38 : vector<1x256xf32> to vector<10000x256xf32>
    %sub3A_40 = arith.subf %add3A_22, %sub3A_39 : vector<10000x256xf32>
    %mul3A = vector.broadcast %get3A_25 : vector<1x256xf32> to vector<10000x256xf32>
    %mul3A_41 = arith.mulf %mul3A, %sub3A_40 : vector<10000x256xf32>
    %add3A_42 = arith.constant 9.99999974E-6 : f32
    %add3A_43 = vector.broadcast %add3A_42 : f32 to vector<256xf32>
    %add3A_44 = arith.addf %div3A_37, %add3A_43 : vector<256xf32>
    %sqrt3A = math.sqrt %add3A_44 : vector<256xf32>
    %broadcast_in_dim3A_45 = vector.shape_cast %sqrt3A : vector<256xf32> to vector<1x256xf32>
    %div3A_46 = vector.broadcast %broadcast_in_dim3A_45 : vector<1x256xf32> to vector<10000x256xf32>
    %div3A_47 = arith.divf %mul3A_41, %div3A_46 : vector<10000x256xf32>
    %add3A_48 = vector.broadcast %get3A_28 : vector<1x256xf32> to vector<10000x256xf32>
    %add3A_49 = arith.addf %div3A_47, %add3A_48 : vector<10000x256xf32>
    %max3A = arith.constant 0.000000e+00 : f32
    %max3A_50 = vector.broadcast %max3A : f32 to vector<10000x256xf32>
    %max3A_51 = arith.maximumf %add3A_49, %max3A_50 : vector<10000x256xf32>
    %convert_element_type3A_52 = arith.truncf %max3A_51 : vector<10000x256xf32> to vector<10000x256xbf16>
    %get3A_53 = arith.constant 0 : index
    %get3A_54 = arith.constant 0 : index
    %get3A_55 = vector.load %arg6[%get3A_53, %get3A_54] : memref<256x128xf32, #tpu.memory_space<vmem>>, vector<256x128xf32>
    %convert_element_type3A_56 = arith.truncf %get3A_55 : vector<256x128xf32> to vector<256x128xbf16>
    %dot_general3A_57 = arith.constant dense<0.000000e+00> : vector<10000x128xf32>
    %dot_general3A_58 = tpu.matmul %convert_element_type3A_52, %convert_element_type3A_56, %dot_general3A_57 {dimension_numbers = #tpu.dot_dimension_numbers<[1], [0], [0], [1], [0, 0, 1, 1], [], []>, transpose_lhs_hint = false} : vector<10000x256xbf16>, vector<256x128xbf16>, vector<10000x128xf32> -> vector<10000x128xf32>
    %get3A_59 = arith.constant 0 : index
    %get3A_60 = arith.constant 0 : index
    %get3A_61 = vector.load %arg7[%get3A_59, %get3A_60] : memref<1x128xf32, #tpu.memory_space<vmem>>, vector<1x128xf32>
    %add3A_62 = vector.broadcast %get3A_61 : vector<1x128xf32> to vector<10000x128xf32>
    %add3A_63 = arith.addf %dot_general3A_58, %add3A_62 : vector<10000x128xf32>
    %get3A_64 = arith.constant 0 : index
    %get3A_65 = arith.constant 0 : index
    %get3A_66 = vector.load %arg8[%get3A_64, %get3A_65] : memref<1x128xf32, #tpu.memory_space<vmem>>, vector<1x128xf32>
    %get3A_67 = arith.constant 0 : index
    %get3A_68 = arith.constant 0 : index
    %get3A_69 = vector.load %arg9[%get3A_67, %get3A_68] : memref<1x128xf32, #tpu.memory_space<vmem>>, vector<1x128xf32>
    %reduce_sum3A_70 = arith.constant dense<0.000000e+00> : vector<128xf32>
    %reduce_sum3A_71 = vector.multi_reduction <add>, %add3A_63, %reduce_sum3A_70 [0] : vector<10000x128xf32> to vector<128xf32>
    %div3A_72 = arith.constant 1.000000e+04 : f32
    %div3A_73 = vector.broadcast %div3A_72 : f32 to vector<128xf32>
    %div3A_74 = arith.divf %reduce_sum3A_71, %div3A_73 : vector<128xf32>
    %broadcast_in_dim3A_75 = vector.shape_cast %div3A_74 : vector<128xf32> to vector<1x128xf32>
    %sub3A_76 = vector.broadcast %broadcast_in_dim3A_75 : vector<1x128xf32> to vector<10000x128xf32>
    %sub3A_77 = arith.subf %add3A_63, %sub3A_76 : vector<10000x128xf32>
    %integer_pow3A_78 = arith.mulf %sub3A_77, %sub3A_77 : vector<10000x128xf32>
    %reduce_sum3A_79 = arith.constant dense<0.000000e+00> : vector<128xf32>
    %reduce_sum3A_80 = vector.multi_reduction <add>, %integer_pow3A_78, %reduce_sum3A_79 [0] : vector<10000x128xf32> to vector<128xf32>
    %div3A_81 = arith.constant 1.000000e+04 : f32
    %div3A_82 = vector.broadcast %div3A_81 : f32 to vector<128xf32>
    %div3A_83 = arith.divf %reduce_sum3A_80, %div3A_82 : vector<128xf32>
    %broadcast_in_dim3A_84 = vector.shape_cast %div3A_74 : vector<128xf32> to vector<1x128xf32>
    %sub3A_85 = vector.broadcast %broadcast_in_dim3A_84 : vector<1x128xf32> to vector<10000x128xf32>
    %sub3A_86 = arith.subf %add3A_63, %sub3A_85 : vector<10000x128xf32>
    %mul3A_87 = vector.broadcast %get3A_66 : vector<1x128xf32> to vector<10000x128xf32>
    %mul3A_88 = arith.mulf %mul3A_87, %sub3A_86 : vector<10000x128xf32>
    %add3A_89 = arith.constant 9.99999974E-6 : f32
    %add3A_90 = vector.broadcast %add3A_89 : f32 to vector<128xf32>
    %add3A_91 = arith.addf %div3A_83, %add3A_90 : vector<128xf32>
    %sqrt3A_92 = math.sqrt %add3A_91 : vector<128xf32>
    %broadcast_in_dim3A_93 = vector.shape_cast %sqrt3A_92 : vector<128xf32> to vector<1x128xf32>
    %div3A_94 = vector.broadcast %broadcast_in_dim3A_93 : vector<1x128xf32> to vector<10000x128xf32>
    %div3A_95 = arith.divf %mul3A_88, %div3A_94 : vector<10000x128xf32>
    %add3A_96 = vector.broadcast %get3A_69 : vector<1x128xf32> to vector<10000x128xf32>
    %add3A_97 = arith.addf %div3A_95, %add3A_96 : vector<10000x128xf32>
    %max3A_98 = arith.constant 0.000000e+00 : f32
    %max3A_99 = vector.broadcast %max3A_98 : f32 to vector<10000x128xf32>
    %max3A_100 = arith.maximumf %add3A_97, %max3A_99 : vector<10000x128xf32>
    %swap3A = arith.constant 0 : index
    %swap3A_101 = arith.constant 0 : index
    %swap3A_102 = vector.load %arg10[%swap3A, %swap3A_101] : memref<10000x128xf32, #tpu.memory_space<vmem>>, vector<10000x128xf32>
    tpu.vector_store %arg10[%swap3A, %swap3A_101], %max3A_100 {strides = array<i32>} : memref<10000x128xf32, #tpu.memory_space<vmem>>, vector<10000x128xf32>,
    return
  }
}

module attributes {stable_mosaic.version = 14 : i64} {
  func.func @_dense_last_body(%arg0: memref<10000x128xf32, #tpu.memory_space<vmem>>, %arg1: memref<2x10240x128xf32, #tpu.memory_space<vmem>>, %arg2: memref<128x256xf32, #tpu.memory_space<vmem>>, %arg3: memref<1x256xf32, #tpu.memory_space<vmem>>, %arg4: memref<1x256xf32, #tpu.memory_space<vmem>>, %arg5: memref<1x256xf32, #tpu.memory_space<vmem>>, %arg6: memref<256x128xf32, #tpu.memory_space<vmem>>, %arg7: memref<1x128xf32, #tpu.memory_space<vmem>>, %arg8: memref<1x128xf32, #tpu.memory_space<vmem>>, %arg9: memref<1x128xf32, #tpu.memory_space<vmem>>, %arg10: memref<10000x1xi32, #tpu.memory_space<vmem>>, %arg11: memref<10000x128xf32, #tpu.memory_space<vmem>>, %arg12: memref<64x128xf32, #tpu.memory_space<vmem>>) attributes {dimension_semantics = [], scalar_prefetch = 0 : i64, scratch_operands = 0 : i64, tpu.core_type = #tpu.core_type<tc>} {
    %get3A = arith.constant 0 : index
    %get3A_0 = arith.constant 0 : index
    %get3A_1 = vector.load %arg0[%get3A, %get3A_0] : memref<10000x128xf32, #tpu.memory_space<vmem>>, vector<10000x128xf32>
    %get3A_2 = arith.constant 0 : index
    %get3A_3 = arith.constant 0 : index
    %get3A_4 = arith.constant 0 : index
    %get3A_5 = vector.load %arg1[%get3A_2, %get3A_3, %get3A_4] : memref<2x10240x128xf32, #tpu.memory_space<vmem>>, vector<1x10000x128xf32>
    %get3A_6 = vector.shape_cast %get3A_5 : vector<1x10000x128xf32> to vector<10000x128xf32>
    %add3A = arith.addf %get3A_1, %get3A_6 : vector<10000x128xf32>
    %get3A_7 = arith.constant 1 : index
    %get3A_8 = arith.constant 0 : index
    %get3A_9 = arith.constant 0 : index
    %get3A_10 = vector.load %arg1[%get3A_7, %get3A_8, %get3A_9] : memref<2x10240x128xf32, #tpu.memory_space<vmem>>, vector<1x10000x128xf32>
    %get3A_11 = vector.shape_cast %get3A_10 : vector<1x10000x128xf32> to vector<10000x128xf32>
    %add3A_12 = arith.addf %add3A, %get3A_11 : vector<10000x128xf32>
    %convert_element_type3A = arith.truncf %add3A_12 : vector<10000x128xf32> to vector<10000x128xbf16>
    %get3A_13 = arith.constant 0 : index
    %get3A_14 = arith.constant 0 : index
    %get3A_15 = vector.load %arg2[%get3A_13, %get3A_14] : memref<128x256xf32, #tpu.memory_space<vmem>>, vector<128x256xf32>
    %convert_element_type3A_16 = arith.truncf %get3A_15 : vector<128x256xf32> to vector<128x256xbf16>
    %dot_general3A = arith.constant dense<0.000000e+00> : vector<10000x256xf32>
    %dot_general3A_17 = tpu.matmul %convert_element_type3A, %convert_element_type3A_16, %dot_general3A {dimension_numbers = #tpu.dot_dimension_numbers<[1], [0], [0], [1], [0, 0, 1, 1], [], []>, transpose_lhs_hint = false} : vector<10000x128xbf16>, vector<128x256xbf16>, vector<10000x256xf32> -> vector<10000x256xf32>
    %get3A_18 = arith.constant 0 : index
    %get3A_19 = arith.constant 0 : index
    %get3A_20 = vector.load %arg3[%get3A_18, %get3A_19] : memref<1x256xf32, #tpu.memory_space<vmem>>, vector<1x256xf32>
    %add3A_21 = vector.broadcast %get3A_20 : vector<1x256xf32> to vector<10000x256xf32>
    %add3A_22 = arith.addf %dot_general3A_17, %add3A_21 : vector<10000x256xf32>
    %get3A_23 = arith.constant 0 : index
    %get3A_24 = arith.constant 0 : index
    %get3A_25 = vector.load %arg4[%get3A_23, %get3A_24] : memref<1x256xf32, #tpu.memory_space<vmem>>, vector<1x256xf32>
    %get3A_26 = arith.constant 0 : index
    %get3A_27 = arith.constant 0 : index
    %get3A_28 = vector.load %arg5[%get3A_26, %get3A_27] : memref<1x256xf32, #tpu.memory_space<vmem>>, vector<1x256xf32>
    %reduce_sum3A = arith.constant dense<0.000000e+00> : vector<256xf32>
    %reduce_sum3A_29 = vector.multi_reduction <add>, %add3A_22, %reduce_sum3A [0] : vector<10000x256xf32> to vector<256xf32>
    %div3A = arith.constant 1.000000e+04 : f32
    %div3A_30 = vector.broadcast %div3A : f32 to vector<256xf32>
    %div3A_31 = arith.divf %reduce_sum3A_29, %div3A_30 : vector<256xf32>
    %broadcast_in_dim3A = vector.shape_cast %div3A_31 : vector<256xf32> to vector<1x256xf32>
    %sub3A = vector.broadcast %broadcast_in_dim3A : vector<1x256xf32> to vector<10000x256xf32>
    %sub3A_32 = arith.subf %add3A_22, %sub3A : vector<10000x256xf32>
    %integer_pow3A = arith.mulf %sub3A_32, %sub3A_32 : vector<10000x256xf32>
    %reduce_sum3A_33 = arith.constant dense<0.000000e+00> : vector<256xf32>
    %reduce_sum3A_34 = vector.multi_reduction <add>, %integer_pow3A, %reduce_sum3A_33 [0] : vector<10000x256xf32> to vector<256xf32>
    %div3A_35 = arith.constant 1.000000e+04 : f32
    %div3A_36 = vector.broadcast %div3A_35 : f32 to vector<256xf32>
    %div3A_37 = arith.divf %reduce_sum3A_34, %div3A_36 : vector<256xf32>
    %broadcast_in_dim3A_38 = vector.shape_cast %div3A_31 : vector<256xf32> to vector<1x256xf32>
    %sub3A_39 = vector.broadcast %broadcast_in_dim3A_38 : vector<1x256xf32> to vector<10000x256xf32>
    %sub3A_40 = arith.subf %add3A_22, %sub3A_39 : vector<10000x256xf32>
    %mul3A = vector.broadcast %get3A_25 : vector<1x256xf32> to vector<10000x256xf32>
    %mul3A_41 = arith.mulf %mul3A, %sub3A_40 : vector<10000x256xf32>
    %add3A_42 = arith.constant 9.99999974E-6 : f32
    %add3A_43 = vector.broadcast %add3A_42 : f32 to vector<256xf32>
    %add3A_44 = arith.addf %div3A_37, %add3A_43 : vector<256xf32>
    %sqrt3A = math.sqrt %add3A_44 : vector<256xf32>
    %broadcast_in_dim3A_45 = vector.shape_cast %sqrt3A : vector<256xf32> to vector<1x256xf32>
    %div3A_46 = vector.broadcast %broadcast_in_dim3A_45 : vector<1x256xf32> to vector<10000x256xf32>
    %div3A_47 = arith.divf %mul3A_41, %div3A_46 : vector<10000x256xf32>
    %add3A_48 = vector.broadcast %get3A_28 : vector<1x256xf32> to vector<10000x256xf32>
    %add3A_49 = arith.addf %div3A_47, %add3A_48 : vector<10000x256xf32>
    %max3A = arith.constant 0.000000e+00 : f32
    %max3A_50 = vector.broadcast %max3A : f32 to vector<10000x256xf32>
    %max3A_51 = arith.maximumf %add3A_49, %max3A_50 : vector<10000x256xf32>
    %convert_element_type3A_52 = arith.truncf %max3A_51 : vector<10000x256xf32> to vector<10000x256xbf16>
    %get3A_53 = arith.constant 0 : index
    %get3A_54 = arith.constant 0 : index
    %get3A_55 = vector.load %arg6[%get3A_53, %get3A_54] : memref<256x128xf32, #tpu.memory_space<vmem>>, vector<256x128xf32>
    %convert_element_type3A_56 = arith.truncf %get3A_55 : vector<256x128xf32> to vector<256x128xbf16>
    %dot_general3A_57 = arith.constant dense<0.000000e+00> : vector<10000x128xf32>
    %dot_general3A_58 = tpu.matmul %convert_element_type3A_52, %convert_element_type3A_56, %dot_general3A_57 {dimension_numbers = #tpu.dot_dimension_numbers<[1], [0], [0], [1], [0, 0, 1, 1], [], []>, transpose_lhs_hint = false} : vector<10000x256xbf16>, vector<256x128xbf16>, vector<10000x128xf32> -> vector<10000x128xf32>
    %get3A_59 = arith.constant 0 : index
    %get3A_60 = arith.constant 0 : index
    %get3A_61 = vector.load %arg7[%get3A_59, %get3A_60] : memref<1x128xf32, #tpu.memory_space<vmem>>, vector<1x128xf32>
    %add3A_62 = vector.broadcast %get3A_61 : vector<1x128xf32> to vector<10000x128xf32>
    %add3A_63 = arith.addf %dot_general3A_58, %add3A_62 : vector<10000x128xf32>
    %get3A_64 = arith.constant 0 : index
    %get3A_65 = arith.constant 0 : index
    %get3A_66 = vector.load %arg8[%get3A_64, %get3A_65] : memref<1x128xf32, #tpu.memory_space<vmem>>, vector<1x128xf32>
    %get3A_67 = arith.constant 0 : index
    %get3A_68 = arith.constant 0 : index
    %get3A_69 = vector.load %arg9[%get3A_67, %get3A_68] : memref<1x128xf32, #tpu.memory_space<vmem>>, vector<1x128xf32>
    %reduce_sum3A_70 = arith.constant dense<0.000000e+00> : vector<128xf32>
    %reduce_sum3A_71 = vector.multi_reduction <add>, %add3A_63, %reduce_sum3A_70 [0] : vector<10000x128xf32> to vector<128xf32>
    %div3A_72 = arith.constant 1.000000e+04 : f32
    %div3A_73 = vector.broadcast %div3A_72 : f32 to vector<128xf32>
    %div3A_74 = arith.divf %reduce_sum3A_71, %div3A_73 : vector<128xf32>
    %broadcast_in_dim3A_75 = vector.shape_cast %div3A_74 : vector<128xf32> to vector<1x128xf32>
    %sub3A_76 = vector.broadcast %broadcast_in_dim3A_75 : vector<1x128xf32> to vector<10000x128xf32>
    %sub3A_77 = arith.subf %add3A_63, %sub3A_76 : vector<10000x128xf32>
    %integer_pow3A_78 = arith.mulf %sub3A_77, %sub3A_77 : vector<10000x128xf32>
    %reduce_sum3A_79 = arith.constant dense<0.000000e+00> : vector<128xf32>
    %reduce_sum3A_80 = vector.multi_reduction <add>, %integer_pow3A_78, %reduce_sum3A_79 [0] : vector<10000x128xf32> to vector<128xf32>
    %div3A_81 = arith.constant 1.000000e+04 : f32
    %div3A_82 = vector.broadcast %div3A_81 : f32 to vector<128xf32>
    %div3A_83 = arith.divf %reduce_sum3A_80, %div3A_82 : vector<128xf32>
    %broadcast_in_dim3A_84 = vector.shape_cast %div3A_74 : vector<128xf32> to vector<1x128xf32>
    %sub3A_85 = vector.broadcast %broadcast_in_dim3A_84 : vector<1x128xf32> to vector<10000x128xf32>
    %sub3A_86 = arith.subf %add3A_63, %sub3A_85 : vector<10000x128xf32>
    %mul3A_87 = vector.broadcast %get3A_66 : vector<1x128xf32> to vector<10000x128xf32>
    %mul3A_88 = arith.mulf %mul3A_87, %sub3A_86 : vector<10000x128xf32>
    %add3A_89 = arith.constant 9.99999974E-6 : f32
    %add3A_90 = vector.broadcast %add3A_89 : f32 to vector<128xf32>
    %add3A_91 = arith.addf %div3A_83, %add3A_90 : vector<128xf32>
    %sqrt3A_92 = math.sqrt %add3A_91 : vector<128xf32>
    %broadcast_in_dim3A_93 = vector.shape_cast %sqrt3A_92 : vector<128xf32> to vector<1x128xf32>
    %div3A_94 = vector.broadcast %broadcast_in_dim3A_93 : vector<1x128xf32> to vector<10000x128xf32>
    %div3A_95 = arith.divf %mul3A_88, %div3A_94 : vector<10000x128xf32>
    %add3A_96 = vector.broadcast %get3A_69 : vector<1x128xf32> to vector<10000x128xf32>
    %add3A_97 = arith.addf %div3A_95, %add3A_96 : vector<10000x128xf32>
    %swap3A = arith.constant 0 : index
    %swap3A_98 = arith.constant 0 : index
    %swap3A_99 = vector.load %arg11[%swap3A, %swap3A_98] : memref<10000x128xf32, #tpu.memory_space<vmem>>, vector<10000x128xf32>
    tpu.vector_store %arg11[%swap3A, %swap3A_98], %add3A_97 {strides = array<i32>} : memref<10000x128xf32, #tpu.memory_space<vmem>>, vector<10000x128xf32>,
    %get3A_100 = arith.constant 0 : index
    %get3A_101 = arith.constant 0 : index
    %get3A_102 = vector.load %arg10[%get3A_100, %get3A_101] : memref<10000x1xi32, #tpu.memory_space<vmem>>, vector<10000x1xi32>
    %iota3A = tpu.iota {dimensions = array<i32: 1>} : vector<1x64xi32>
    %eq3A = vector.broadcast %get3A_102 : vector<10000x1xi32> to vector<10000x64xi32>
    %eq3A_103 = vector.broadcast %iota3A : vector<1x64xi32> to vector<10000x64xi32>
    %eq3A_104 = arith.cmpi eq, %eq3A, %eq3A_103 : vector<10000x64xi32>
    %convert_element_type3A_105 = arith.extui %eq3A_104 : vector<10000x64xi1> to vector<10000x64xi32>
    %convert_element_type3A_106 = arith.sitofp %convert_element_type3A_105 : vector<10000x64xi32> to vector<10000x64xf32>
    %dot_general3A_107 = arith.constant dense<0.000000e+00> : vector<64x128xf32>
    %dot_general3A_108 = tpu.matmul %convert_element_type3A_106, %add3A_97, %dot_general3A_107 {dimension_numbers = #tpu.dot_dimension_numbers<[0], [0], [1], [1], [0, 1, 1, 1], [], []>, precision = #tpu.contract_precision<fp32>, transpose_lhs_hint = false} : vector<10000x64xf32>, vector<10000x128xf32>, vector<64x128xf32> -> vector<64x128xf32>
    %mul3A_109 = arith.mulf %dot_general3A_108, %dot_general3A_108 : vector<64x128xf32>
    %reduce_sum3A_110 = arith.constant dense<0.000000e+00> : vector<64xf32>
    %reduce_sum3A_111 = vector.multi_reduction <add>, %mul3A_109, %reduce_sum3A_110 [1] : vector<64x128xf32> to vector<64xf32>
    %broadcast_in_dim3A_112 = vector.shape_cast %reduce_sum3A_111 : vector<64xf32> to vector<64x1xf32>
    %sqrt3A_113 = math.sqrt %broadcast_in_dim3A_112 : vector<64x1xf32>
    %max3A_114 = arith.constant 9.99999996E-13 : f32
    %max3A_115 = vector.broadcast %max3A_114 : f32 to vector<64x1xf32>
    %max3A_116 = arith.maximumf %sqrt3A_113, %max3A_115 : vector<64x1xf32>
    %div3A_117 = vector.broadcast %max3A_116 : vector<64x1xf32> to vector<64x128xf32>
    %div3A_118 = arith.divf %dot_general3A_108, %div3A_117 : vector<64x128xf32>
    %swap3A_119 = arith.constant 0 : index
    %swap3A_120 = arith.constant 0 : index
    %swap3A_121 = vector.load %arg12[%swap3A_119, %swap3A_120] : memref<64x128xf32, #tpu.memory_space<vmem>>, vector<64x128xf32>
    tpu.vector_store %arg12[%swap3A_119, %swap3A_120], %div3A_118 {strides = array<i32>} : memref<64x128xf32, #tpu.memory_space<vmem>>, vector<64x128xf32>,
    return
  }
}

</mosaic_0001>

<sc_bundles>
// kernel: kernel.12.cloned.1.call-start
scs
__scs_entry_jumppad:
0x0: {  	(pc) =	sbr.rel $0x88, $3  }
0x1: {  	(tag) =	ssettag $0x0;
	lr =	simm.s32 $0x1  }
0x2: {  	[smem:$0x3F83] =	sst lr;
	_ =	strace $0xD0000000  }
0x3: {  	_ = 	snop  }
0x4: {  	_ = 	snop  }
0x5: {  	_ = 	snop  }
0x6: {  	_ = 	snop  }
0x7: {  	_ = 	snop  }
__scs_overlays_trampoline_lowered:
0x8: {  	[smem:$0x3F92] =	sst s0  }
0x9: {  	[smem:$0x3F93] =	sst s1  }
0xa: {  	[smem:$0x3F94] =	sst s2  }
0xb: {  	[smem:$0x3F95] =	sst s3  }
0xc: {  	[smem:$0x3F96] =	sst s4  }
0xd: {  	[smem:$0x3F97] =	sst s5  }
0xe: {  	[smem:$0x3F98] =	sst s6  }
0xf: {  	[smem:$0x3F99] =	sst s7  }
0x10: {  	[smem:$0x3F9A] =	sst s8  }
0x11: {  	[smem:$0x3F9B] =	sst s9;
	s0 =	simm.s32 @!p0 $0x0  }
0x12: {  	s1 =	sld [smem:$0x3F81];
	s0 =	simm.s32 @p0 $0x1  }
0x13: {  	[smem:$0x3F9C] =	sst s0;
	s0 =	simm.s32 @!p1 $0x0  }
0x14: {  	s2 =	sld [smem:$0x3F80];
	s0 =	simm.s32 @p1 $0x1  }
0x15: {  	[smem:$0x3F9D] =	sst s0;
	s0 =	simm.s32 @!p2 $0x0  }
0x16: {  	s3 =	sld [smem:$0x3FDB];
	s0 =	simm.s32 @p2 $0x1  }
0x17: {  	s4 =	simm.s32 $0x1BF5;
	[smem:$0x3F9F] =	sst s0  }
0x18: {  	s0 =	sld [smem:$0x3F82];
	_ =	swait.ge [sflag:s4], $0x0  }
0x19: {  	s7 =	sld [smem:$0x3F83]  }
0x1a: {  	s8 =	sadd.s32 $0xFFFFE003, lr  }
0x1b: {  	s9 =	sadd.s32 $0xFFFFFEF7, lr;
	s5 =	simm.s32 $0xFFFFFFFF;
	p2 =	slt.u32 s8, $0xFFFFF086  }
0x1c: {  	p1 =	slt.u32 s9, $0xF7A;
	s5 =	simm.s32 @!p2 $0x0  }
0x1d: {  	s5 =	simm.s32 @p1 $0x1;
	p0 =	seq.s32 s7, s2  }
0x1e: {  	s7 =	smul.u32 @!p0 $0xF7A, s2;
	p2 =	seq.s32 @!p0 s5, $0x0  }
0x1f: {  	s9 =	smul.u32 $0xF7A, s1;
	s8 =	simm.s32 @!p0 $0x1BF5;
	p2 =	por !p2, p0  }
0x20: {  	[sflag:s8] =	ssyncset.s32 @!p0 $0xFFFFF086;
	s6 =	sadd.s32 @!p0 s3, s7;
	s7 =	simm.s32 @!p0 $0x108  }
0x21: {  	s3 =	sadd.s32 s3, s9;
	s6 =	sadd.s32 @!p0 $0x88, s6;
	s7 =	simm.s32 @p2 $0x1082  }
0x22: {  	[simem:s7], [sflag:s8] =	dma.local @!p0 [hbm:s6], $0xF7A  }
0x23: {  	s9 =	sor.u32 $0xD0000000, s2;
	s6 =	simm.s32 $0x108;
	_ =	swait.ge @!p0 [sflag:s8], $0x0  }
0x24: {  	s3 =	sadd.s32 $0x88, s3;
	s6 =	simm.s32 @!p1 $0x1082;
	[sflag:s4] =	ssyncset.s32 $0xFFFFF086  }
0x25: {  	[simem:s6], [sflag:s4] =	dma.local [hbm:s3], $0xF7A  }
0x26: {  	[smem:$0x3F83] =	sst s1;
	(tag) =	ssettag s2;
	_ =	strace s9  }
0x27: {  	s1 =	sld [smem:$0x3F93]  }
0x28: {  	s2 =	sld [smem:$0x3F94]  }
0x29: {  	s4 =	sld [smem:$0x3F96]  }
0x2a: {  	p0 =	seq.s32 s5, $0x0;
	s5 =	sld [smem:$0x3F97]  }
0x2b: {  	s6 =	sld [smem:$0x3F98]  }
0x2c: {  	s7 =	sld [smem:$0x3F99]  }
0x2d: {  	s3 =	simm.s32 $0x108;
	s8 =	sld [smem:$0x3F9A]  }
0x2e: {  	s3 =	simm.s32 @!p0 $0x1082;
	s9 =	sld [smem:$0x3F9B]  }
0x2f: {  	lr =	sadd.s32 s0, s3;
	s0 =	sld [smem:$0x3F92]  }
0x30: {  	s3 =	sld [smem:$0x3F95]  }
0x31: {  	[smem:$0x3F9E] =	sst s10  }
0x32: {  	s10 =	sld [smem:$0x3F9C];
	_ =	sdelay $0x3  }
0x33: {  	p0 =	seq.s32 s10, $0x1;
	s10 =	sld [smem:$0x3F9E];
	_ =	sdelay $0x3  }
0x34: {  	[smem:$0x3F9E] =	sst s10  }
0x35: {  	s10 =	sld [smem:$0x3F9D];
	_ =	sdelay $0x3  }
0x36: {  	p1 =	seq.s32 s10, $0x1;
	s10 =	sld [smem:$0x3F9E];
	_ =	sdelay $0x3  }
0x37: {  	[smem:$0x3F9E] =	sst s10  }
0x38: {  	s10 =	sld [smem:$0x3F9F]  }
0x39: {  	_ = 	snop;
	(pc) =	sbr.ind lr, $3  }
0x3a: {  	_ = 	snop  }
0x3b: {  	_ = 	snop  }
0x3c: {  	p2 =	seq.s32 s10, $0x1;
	s10 =	sld [smem:$0x3F9E]  }
0x3d: {  	_ =	shalt  }
0x3e: {  	_ =	shalt  }
0x3f: {  	_ =	shalt  }
0x40: {  	_ =	shalt  }
0x41: {  	_ =	shalt  }
0x42: {  	_ =	shalt  }
0x43: {  	_ =	shalt  }
0x44: {  	_ =	shalt  }
0x45: {  	_ =	shalt  }
0x46: {  	_ =	shalt  }
0x47: {  	_ =	shalt  }
0x48: {  	_ =	shalt  }
0x49: {  	_ =	shalt  }
0x4a: {  	_ =	shalt  }
0x4b: {  	_ =	shalt  }
0x4c: {  	_ =	shalt  }
0x4d: {  	_ =	shalt  }
0x4e: {  	_ =	shalt  }
0x4f: {  	_ =	shalt  }
0x50: {  	_ =	shalt  }
0x51: {  	_ =	shalt  }
0x52: {  	_ =	shalt  }
0x53: {  	_ =	shalt  }
0x54: {  	_ =	shalt  }
0x55: {  	_ =	shalt  }
0x56: {  	_ =	shalt  }
0x57: {  	_ =	shalt  }
0x58: {  	_ =	shalt  }
0x59: {  	_ =	shalt  }
0x5a: {  	_ =	shalt  }
0x5b: {  	_ =	shalt  }
0x5c: {  	_ =	shalt  }
0x5d: {  	_ =	shalt  }
0x5e: {  	_ =	shalt  }
0x5f: {  	_ =	shalt  }
0x60: {  	_ =	shalt  }
0x61: {  	_ =	shalt  }
0x62: {  	_ =	shalt  }
0x63: {  	_ =	shalt  }
0x64: {  	_ =	shalt  }
0x65: {  	_ =	shalt  }
0x66: {  	_ =	shalt  }
0x67: {  	_ =	shalt  }
0x68: {  	_ =	shalt  }
0x69: {  	_ =	shalt  }
0x6a: {  	_ =	shalt  }
0x6b: {  	_ =	shalt  }
0x6c: {  	_ =	shalt  }
0x6d: {  	_ =	shalt  }
0x6e: {  	_ =	shalt  }
0x6f: {  	_ =	shalt  }
0x70: {  	_ =	shalt  }
0x71: {  	_ =	shalt  }
0x72: {  	_ =	shalt  }
0x73: {  	_ =	shalt  }
0x74: {  	_ =	shalt  }
0x75: {  	_ =	shalt  }
0x76: {  	_ =	shalt  }
0x77: {  	_ =	shalt  }
0x78: {  	_ =	shalt  }
0x79: {  	_ =	shalt  }
0x7a: {  	_ =	shalt  }
0x7b: {  	_ =	shalt  }
0x7c: {  	_ =	shalt  }
0x7d: {  	_ =	shalt  }
0x7e: {  	_ =	shalt  }
0x7f: {  	_ =	shalt  }
0x80: {  	_ =	shalt  }
0x81: {  	_ =	shalt  }
0x82: {  	_ =	shalt  }
0x83: {  	_ =	shalt  }
0x84: {  	_ =	shalt  }
0x85: {  	_ =	shalt  }
0x86: {  	_ =	shalt  }
0x87: {  	_ =	shalt  }
.Lfunc_end0:
.L_simem_size_0:
called_computation_lowered:
.L_overlay_start_0:
0x88: {  	s2 =	sld [smem:$0x3FD9]  }
0x89: {  	s3 =	sld [smem:$0x3FFE];
	_ =	sdelay $0x1  }
0x8a: {  	s1 =	srdreg.scid  }
0x8b: {  	s0 =	sand.u32 $0x1, s1  }
0x8c: {  	s14 =	sshll.u32 s0, $0xA;
	s2 =	sadd.s32 s3, s2  }
0x8d: {  	s2 =	sadd.s32 s2, s14  }
0x8e: {  	[smem:$0x3FAA] =	sst s2  }
0x8f: {  	_ = 	snop  }
0x90: {  	s2 =	sld [smem:$0x3FD0];
	_ =	sdelay $0x2  }
0x91: {  	s15 =	simm.s32 $0xA;
	s4 =	simm.s32 $0x10  }
0x92: {  	[smem:s4], [sflag:s15] =	dma.local [hbm:s2], $0x1  }
0x93: {  	_ =	swait.eq [sflag:s15], $0x1  }
0x94: {  	[sflag:s15] =	ssyncset.done $0x0  }
0x95: {  	[sflag:s15] =	ssyncadd.s32 $0xFFFFFFFF  }
0x96: {  	s16 =	sld [smem:$0x11];
	(tm) =	ssettm $0x1  }
0x97: {  	s17 =	sld [smem:$0x3FFB];
	_ =	sdelay $0x3  }
0x98: {  	_ =	strace s17  }
0x99: {  	s3 =	sld [smem:$0x3FFC];
	_ =	sdelay $0x3  }
0x9a: {  	_ =	strace s3  }
0x9b: {  	s3 =	sld [smem:$0x3FFD];
	_ =	sdelay $0x3  }
0x9c: {  	_ =	strace s3  }
0x9d: {  	_ =	strace $0x8FFFFFFF  }
0x9e: {  	s18 =	sld [smem:$0x3FDB];
	_ =	sdelay $0x1  }
0x9f: {  	s19 =	simm.s32 $_scs_section_size  }
0xa0: {  	s5 =	simm.s32 $_size__tile_overlayer_lowered;
	s6 =	simm.s32 $_tile_overlayer_lowered  }
0xa1: {  	s22 =	simm.s32 $0x1BFF;
	s21 =	sshll.u32 s6, $0x1;
	s3 =	sadd.s32 s19, s18  }
0xa2: {  	s7 =	simm.s32 $0x0;
	s20 =	sshll.u32 s5, $0x1;
	s5 =	sadd.s32 s21, s3  }
0xa3: {  	[timem:s7], [sflag:s22] =	dma.local [hbm:s5], s20  }
0xa4: {  	_ =	swait.ge [sflag:s22], s20  }
0xa5: {  	s4 =	ssub.s32 $0x0, s20;
	[sflag:s22] =	ssyncset.done $0x0  }
0xa6: {  	[sflag:s22] =	ssyncadd.s32 s4;
	_ =	sdelay $0x1  }
0xa7: {  	s23 =	simm.s32 $0x1B8B  }
0xa8: {  	_ =	swait.ge [sflag:s23], $0x1  }
0xa9: {  	[sflag:s23] =	ssyncset.done $0x0  }
0xaa: {  	s25 =	simm.s32 $0x1B8E;
	s24 =	sld [smem:$0x3FFE];
	[sflag:s23] =	ssyncadd.s32 $0xFFFFFFFF  }
0xab: {  	s26 =	simm.s32 $execute0_lowered;
	[smem:$0x3FD2] =	sst s25  }
0xac: {  	s5 =	sshll.u32 s26, $0x1;
	_ =	strace $0x80000046;
	[dreg:$0x1] =	wrdreg $0xFFFFFFFF  }
0xad: {  	s28 =	simm.s32 $_size_execute0_lowered;
	s3 =	sadd.s32 s3, s5;
	[dreg:$0x0] =	wrdreg $0x0  }
0xae: {  	s5 =	sshll.u32 s28, $0x1;
	[dreg:$0x2] =	wrdreg s3  }
0xaf: {  	[dreg:$0x3] =	wrdreg s5  }
0xb0: {  	[dreg:$0x4] =	wrdreg $0xC0  }
0xb1: {  	_ =	task [dreg:s7], $0x5FFFF  }
0xb2: {  	[dreg:$0x1] =	wrdreg $0xFFFFFFFF  }
0xb3: {  	[dreg:$0x0] =	wrdreg $0x60  }
0xb4: {  	[dreg:$0x2] =	wrdreg s24  }
0xb5: {  	[dreg:$0x3] =	wrdreg s16  }
0xb6: {  	[dreg:$0x4] =	wrdreg $0x0  }
0xb7: {  	[dreg:$0x5] =	wrdreg $0x9  }
0xb8: {  	_ =	task.clear_ibuf [dreg:s7], $0x6FFFF;
	_ =	strace $0x90000046  }
0xb9: {  	s29 =	simm.s32 $0x9;
	_ =	strace $0x80000048  }
0xba: {  	_ =	swait.ge [sflag:s29], $0x1  }
0xbb: {  	[sflag:s29] =	ssyncadd.s32 $0xFFFFFFFF  }
0xbc: {  	_ =	strace $0x90000048  }
0xbd: {  	_ =	sfence  }
0xbe: {  	s30 =	sld [smem:$0x0];
	_ =	sdelay $0x2  }
0xbf: {  	s31 =	sshll.u32 s1, $0xD;
	s1 =	sshrl.u32 s1, $0x2  }
0xc0: {  	s3 =	sand.u32 $0x4000, s31;
	s1 =	sadd.s32 s1, s30  }
0xc1: {  	s0 =	sor.u32 s3, s0;
	s1 =	sshll.u32 s1, $0x11  }
0xc2: {  	s0 =	sor.u32 s1, s0  }
0xc3: {  	s0 =	sadd.s32 $0x8F2B, s0  }
0xc4: {  	[sflag:s0] =	ssyncadd.remote.s32 $0x1  }
0xc5: {  	_ =	sfence.sel $0xFFFF  }
0xc6: {  	[dreg:$0x0] =	wrdreg $0xFFFFFFFF;
	(pc) =	sbr.abs _section_cstart, $3  }
0xc7: {  	[dreg:$0x1] =	wrdreg $0xFFFFFFFF  }
0xc8: {  	_ =	task.clear_ibuf [dreg:s7], $0x2FFFF;
	_ =	strace $0x9FFFFFFF  }
0xc9: {  	(tm) =	ssettm $0x7FFFFFFF  }
tec
execute0_lowered:
.L_overlay_start_1:
0x0: {  	(tag) =	ssettag $0x1  }
0x1: {  	s0 =	srdreg.scid;
	s1 =	rddreg [dreg:$0x0]  }
0x2: {  	s9 =	stileid.u32;
	s5 =	rddreg [dreg:$0x1]  }
0x3: {  	s2 =	rddreg [dreg:$0x2];
	s3 =	simm.s32 $0x0;
	s11 =	simm.s32 $0x14880  }
0x4: {  	s13 =	simm.s32 $0x14180;
	s15 =	simm.s32 $0x14900;
	s16 =	simm.s32 $0x14200  }
0x5: {  	s17 =	simm.s32 $0x14980;
	s18 =	simm.s32 $0x14280;
	[smem:$0x7FF] =	sst s3  }
0x6: {  	s19 =	simm.s32 $0x14A00;
	_ =	strace $0x80000047;
	[dreg:$0x8] =	wrdreg s11  }
0x7: {  	s20 =	simm.s32 $0x14300;
	s21 =	simm.s32 $0x14A80;
	[dreg:$0x9] =	wrdreg s13  }
0x8: {  	s22 =	simm.s32 $0x14380;
	s23 =	simm.s32 $0x14B00;
	[dreg:$0xa] =	wrdreg s15  }
0x9: {  	s24 =	simm.s32 $0x14400;
	s28 =	simm.s32 $0x14600;
	[dreg:$0xb] =	wrdreg s16  }
0xa: {  	s29 =	simm.s32 $0x14D80;
	s6 =	smul.u32 $0x2800, s9;
	[dreg:$0xc] =	wrdreg s17  }
0xb: {  	s30 =	simm.s32 $0x14680;
	s8 =	smul.u32 $0x14000, s9;
	[dreg:$0xd] =	wrdreg s18  }
0xc: {  	s0 =	sand.u32 $0x1, s0;
	s9 =	smul.u32 $0x50000, s9;
	[dreg:$0xe] =	wrdreg s19  }
0xd: {  	s31 =	simm.s32 $0x14E00;
	s4 =	smul.u32 $0x28000, s0;
	[dreg:$0xf] =	wrdreg s20  }
0xe: {  	s7 =	smul.u32 $0x140000, s0;
	s0 =	ssub.s32 $0x2, s0;
	[dreg:$0x10] =	wrdreg s21  }
0xf: {  	s13 =	simm.s32 $0x5;
	s15 =	simm.s32 $0x14800;
	[dreg:$0x11] =	wrdreg s22  }
0x10: {  	s16 =	simm.s32 $0x80;
	s17 =	simm.s32 $0x1;
	[dreg:$0x12] =	wrdreg s23  }
0x11: {  	s18 =	simm.s32 $0x19000;
	[dreg:$0x13] =	wrdreg s24;
	s19 =	simm.s32 $0x2  }
0x12: {  	s20 =	simm.s32 $0x3;
	s26 =	sshrl.u32 s0, $0x1;
	s6 =	sadd.s32 s6, s4  }
0x13: {  	s7 =	sadd.s32 s8, s7;
	s4 =	sadd.s32 $0xD1600, s1;
	s0 =	ssub.s32 s0, s26  }
0x14: {  	s26 =	simm.s32 $0x14480;
	s6 =	sshrl.u32 s6, $0x3;
	s7 =	sshrl.u32 s7, $0x3  }
0x15: {  	s0 =	smax.u32 s0, $0x1;
	[dreg:$0x15] =	wrdreg s26;
	s25 =	sadd.s32 s6, s1  }
0x16: {  	s1 =	sadd.s32 s7, s1;
	s5 =	sadd.s32 s6, s5;
	[dreg:$0x1c] =	wrdreg s0  }
0x17: {  	s7 =	sshrl.u32 s9, $0x2;
	s9 =	simm.s32 $0x14100;
	[dreg:$0x5] =	wrdreg s5  }
0x18: {  	s21 =	simm.s32 $0x4;
	s8 =	sadd.s32 $0x4000, s25;
	[dreg:$0x7] =	wrdreg s9  }
0x19: {  	s22 =	simm.s32 $0x14C00;
	s6 =	sadd.s32 s7, s2;
	[dreg:$0x4] =	wrdreg s8  }
0x1a: {  	s23 =	simm.s32 $0x14500;
	s1 =	sadd.s32 $0xE000, s1;
	[dreg:$0x16] =	wrdreg s6  }
0x1b: {  	s24 =	simm.s32 $0x14C80;
	s25 =	simm.s32 $0x14B80;
	[dreg:$0x1b] =	wrdreg s1  }
0x1c: {  	s26 =	simm.s32 $0x14D00;
	s8 =	simm.s32 $0x14080;
	[dreg:$0x14] =	wrdreg s25  }
0x1d: {  	s0 =	simm.s32 $0x14E80;
	s10 =	sadd.s32 $0x4000, s6;
	[dreg:$0x6] =	wrdreg s8  }
0x1e: {  	s7 =	simm.s32 $0x14F00;
	s12 =	sadd.s32 $0x8000, s6;
	[dreg:$0x17] =	wrdreg s10  }
0x1f: {  	s9 =	simm.s32 $0x0;
	s14 =	sadd.s32 $0xC000, s6;
	[dreg:$0x18] =	wrdreg s12  }
0x20: {  	s6 =	sadd.s32 $0x10000, s6;
	s25 =	simm.s32 $0x14580;
	[dreg:$0x19] =	wrdreg s14  }
0x21: {  	s1 =	simm.s32 $0x14700;
	[dreg:$0x1a] =	wrdreg s6;
	s12 =	simm.s32 $0x15000  }
0x22: {  	v0 =	vimm.f32 $0.0e+00;
	s14 =	simm.s32 $0x14000;
	s6 =	simm.s32 $0x14780;
	s8 =	simm.s32 $0x14F80  }
.LBB2_1:
0x23: {  	s10 =	simm.s32 $0x0;
	s11 =	simm.s32 $0x200  }
.LBB2_2:
0x24: {  	p0 =	sne.s32 s11, $0xFE00;
	[tilespmem:s10+$0x15070] =	vst v0  }
0x25: {  	[tilespmem:s10+$0x15000] =	vst v0  }
0x26: {  	[tilespmem:s10+$0x15010] =	vst v0  }
.Ltmp0:
0x27: {  	[tilespmem:s10+$0x15020] =	vst v0;
	(pc) =	sbr.rel @p0 .LBB2_2-.Ltmp0, $4  }
0x28: {  	[tilespmem:s10+$0x15030] =	vst v0  }
0x29: {  	[tilespmem:s10+$0x15040] =	vst v0  }
0x2a: {  	[tilespmem:s10+$0x15050] =	vst v0  }
0x2b: {  	[tilespmem:s10+$0x15060] =	vst v0;
	s10 =	sshra.s32 s11, $0x2;
	s11 =	sadd.s32 $0x200, s11  }
0x2c: {  	[tilespmem:s10+$0x15070] =	vst v0  }
0x2d: {  	[tilespmem:s10+$0x15000] =	vst v0  }
0x2e: {  	[tilespmem:s10+$0x15010] =	vst v0  }
0x2f: {  	[tilespmem:s10+$0x15020] =	vst v0  }
0x30: {  	[tilespmem:s10+$0x15030] =	vst v0  }
0x31: {  	[tilespmem:s10+$0x15040] =	vst v0  }
0x32: {  	[dreg:$0x1d] =	wrdreg s9;
	[tilespmem:s10+$0x15050] =	vst v0  }
0x33: {  	[tilespmem:s10+$0x15060] =	vst v0;
	s5 =	rddreg [dreg:$0x16]  }
0x34: {  	[spmem:s5] =	stream.linear.scatter [tilespmem:s12], [sflag:$0x5], $0x4000, $0x38;
	[tilespmem:$0x1D000] =	vst v63  }
0x35: {  	_ =	swait.ge [sflag:s13], $0x4000  }
0x36: {  	[sflag:s13] =	ssyncset.done $0x0  }
0x37: {  	s10 =	rddreg [dreg:$0x17];
	[sflag:s13] =	ssyncadd.s32 $0xFFFFC000  }
0x38: {  	[spmem:s10] =	stream.linear.scatter [tilespmem:s12], [sflag:$0x5], $0x4000, $0x38;
	[tilespmem:$0x1D000] =	vst v63  }
0x39: {  	_ =	swait.ge [sflag:s13], $0x4000  }
0x3a: {  	[sflag:s13] =	ssyncset.done $0x0  }
0x3b: {  	s11 =	rddreg [dreg:$0x18];
	[sflag:s13] =	ssyncadd.s32 $0xFFFFC000  }
0x3c: {  	[spmem:s11] =	stream.linear.scatter [tilespmem:s12], [sflag:$0x5], $0x4000, $0x38;
	[tilespmem:$0x1D000] =	vst v63  }
0x3d: {  	_ =	swait.ge [sflag:s13], $0x4000  }
0x3e: {  	[sflag:s13] =	ssyncset.done $0x0  }
0x3f: {  	s9 =	rddreg [dreg:$0x19];
	[sflag:s13] =	ssyncadd.s32 $0xFFFFC000  }
0x40: {  	[spmem:s9] =	stream.linear.scatter [tilespmem:s12], [sflag:$0x5], $0x4000, $0x38;
	[tilespmem:$0x1D000] =	vst v63  }
0x41: {  	_ =	swait.ge [sflag:s13], $0x4000  }
0x42: {  	[sflag:s13] =	ssyncset.done $0x0  }
0x43: {  	s10 =	rddreg [dreg:$0x1a];
	[sflag:s13] =	ssyncadd.s32 $0xFFFFC000  }
0x44: {  	[spmem:s10] =	stream.linear.scatter [tilespmem:s12], [sflag:$0x5], $0x4000, $0x38;
	[tilespmem:$0x1D000] =	vst v63  }
0x45: {  	_ =	swait.ge [sflag:s13], $0x4000  }
0x46: {  	[sflag:s13] =	ssyncset.done $0x0  }
0x47: {  	[sflag:s13] =	ssyncadd.s32 $0xFFFFC000  }
0x48: {  	[bflag:$0x0] =	sbarrier.arrive $0xFFFF  }
0x49: {  	s11 =	rddreg [dreg:$0x5]  }
0x4a: {  	s5 =	sadd.s32 $0x0, s11  }
0x4b: {  	[tilespmem:s14], [sflag:$0x5] =	stream.linear.gather [hbm4b:s5+s3], $0x800, $0x38;
	[tilespmem:$0x1D000] =	vst v63  }
0x4c: {  	_ =	swait.ge [sflag:s13], $0x800  }
0x4d: {  	s9 =	rddreg [dreg:$0x4];
	[sflag:s13] =	ssyncset.done $0x0  }
0x4e: {  	[sflag:s13] =	ssyncadd.s32 $0xFFFFF800;
	s5 =	sadd.s32 $0x0, s9  }
0x4f: {  	[tilespmem:s15], [sflag:$0x5] =	stream.linear.gather [hbm4b:s5+s3], $0x800, $0x38;
	[tilespmem:$0x1D000] =	vst v63  }
0x50: {  	_ =	swait.ge [sflag:s13], $0x800  }
0x51: {  	[sflag:s13] =	ssyncset.done $0x0  }
0x52: {  	[sflag:s13] =	ssyncadd.s32 $0xFFFFF800  }
0x53: {  	[tilespmem:s12], [sflag:$0x1] =	stream.indirect.gather [hbm4b:s4+s16], $0x80, s14, s16, $0xb8;
	[tilespmem:$0x1D000] =	vst v63  }
0x54: {  	_ =	swait.ge [sflag:s17], $0x4000  }
0x55: {  	[sflag:s17] =	ssyncset.done $0x0  }
0x56: {  	s10 =	rddreg [dreg:$0x6];
	[sflag:s17] =	ssyncadd.s32 $0xFFFFC000  }
0x57: {  	[tilespmem:s18], [sflag:$0x2] =	stream.indirect.gather [hbm4b:s4+s16], $0x80, s10, s16, $0xb8;
	[tilespmem:$0x1D000] =	vst v63  }
0x58: {  	_ = 	snop  }
0x59: {  	[spmem:s2] =	stream.indirect.scatter.add.f32 [tilespmem:s12], [sflag:$0x3], $0x80, s15, s16, $0xb8;
	[tilespmem:$0x1D000] =	vst v63  }
0x5a: {  	_ =	swait.ge [sflag:s19], $0x4000  }
0x5b: {  	[sflag:s19] =	ssyncset.done $0x0  }
0x5c: {  	[sflag:s19] =	ssyncadd.s32 $0xFFFFC000  }
0x5d: {  	_ =	swait.ge [sflag:s20], $0x4000  }
0x5e: {  	[sflag:s20] =	ssyncset.done $0x0  }
0x5f: {  	s11 =	rddreg [dreg:$0x7];
	[sflag:s20] =	ssyncadd.s32 $0xFFFFC000  }
0x60: {  	[tilespmem:s12], [sflag:$0x1] =	stream.indirect.gather [hbm4b:s4+s16], $0x80, s11, s16, $0xb8;
	[tilespmem:$0x1D000] =	vst v63  }
0x61: {  	s9 =	rddreg [dreg:$0x8]  }
0x62: {  	[spmem:s2] =	stream.indirect.scatter.add.f32 [tilespmem:s18], [sflag:$0x4], $0x80, s9, s16, $0xb8;
	[tilespmem:$0x1D000] =	vst v63  }
0x63: {  	_ =	swait.ge [sflag:s17], $0x4000  }
0x64: {  	[sflag:s17] =	ssyncset.done $0x0  }
0x65: {  	[sflag:s17] =	ssyncadd.s32 $0xFFFFC000  }
0x66: {  	_ =	swait.ge [sflag:s21], $0x4000  }
0x67: {  	[sflag:s21] =	ssyncset.done $0x0  }
0x68: {  	s11 =	rddreg [dreg:$0x9];
	[sflag:s21] =	ssyncadd.s32 $0xFFFFC000  }
0x69: {  	[tilespmem:s18], [sflag:$0x2] =	stream.indirect.gather [hbm4b:s4+s16], $0x80, s11, s16, $0xb8;
	[tilespmem:$0x1D000] =	vst v63  }
0x6a: {  	s9 =	rddreg [dreg:$0xa]  }
0x6b: {  	[spmem:s2] =	stream.indirect.scatter.add.f32 [tilespmem:s12], [sflag:$0x3], $0x80, s9, s16, $0xb8;
	[tilespmem:$0x1D000] =	vst v63  }
0x6c: {  	_ =	swait.ge [sflag:s19], $0x4000  }
0x6d: {  	[sflag:s19] =	ssyncset.done $0x0  }
0x6e: {  	[sflag:s19] =	ssyncadd.s32 $0xFFFFC000  }
0x6f: {  	_ =	swait.ge [sflag:s20], $0x4000  }
0x70: {  	[sflag:s20] =	ssyncset.done $0x0  }
0x71: {  	s11 =	rddreg [dreg:$0xb];
	[sflag:s20] =	ssyncadd.s32 $0xFFFFC000  }
0x72: {  	[tilespmem:s12], [sflag:$0x1] =	stream.indirect.gather [hbm4b:s4+s16], $0x80, s11, s16, $0xb8;
	[tilespmem:$0x1D000] =	vst v63  }
0x73: {  	s9 =	rddreg [dreg:$0xc]  }
0x74: {  	[spmem:s2] =	stream.indirect.scatter.add.f32 [tilespmem:s18], [sflag:$0x4], $0x80, s9, s16, $0xb8;
	[tilespmem:$0x1D000] =	vst v63  }
0x75: {  	_ =	swait.ge [sflag:s17], $0x4000  }
0x76: {  	[sflag:s17] =	ssyncset.done $0x0  }
0x77: {  	[sflag:s17] =	ssyncadd.s32 $0xFFFFC000  }
0x78: {  	_ =	swait.ge [sflag:s21], $0x4000  }
0x79: {  	[sflag:s21] =	ssyncset.done $0x0  }
0x7a: {  	s11 =	rddreg [dreg:$0xd];
	[sflag:s21] =	ssyncadd.s32 $0xFFFFC000  }
0x7b: {  	[tilespmem:s18], [sflag:$0x2] =	stream.indirect.gather [hbm4b:s4+s16], $0x80, s11, s16, $0xb8;
	[tilespmem:$0x1D000] =	vst v63  }
0x7c: {  	s9 =	rddreg [dreg:$0xe]  }
0x7d: {  	[spmem:s2] =	stream.indirect.scatter.add.f32 [tilespmem:s12], [sflag:$0x3], $0x80, s9, s16, $0xb8;
	[tilespmem:$0x1D000] =	vst v63  }
0x7e: {  	_ =	swait.ge [sflag:s19], $0x4000  }
0x7f: {  	[sflag:s19] =	ssyncset.done $0x0  }
0x80: {  	[sflag:s19] =	ssyncadd.s32 $0xFFFFC000  }
0x81: {  	_ =	swait.ge [sflag:s20], $0x4000  }
0x82: {  	[sflag:s20] =	ssyncset.done $0x0  }
0x83: {  	s11 =	rddreg [dreg:$0xf];
	[sflag:s20] =	ssyncadd.s32 $0xFFFFC000  }
0x84: {  	[tilespmem:s12], [sflag:$0x1] =	stream.indirect.gather [hbm4b:s4+s16], $0x80, s11, s16, $0xb8;
	[tilespmem:$0x1D000] =	vst v63  }
0x85: {  	s9 =	rddreg [dreg:$0x10]  }
0x86: {  	[spmem:s2] =	stream.indirect.scatter.add.f32 [tilespmem:s18], [sflag:$0x4], $0x80, s9, s16, $0xb8;
	[tilespmem:$0x1D000] =	vst v63  }
0x87: {  	_ =	swait.ge [sflag:s17], $0x4000  }
0x88: {  	[sflag:s17] =	ssyncset.done $0x0  }
0x89: {  	[sflag:s17] =	ssyncadd.s32 $0xFFFFC000  }
0x8a: {  	_ =	swait.ge [sflag:s21], $0x4000  }
0x8b: {  	[sflag:s21] =	ssyncset.done $0x0  }
0x8c: {  	s11 =	rddreg [dreg:$0x11];
	[sflag:s21] =	ssyncadd.s32 $0xFFFFC000  }
0x8d: {  	[tilespmem:s18], [sflag:$0x2] =	stream.indirect.gather [hbm4b:s4+s16], $0x80, s11, s16, $0xb8;
	[tilespmem:$0x1D000] =	vst v63  }
0x8e: {  	s9 =	rddreg [dreg:$0x12]  }
0x8f: {  	[spmem:s2] =	stream.indirect.scatter.add.f32 [tilespmem:s12], [sflag:$0x3], $0x80, s9, s16, $0xb8;
	[tilespmem:$0x1D000] =	vst v63  }
0x90: {  	_ =	swait.ge [sflag:s19], $0x4000  }
0x91: {  	[sflag:s19] =	ssyncset.done $0x0  }
0x92: {  	[sflag:s19] =	ssyncadd.s32 $0xFFFFC000  }
0x93: {  	_ =	swait.ge [sflag:s20], $0x4000  }
0x94: {  	[sflag:s20] =	ssyncset.done $0x0  }
0x95: {  	s11 =	rddreg [dreg:$0x13];
	[sflag:s20] =	ssyncadd.s32 $0xFFFFC000  }
0x96: {  	[tilespmem:s12], [sflag:$0x1] =	stream.indirect.gather [hbm4b:s4+s16], $0x80, s11, s16, $0xb8;
	[tilespmem:$0x1D000] =	vst v63  }
0x97: {  	s9 =	rddreg [dreg:$0x14]  }
0x98: {  	[spmem:s2] =	stream.indirect.scatter.add.f32 [tilespmem:s18], [sflag:$0x4], $0x80, s9, s16, $0xb8;
	[tilespmem:$0x1D000] =	vst v63  }
0x99: {  	_ =	swait.ge [sflag:s17], $0x4000  }
0x9a: {  	[sflag:s17] =	ssyncset.done $0x0  }
0x9b: {  	[sflag:s17] =	ssyncadd.s32 $0xFFFFC000  }
0x9c: {  	_ =	swait.ge [sflag:s21], $0x4000  }
0x9d: {  	[sflag:s21] =	ssyncset.done $0x0  }
0x9e: {  	s11 =	rddreg [dreg:$0x15];
	[sflag:s21] =	ssyncadd.s32 $0xFFFFC000  }
0x9f: {  	[tilespmem:s18], [sflag:$0x2] =	stream.indirect.gather [hbm4b:s4+s16], $0x80, s11, s16, $0xb8;
	[tilespmem:$0x1D000] =	vst v63  }
0xa0: {  	_ = 	snop  }
0xa1: {  	[spmem:s2] =	stream.indirect.scatter.add.f32 [tilespmem:s12], [sflag:$0x3], $0x80, s22, s16, $0xb8;
	[tilespmem:$0x1D000] =	vst v63  }
0xa2: {  	_ =	swait.ge [sflag:s19], $0x4000  }
0xa3: {  	[sflag:s19] =	ssyncset.done $0x0  }
0xa4: {  	[sflag:s19] =	ssyncadd.s32 $0xFFFFC000  }
0xa5: {  	_ =	swait.ge [sflag:s20], $0x4000  }
0xa6: {  	[sflag:s20] =	ssyncset.done $0x0  }
0xa7: {  	[sflag:s20] =	ssyncadd.s32 $0xFFFFC000  }
0xa8: {  	[tilespmem:s12], [sflag:$0x1] =	stream.indirect.gather [hbm4b:s4+s16], $0x80, s23, s16, $0xb8;
	[tilespmem:$0x1D000] =	vst v63  }
0xa9: {  	_ = 	snop  }
0xaa: {  	[spmem:s2] =	stream.indirect.scatter.add.f32 [tilespmem:s18], [sflag:$0x4], $0x80, s24, s16, $0xb8;
	[tilespmem:$0x1D000] =	vst v63  }
0xab: {  	_ =	swait.ge [sflag:s17], $0x4000  }
0xac: {  	[sflag:s17] =	ssyncset.done $0x0  }
0xad: {  	[sflag:s17] =	ssyncadd.s32 $0xFFFFC000  }
0xae: {  	_ =	swait.ge [sflag:s21], $0x4000  }
0xaf: {  	[sflag:s21] =	ssyncset.done $0x0  }
0xb0: {  	[sflag:s21] =	ssyncadd.s32 $0xFFFFC000  }
0xb1: {  	[tilespmem:s18], [sflag:$0x2] =	stream.indirect.gather [hbm4b:s4+s16], $0x80, s25, s16, $0xb8;
	[tilespmem:$0x1D000] =	vst v63  }
0xb2: {  	_ = 	snop  }
0xb3: {  	[spmem:s2] =	stream.indirect.scatter.add.f32 [tilespmem:s12], [sflag:$0x3], $0x80, s26, s16, $0xb8;
	[tilespmem:$0x1D000] =	vst v63  }
0xb4: {  	_ =	swait.ge [sflag:s19], $0x4000  }
0xb5: {  	[sflag:s19] =	ssyncset.done $0x0  }
0xb6: {  	[sflag:s19] =	ssyncadd.s32 $0xFFFFC000  }
0xb7: {  	_ =	swait.ge [sflag:s20], $0x4000  }
0xb8: {  	[sflag:s20] =	ssyncset.done $0x0  }
0xb9: {  	[sflag:s20] =	ssyncadd.s32 $0xFFFFC000  }
0xba: {  	[tilespmem:s12], [sflag:$0x1] =	stream.indirect.gather [hbm4b:s4+s16], $0x80, s28, s16, $0xb8;
	[tilespmem:$0x1D000] =	vst v63  }
0xbb: {  	_ = 	snop  }
0xbc: {  	[spmem:s2] =	stream.indirect.scatter.add.f32 [tilespmem:s18], [sflag:$0x4], $0x80, s29, s16, $0xb8;
	[tilespmem:$0x1D000] =	vst v63  }
0xbd: {  	_ =	swait.ge [sflag:s17], $0x4000  }
0xbe: {  	[sflag:s17] =	ssyncset.done $0x0  }
0xbf: {  	[sflag:s17] =	ssyncadd.s32 $0xFFFFC000  }
0xc0: {  	_ =	swait.ge [sflag:s21], $0x4000  }
0xc1: {  	[sflag:s21] =	ssyncset.done $0x0  }
0xc2: {  	[sflag:s21] =	ssyncadd.s32 $0xFFFFC000  }
0xc3: {  	[tilespmem:s18], [sflag:$0x2] =	stream.indirect.gather [hbm4b:s4+s16], $0x80, s30, s16, $0xb8;
	[tilespmem:$0x1D000] =	vst v63  }
0xc4: {  	_ = 	snop  }
0xc5: {  	[spmem:s2] =	stream.indirect.scatter.add.f32 [tilespmem:s12], [sflag:$0x3], $0x80, s31, s16, $0xb8;
	[tilespmem:$0x1D000] =	vst v63  }
0xc6: {  	_ =	swait.ge [sflag:s19], $0x4000  }
0xc7: {  	[sflag:s19] =	ssyncset.done $0x0  }
0xc8: {  	[sflag:s19] =	ssyncadd.s32 $0xFFFFC000  }
0xc9: {  	_ =	swait.ge [sflag:s20], $0x4000  }
0xca: {  	[sflag:s20] =	ssyncset.done $0x0  }
0xcb: {  	[sflag:s20] =	ssyncadd.s32 $0xFFFFC000  }
0xcc: {  	[tilespmem:s12], [sflag:$0x1] =	stream.indirect.gather [hbm4b:s4+s16], $0x80, s1, s16, $0xb8;
	[tilespmem:$0x1D000] =	vst v63  }
0xcd: {  	_ = 	snop  }
0xce: {  	[spmem:s2] =	stream.indirect.scatter.add.f32 [tilespmem:s18], [sflag:$0x4], $0x80, s0, s16, $0xb8;
	[tilespmem:$0x1D000] =	vst v63  }
0xcf: {  	_ =	swait.ge [sflag:s17], $0x4000  }
0xd0: {  	[sflag:s17] =	ssyncset.done $0x0  }
0xd1: {  	[sflag:s17] =	ssyncadd.s32 $0xFFFFC000  }
0xd2: {  	_ =	swait.ge [sflag:s21], $0x4000  }
0xd3: {  	[sflag:s21] =	ssyncset.done $0x0  }
0xd4: {  	[sflag:s21] =	ssyncadd.s32 $0xFFFFC000  }
0xd5: {  	[tilespmem:s18], [sflag:$0x2] =	stream.indirect.gather [hbm4b:s4+s16], $0x80, s6, s16, $0xb8;
	[tilespmem:$0x1D000] =	vst v63  }
0xd6: {  	_ = 	snop  }
0xd7: {  	[spmem:s2] =	stream.indirect.scatter.add.f32 [tilespmem:s12], [sflag:$0x3], $0x80, s7, s16, $0xb8;
	[tilespmem:$0x1D000] =	vst v63  }
0xd8: {  	_ =	swait.ge [sflag:s19], $0x4000  }
0xd9: {  	[sflag:s19] =	ssyncset.done $0x0  }
0xda: {  	[sflag:s19] =	ssyncadd.s32 $0xFFFFC000  }
0xdb: {  	_ =	swait.ge [sflag:s20], $0x4000  }
0xdc: {  	[sflag:s20] =	ssyncset.done $0x0  }
0xdd: {  	[sflag:s20] =	ssyncadd.s32 $0xFFFFC000  }
0xde: {  	[spmem:s2] =	stream.indirect.scatter.add.f32 [tilespmem:s18], [sflag:$0x4], $0x80, s8, s16, $0xb8;
	[tilespmem:$0x1D000] =	vst v63  }
0xdf: {  	s10 =	simm.s32 $0x100;
	_ =	swait.ge [sflag:s21], $0x4000  }
0xe0: {  	s11 =	simm.s32 $0x200;
	s5 =	rddreg [dreg:$0x5];
	[sflag:s21] =	ssyncset.done $0x0  }
.LBB2_4:
0xe1: {  	[sflag:s21] =	ssyncadd.s32 $0xFFFFC000;
	s5 =	sadd.s32 s10, s5  }
0xe2: {  	[tilespmem:s14], [sflag:$0x5] =	stream.linear.gather [hbm4b:s5+s3], $0x800, $0x38;
	[tilespmem:$0x1D000] =	vst v63  }
0xe3: {  	_ =	swait.ge [sflag:s13], $0x800  }
0xe4: {  	s5 =	rddreg [dreg:$0x4];
	[sflag:s13] =	ssyncset.done $0x0  }
0xe5: {  	[sflag:s13] =	ssyncadd.s32 $0xFFFFF800;
	s5 =	sadd.s32 s10, s5  }
0xe6: {  	[tilespmem:s15], [sflag:$0x5] =	stream.linear.gather [hbm4b:s5+s3], $0x800, $0x38;
	[tilespmem:$0x1D000] =	vst v63  }
0xe7: {  	_ =	swait.ge [sflag:s13], $0x800  }
0xe8: {  	[sflag:s13] =	ssyncset.done $0x0  }
0xe9: {  	[sflag:s13] =	ssyncadd.s32 $0xFFFFF800  }
0xea: {  	[tilespmem:s12], [sflag:$0x1] =	stream.indirect.gather [hbm4b:s4+s16], $0x80, s14, s16, $0xb8;
	[tilespmem:$0x1D000] =	vst v63  }
0xeb: {  	_ =	swait.ge [sflag:s17], $0x4000  }
0xec: {  	s9 =	smov.u32 s11;
	[sflag:s17] =	ssyncset.done $0x0  }
0xed: {  	s10 =	smov.u32 s9;
	s9 =	rddreg [dreg:$0x6];
	[sflag:s17] =	ssyncadd.s32 $0xFFFFC000  }
0xee: {  	[tilespmem:s18], [sflag:$0x2] =	stream.indirect.gather [hbm4b:s4+s16], $0x80, s9, s16, $0xb8;
	[tilespmem:$0x1D000] =	vst v63  }
0xef: {  	_ = 	snop  }
0xf0: {  	[spmem:s2] =	stream.indirect.scatter.add.f32 [tilespmem:s12], [sflag:$0x3], $0x80, s15, s16, $0xb8;
	[tilespmem:$0x1D000] =	vst v63  }
0xf1: {  	_ =	swait.ge [sflag:s19], $0x4000  }
0xf2: {  	[sflag:s19] =	ssyncset.done $0x0  }
0xf3: {  	[sflag:s19] =	ssyncadd.s32 $0xFFFFC000  }
0xf4: {  	_ =	swait.ge [sflag:s20], $0x4000  }
0xf5: {  	[sflag:s20] =	ssyncset.done $0x0  }
0xf6: {  	s5 =	rddreg [dreg:$0x7];
	[sflag:s20] =	ssyncadd.s32 $0xFFFFC000  }
0xf7: {  	[tilespmem:s12], [sflag:$0x1] =	stream.indirect.gather [hbm4b:s4+s16], $0x80, s5, s16, $0xb8;
	[tilespmem:$0x1D000] =	vst v63  }
0xf8: {  	s9 =	rddreg [dreg:$0x8]  }
0xf9: {  	[spmem:s2] =	stream.indirect.scatter.add.f32 [tilespmem:s18], [sflag:$0x4], $0x80, s9, s16, $0xb8;
	[tilespmem:$0x1D000] =	vst v63  }
0xfa: {  	_ =	swait.ge [sflag:s17], $0x4000  }
0xfb: {  	[sflag:s17] =	ssyncset.done $0x0  }
0xfc: {  	[sflag:s17] =	ssyncadd.s32 $0xFFFFC000  }
0xfd: {  	_ =	swait.ge [sflag:s21], $0x4000  }
0xfe: {  	[sflag:s21] =	ssyncset.done $0x0  }
0xff: {  	s5 =	rddreg [dreg:$0x9];
	[sflag:s21] =	ssyncadd.s32 $0xFFFFC000  }
0x100: {  	[tilespmem:s18], [sflag:$0x2] =	stream.indirect.gather [hbm4b:s4+s16], $0x80, s5, s16, $0xb8;
	[tilespmem:$0x1D000] =	vst v63  }
0x101: {  	s9 =	rddreg [dreg:$0xa]  }
0x102: {  	[spmem:s2] =	stream.indirect.scatter.add.f32 [tilespmem:s12], [sflag:$0x3], $0x80, s9, s16, $0xb8;
	[tilespmem:$0x1D000] =	vst v63  }
0x103: {  	_ =	swait.ge [sflag:s19], $0x4000  }
0x104: {  	[sflag:s19] =	ssyncset.done $0x0  }
0x105: {  	[sflag:s19] =	ssyncadd.s32 $0xFFFFC000  }
0x106: {  	_ =	swait.ge [sflag:s20], $0x4000  }
0x107: {  	[sflag:s20] =	ssyncset.done $0x0  }
0x108: {  	s5 =	rddreg [dreg:$0xb];
	[sflag:s20] =	ssyncadd.s32 $0xFFFFC000  }
0x109: {  	[tilespmem:s12], [sflag:$0x1] =	stream.indirect.gather [hbm4b:s4+s16], $0x80, s5, s16, $0xb8;
	[tilespmem:$0x1D000] =	vst v63  }
0x10a: {  	s9 =	rddreg [dreg:$0xc]  }
0x10b: {  	[spmem:s2] =	stream.indirect.scatter.add.f32 [tilespmem:s18], [sflag:$0x4], $0x80, s9, s16, $0xb8;
	[tilespmem:$0x1D000] =	vst v63  }
0x10c: {  	_ =	swait.ge [sflag:s17], $0x4000  }
0x10d: {  	[sflag:s17] =	ssyncset.done $0x0  }
0x10e: {  	[sflag:s17] =	ssyncadd.s32 $0xFFFFC000  }
0x10f: {  	_ =	swait.ge [sflag:s21], $0x4000  }
0x110: {  	[sflag:s21] =	ssyncset.done $0x0  }
0x111: {  	s5 =	rddreg [dreg:$0xd];
	[sflag:s21] =	ssyncadd.s32 $0xFFFFC000  }
0x112: {  	[tilespmem:s18], [sflag:$0x2] =	stream.indirect.gather [hbm4b:s4+s16], $0x80, s5, s16, $0xb8;
	[tilespmem:$0x1D000] =	vst v63  }
0x113: {  	s9 =	rddreg [dreg:$0xe]  }
0x114: {  	[spmem:s2] =	stream.indirect.scatter.add.f32 [tilespmem:s12], [sflag:$0x3], $0x80, s9, s16, $0xb8;
	[tilespmem:$0x1D000] =	vst v63  }
0x115: {  	_ =	swait.ge [sflag:s19], $0x4000  }
0x116: {  	[sflag:s19] =	ssyncset.done $0x0  }
0x117: {  	[sflag:s19] =	ssyncadd.s32 $0xFFFFC000  }
0x118: {  	_ =	swait.ge [sflag:s20], $0x4000  }
0x119: {  	[sflag:s20] =	ssyncset.done $0x0  }
0x11a: {  	s5 =	rddreg [dreg:$0xf];
	[sflag:s20] =	ssyncadd.s32 $0xFFFFC000  }
0x11b: {  	[tilespmem:s12], [sflag:$0x1] =	stream.indirect.gather [hbm4b:s4+s16], $0x80, s5, s16, $0xb8;
	[tilespmem:$0x1D000] =	vst v63  }
0x11c: {  	s9 =	rddreg [dreg:$0x10]  }
0x11d: {  	[spmem:s2] =	stream.indirect.scatter.add.f32 [tilespmem:s18], [sflag:$0x4], $0x80, s9, s16, $0xb8;
	[tilespmem:$0x1D000] =	vst v63  }
0x11e: {  	_ =	swait.ge [sflag:s17], $0x4000  }
0x11f: {  	[sflag:s17] =	ssyncset.done $0x0  }
0x120: {  	[sflag:s17] =	ssyncadd.s32 $0xFFFFC000  }
0x121: {  	_ =	swait.ge [sflag:s21], $0x4000  }
0x122: {  	[sflag:s21] =	ssyncset.done $0x0  }
0x123: {  	s5 =	rddreg [dreg:$0x11];
	[sflag:s21] =	ssyncadd.s32 $0xFFFFC000  }
0x124: {  	[tilespmem:s18], [sflag:$0x2] =	stream.indirect.gather [hbm4b:s4+s16], $0x80, s5, s16, $0xb8;
	[tilespmem:$0x1D000] =	vst v63  }
0x125: {  	s9 =	rddreg [dreg:$0x12]  }
0x126: {  	[spmem:s2] =	stream.indirect.scatter.add.f32 [tilespmem:s12], [sflag:$0x3], $0x80, s9, s16, $0xb8;
	[tilespmem:$0x1D000] =	vst v63  }
0x127: {  	_ =	swait.ge [sflag:s19], $0x4000  }
0x128: {  	[sflag:s19] =	ssyncset.done $0x0  }
0x129: {  	[sflag:s19] =	ssyncadd.s32 $0xFFFFC000  }
0x12a: {  	_ =	swait.ge [sflag:s20], $0x4000  }
0x12b: {  	[sflag:s20] =	ssyncset.done $0x0  }
0x12c: {  	s5 =	rddreg [dreg:$0x13];
	[sflag:s20] =	ssyncadd.s32 $0xFFFFC000  }
0x12d: {  	[tilespmem:s12], [sflag:$0x1] =	stream.indirect.gather [hbm4b:s4+s16], $0x80, s5, s16, $0xb8;
	[tilespmem:$0x1D000] =	vst v63  }
0x12e: {  	s9 =	rddreg [dreg:$0x14]  }
0x12f: {  	[spmem:s2] =	stream.indirect.scatter.add.f32 [tilespmem:s18], [sflag:$0x4], $0x80, s9, s16, $0xb8;
	[tilespmem:$0x1D000] =	vst v63  }
0x130: {  	_ =	swait.ge [sflag:s17], $0x4000  }
0x131: {  	[sflag:s17] =	ssyncset.done $0x0  }
0x132: {  	[sflag:s17] =	ssyncadd.s32 $0xFFFFC000  }
0x133: {  	_ =	swait.ge [sflag:s21], $0x4000  }
0x134: {  	[sflag:s21] =	ssyncset.done $0x0  }
0x135: {  	s9 =	rddreg [dreg:$0x15];
	[sflag:s21] =	ssyncadd.s32 $0xFFFFC000  }
0x136: {  	[tilespmem:s18], [sflag:$0x2] =	stream.indirect.gather [hbm4b:s4+s16], $0x80, s9, s16, $0xb8;
	[tilespmem:$0x1D000] =	vst v63  }
0x137: {  	_ = 	snop  }
0x138: {  	[spmem:s2] =	stream.indirect.scatter.add.f32 [tilespmem:s12], [sflag:$0x3], $0x80, s22, s16, $0xb8;
	[tilespmem:$0x1D000] =	vst v63  }
0x139: {  	_ =	swait.ge [sflag:s19], $0x4000  }
0x13a: {  	[sflag:s19] =	ssyncset.done $0x0  }
0x13b: {  	[sflag:s19] =	ssyncadd.s32 $0xFFFFC000  }
0x13c: {  	_ =	swait.ge [sflag:s20], $0x4000  }
0x13d: {  	[sflag:s20] =	ssyncset.done $0x0  }
0x13e: {  	[sflag:s20] =	ssyncadd.s32 $0xFFFFC000  }
0x13f: {  	[tilespmem:s12], [sflag:$0x1] =	stream.indirect.gather [hbm4b:s4+s16], $0x80, s23, s16, $0xb8;
	[tilespmem:$0x1D000] =	vst v63  }
0x140: {  	_ = 	snop  }
0x141: {  	[spmem:s2] =	stream.indirect.scatter.add.f32 [tilespmem:s18], [sflag:$0x4], $0x80, s24, s16, $0xb8;
	[tilespmem:$0x1D000] =	vst v63  }
0x142: {  	_ =	swait.ge [sflag:s17], $0x4000  }
0x143: {  	[sflag:s17] =	ssyncset.done $0x0  }
0x144: {  	[sflag:s17] =	ssyncadd.s32 $0xFFFFC000  }
0x145: {  	_ =	swait.ge [sflag:s21], $0x4000  }
0x146: {  	[sflag:s21] =	ssyncset.done $0x0  }
0x147: {  	[sflag:s21] =	ssyncadd.s32 $0xFFFFC000  }
0x148: {  	[tilespmem:s18], [sflag:$0x2] =	stream.indirect.gather [hbm4b:s4+s16], $0x80, s25, s16, $0xb8;
	[tilespmem:$0x1D000] =	vst v63  }
0x149: {  	_ = 	snop  }
0x14a: {  	[spmem:s2] =	stream.indirect.scatter.add.f32 [tilespmem:s12], [sflag:$0x3], $0x80, s26, s16, $0xb8;
	[tilespmem:$0x1D000] =	vst v63  }
0x14b: {  	_ =	swait.ge [sflag:s19], $0x4000  }
0x14c: {  	[sflag:s19] =	ssyncset.done $0x0  }
0x14d: {  	[sflag:s19] =	ssyncadd.s32 $0xFFFFC000  }
0x14e: {  	_ =	swait.ge [sflag:s20], $0x4000  }
0x14f: {  	[sflag:s20] =	ssyncset.done $0x0  }
0x150: {  	[sflag:s20] =	ssyncadd.s32 $0xFFFFC000  }
0x151: {  	[tilespmem:s12], [sflag:$0x1] =	stream.indirect.gather [hbm4b:s4+s16], $0x80, s28, s16, $0xb8;
	[tilespmem:$0x1D000] =	vst v63  }
0x152: {  	_ = 	snop  }
0x153: {  	[spmem:s2] =	stream.indirect.scatter.add.f32 [tilespmem:s18], [sflag:$0x4], $0x80, s29, s16, $0xb8;
	[tilespmem:$0x1D000] =	vst v63  }
0x154: {  	_ =	swait.ge [sflag:s17], $0x4000  }
0x155: {  	[sflag:s17] =	ssyncset.done $0x0  }
0x156: {  	[sflag:s17] =	ssyncadd.s32 $0xFFFFC000  }
0x157: {  	_ =	swait.ge [sflag:s21], $0x4000  }
0x158: {  	[sflag:s21] =	ssyncset.done $0x0  }
0x159: {  	[sflag:s21] =	ssyncadd.s32 $0xFFFFC000  }
0x15a: {  	[tilespmem:s18], [sflag:$0x2] =	stream.indirect.gather [hbm4b:s4+s16], $0x80, s30, s16, $0xb8;
	[tilespmem:$0x1D000] =	vst v63  }
0x15b: {  	_ = 	snop  }
0x15c: {  	[spmem:s2] =	stream.indirect.scatter.add.f32 [tilespmem:s12], [sflag:$0x3], $0x80, s31, s16, $0xb8;
	[tilespmem:$0x1D000] =	vst v63  }
0x15d: {  	_ =	swait.ge [sflag:s19], $0x4000  }
0x15e: {  	[sflag:s19] =	ssyncset.done $0x0  }
0x15f: {  	[sflag:s19] =	ssyncadd.s32 $0xFFFFC000  }
0x160: {  	_ =	swait.ge [sflag:s20], $0x4000  }
0x161: {  	[sflag:s20] =	ssyncset.done $0x0  }
0x162: {  	[sflag:s20] =	ssyncadd.s32 $0xFFFFC000  }
0x163: {  	[tilespmem:s12], [sflag:$0x1] =	stream.indirect.gather [hbm4b:s4+s16], $0x80, s1, s16, $0xb8;
	[tilespmem:$0x1D000] =	vst v63  }
0x164: {  	_ = 	snop  }
0x165: {  	[spmem:s2] =	stream.indirect.scatter.add.f32 [tilespmem:s18], [sflag:$0x4], $0x80, s0, s16, $0xb8;
	[tilespmem:$0x1D000] =	vst v63  }
0x166: {  	_ =	swait.ge [sflag:s17], $0x4000  }
0x167: {  	[sflag:s17] =	ssyncset.done $0x0  }
0x168: {  	[sflag:s17] =	ssyncadd.s32 $0xFFFFC000  }
0x169: {  	_ =	swait.ge [sflag:s21], $0x4000  }
0x16a: {  	[sflag:s21] =	ssyncset.done $0x0  }
0x16b: {  	[sflag:s21] =	ssyncadd.s32 $0xFFFFC000  }
0x16c: {  	[tilespmem:s18], [sflag:$0x2] =	stream.indirect.gather [hbm4b:s4+s16], $0x80, s6, s16, $0xb8;
	[tilespmem:$0x1D000] =	vst v63  }
0x16d: {  	_ = 	snop  }
0x16e: {  	[spmem:s2] =	stream.indirect.scatter.add.f32 [tilespmem:s12], [sflag:$0x3], $0x80, s7, s16, $0xb8;
	[tilespmem:$0x1D000] =	vst v63  }
0x16f: {  	_ =	swait.ge [sflag:s19], $0x4000  }
0x170: {  	[sflag:s19] =	ssyncset.done $0x0  }
0x171: {  	[sflag:s19] =	ssyncadd.s32 $0xFFFFC000  }
0x172: {  	p0 =	sne.s32 s11, $0x400;
	_ =	swait.ge [sflag:s20], $0x4000  }
.Ltmp1:
0x173: {  	[sflag:s20] =	ssyncset.done $0x0;
	(pc) =	sbr.rel @p0 .LBB2_4-.Ltmp1, $4  }
0x174: {  	[sflag:s20] =	ssyncadd.s32 $0xFFFFC000  }
0x175: {  	[spmem:s2] =	stream.indirect.scatter.add.f32 [tilespmem:s18], [sflag:$0x4], $0x80, s8, s16, $0xb8;
	[tilespmem:$0x1D000] =	vst v63  }
0x176: {  	_ =	swait.ge [sflag:s21], $0x4000  }
0x177: {  	s11 =	sadd.s32 $0x100, s11;
	s5 =	rddreg [dreg:$0x5];
	[sflag:s21] =	ssyncset.done $0x0  }
0x178: {  	[sflag:s21] =	ssyncadd.s32 $0xFFFFC000;
	s5 =	sadd.s32 s10, s5  }
0x179: {  	[tilespmem:s14], [sflag:$0x5] =	stream.linear.gather [hbm4b:s5+s3], $0x800, $0x38;
	[tilespmem:$0x1D000] =	vst v63  }
0x17a: {  	_ =	swait.ge [sflag:s13], $0x800  }
0x17b: {  	s9 =	rddreg [dreg:$0x4];
	[sflag:s13] =	ssyncset.done $0x0  }
0x17c: {  	[sflag:s13] =	ssyncadd.s32 $0xFFFFF800;
	s5 =	sadd.s32 s10, s9  }
0x17d: {  	[tilespmem:s15], [sflag:$0x5] =	stream.linear.gather [hbm4b:s5+s3], $0x800, $0x38;
	[tilespmem:$0x1D000] =	vst v63  }
0x17e: {  	_ =	swait.ge [sflag:s13], $0x800  }
0x17f: {  	[sflag:s13] =	ssyncset.done $0x0  }
0x180: {  	[sflag:s13] =	ssyncadd.s32 $0xFFFFF800  }
0x181: {  	[tilespmem:s12], [sflag:$0x1] =	stream.indirect.gather [hbm4b:s4+s16], $0x80, s14, s16, $0xb8;
	[tilespmem:$0x1D000] =	vst v63  }
0x182: {  	_ =	swait.ge [sflag:s17], $0x4000  }
0x183: {  	[sflag:s17] =	ssyncset.done $0x0  }
0x184: {  	s10 =	rddreg [dreg:$0x6];
	[sflag:s17] =	ssyncadd.s32 $0xFFFFC000  }
0x185: {  	[tilespmem:s18], [sflag:$0x2] =	stream.indirect.gather [hbm4b:s4+s16], $0x80, s10, s16, $0xb8;
	[tilespmem:$0x1D000] =	vst v63  }
0x186: {  	_ = 	snop  }
0x187: {  	[spmem:s2] =	stream.indirect.scatter.add.f32 [tilespmem:s12], [sflag:$0x3], $0x80, s15, s16, $0xb8;
	[tilespmem:$0x1D000] =	vst v63  }
0x188: {  	_ =	swait.ge [sflag:s19], $0x4000  }
0x189: {  	[sflag:s19] =	ssyncset.done $0x0  }
0x18a: {  	[sflag:s19] =	ssyncadd.s32 $0xFFFFC000  }
0x18b: {  	_ =	swait.ge [sflag:s20], $0x4000  }
0x18c: {  	[sflag:s20] =	ssyncset.done $0x0  }
0x18d: {  	s11 =	rddreg [dreg:$0x7];
	[sflag:s20] =	ssyncadd.s32 $0xFFFFC000  }
0x18e: {  	[tilespmem:s12], [sflag:$0x1] =	stream.indirect.gather [hbm4b:s4+s16], $0x80, s11, s16, $0xb8;
	[tilespmem:$0x1D000] =	vst v63  }
0x18f: {  	s9 =	rddreg [dreg:$0x8]  }
0x190: {  	[spmem:s2] =	stream.indirect.scatter.add.f32 [tilespmem:s18], [sflag:$0x4], $0x80, s9, s16, $0xb8;
	[tilespmem:$0x1D000] =	vst v63  }
0x191: {  	_ =	swait.ge [sflag:s17], $0x4000  }
0x192: {  	[sflag:s17] =	ssyncset.done $0x0  }
0x193: {  	[sflag:s17] =	ssyncadd.s32 $0xFFFFC000  }
0x194: {  	_ =	swait.ge [sflag:s21], $0x4000  }
0x195: {  	[sflag:s21] =	ssyncset.done $0x0  }
0x196: {  	s10 =	rddreg [dreg:$0x9];
	[sflag:s21] =	ssyncadd.s32 $0xFFFFC000  }
0x197: {  	[tilespmem:s18], [sflag:$0x2] =	stream.indirect.gather [hbm4b:s4+s16], $0x80, s10, s16, $0xb8;
	[tilespmem:$0x1D000] =	vst v63  }
0x198: {  	s11 =	rddreg [dreg:$0xa]  }
0x199: {  	[spmem:s2] =	stream.indirect.scatter.add.f32 [tilespmem:s12], [sflag:$0x3], $0x80, s11, s16, $0xb8;
	[tilespmem:$0x1D000] =	vst v63  }
0x19a: {  	_ =	swait.ge [sflag:s19], $0x4000  }
0x19b: {  	[sflag:s19] =	ssyncset.done $0x0  }
0x19c: {  	[sflag:s19] =	ssyncadd.s32 $0xFFFFC000  }
0x19d: {  	_ =	swait.ge [sflag:s20], $0x4000  }
0x19e: {  	[sflag:s20] =	ssyncset.done $0x0  }
0x19f: {  	s10 =	rddreg [dreg:$0xb];
	[sflag:s20] =	ssyncadd.s32 $0xFFFFC000  }
0x1a0: {  	[tilespmem:s12], [sflag:$0x1] =	stream.indirect.gather [hbm4b:s4+s16], $0x80, s10, s16, $0xb8;
	[tilespmem:$0x1D000] =	vst v63  }
0x1a1: {  	s11 =	rddreg [dreg:$0xc]  }
0x1a2: {  	[spmem:s2] =	stream.indirect.scatter.add.f32 [tilespmem:s18], [sflag:$0x4], $0x80, s11, s16, $0xb8;
	[tilespmem:$0x1D000] =	vst v63  }
0x1a3: {  	_ =	swait.ge [sflag:s17], $0x4000  }
0x1a4: {  	[sflag:s17] =	ssyncset.done $0x0  }
0x1a5: {  	[sflag:s17] =	ssyncadd.s32 $0xFFFFC000  }
0x1a6: {  	_ =	swait.ge [sflag:s21], $0x4000  }
0x1a7: {  	[sflag:s21] =	ssyncset.done $0x0  }
0x1a8: {  	s10 =	rddreg [dreg:$0xd];
	[sflag:s21] =	ssyncadd.s32 $0xFFFFC000  }
0x1a9: {  	[tilespmem:s18], [sflag:$0x2] =	stream.indirect.gather [hbm4b:s4+s16], $0x80, s10, s16, $0xb8;
	[tilespmem:$0x1D000] =	vst v63  }
0x1aa: {  	s11 =	rddreg [dreg:$0xe]  }
0x1ab: {  	[spmem:s2] =	stream.indirect.scatter.add.f32 [tilespmem:s12], [sflag:$0x3], $0x80, s11, s16, $0xb8;
	[tilespmem:$0x1D000] =	vst v63  }
0x1ac: {  	_ =	swait.ge [sflag:s19], $0x4000  }
0x1ad: {  	[sflag:s19] =	ssyncset.done $0x0  }
0x1ae: {  	[sflag:s19] =	ssyncadd.s32 $0xFFFFC000  }
0x1af: {  	_ =	swait.ge [sflag:s20], $0x4000  }
0x1b0: {  	[sflag:s20] =	ssyncset.done $0x0  }
0x1b1: {  	s10 =	rddreg [dreg:$0xf];
	[sflag:s20] =	ssyncadd.s32 $0xFFFFC000  }
0x1b2: {  	[tilespmem:s12], [sflag:$0x1] =	stream.indirect.gather [hbm4b:s4+s16], $0x80, s10, s16, $0xb8;
	[tilespmem:$0x1D000] =	vst v63  }
0x1b3: {  	s11 =	rddreg [dreg:$0x10]  }
0x1b4: {  	[spmem:s2] =	stream.indirect.scatter.add.f32 [tilespmem:s18], [sflag:$0x4], $0x80, s11, s16, $0xb8;
	[tilespmem:$0x1D000] =	vst v63  }
0x1b5: {  	_ =	swait.ge [sflag:s17], $0x4000  }
0x1b6: {  	[sflag:s17] =	ssyncset.done $0x0  }
0x1b7: {  	[sflag:s17] =	ssyncadd.s32 $0xFFFFC000  }
0x1b8: {  	_ =	swait.ge [sflag:s21], $0x4000  }
0x1b9: {  	[sflag:s21] =	ssyncset.done $0x0  }
0x1ba: {  	s10 =	rddreg [dreg:$0x11];
	[sflag:s21] =	ssyncadd.s32 $0xFFFFC000  }
0x1bb: {  	[tilespmem:s18], [sflag:$0x2] =	stream.indirect.gather [hbm4b:s4+s16], $0x80, s10, s16, $0xb8;
	[tilespmem:$0x1D000] =	vst v63  }
0x1bc: {  	s11 =	rddreg [dreg:$0x12]  }
0x1bd: {  	[spmem:s2] =	stream.indirect.scatter.add.f32 [tilespmem:s12], [sflag:$0x3], $0x80, s11, s16, $0xb8;
	[tilespmem:$0x1D000] =	vst v63  }
0x1be: {  	_ =	swait.ge [sflag:s19], $0x4000  }
0x1bf: {  	[sflag:s19] =	ssyncset.done $0x0  }
0x1c0: {  	[sflag:s19] =	ssyncadd.s32 $0xFFFFC000  }
0x1c1: {  	_ =	swait.ge [sflag:s20], $0x4000  }
0x1c2: {  	[sflag:s20] =	ssyncset.done $0x0  }
0x1c3: {  	s9 =	rddreg [dreg:$0x13];
	[sflag:s20] =	ssyncadd.s32 $0xFFFFC000  }
0x1c4: {  	[tilespmem:s12], [sflag:$0x1] =	stream.indirect.gather [hbm4b:s4+s16], $0x80, s9, s16, $0xb8;
	[tilespmem:$0x1D000] =	vst v63  }
0x1c5: {  	s10 =	rddreg [dreg:$0x14]  }
0x1c6: {  	[spmem:s2] =	stream.indirect.scatter.add.f32 [tilespmem:s18], [sflag:$0x4], $0x80, s10, s16, $0xb8;
	[tilespmem:$0x1D000] =	vst v63  }
0x1c7: {  	_ =	swait.ge [sflag:s17], $0x4000  }
0x1c8: {  	[sflag:s17] =	ssyncset.done $0x0  }
0x1c9: {  	[sflag:s17] =	ssyncadd.s32 $0xFFFFC000  }
0x1ca: {  	_ =	swait.ge [sflag:s21], $0x4000  }
0x1cb: {  	[sflag:s21] =	ssyncset.done $0x0  }
0x1cc: {  	s11 =	rddreg [dreg:$0x15];
	[sflag:s21] =	ssyncadd.s32 $0xFFFFC000  }
0x1cd: {  	[tilespmem:s18], [sflag:$0x2] =	stream.indirect.gather [hbm4b:s4+s16], $0x80, s11, s16, $0xb8;
	[tilespmem:$0x1D000] =	vst v63  }
0x1ce: {  	_ = 	snop  }
0x1cf: {  	[spmem:s2] =	stream.indirect.scatter.add.f32 [tilespmem:s12], [sflag:$0x3], $0x80, s22, s16, $0xb8;
	[tilespmem:$0x1D000] =	vst v63  }
0x1d0: {  	_ =	swait.ge [sflag:s19], $0x4000  }
0x1d1: {  	[sflag:s19] =	ssyncset.done $0x0  }
0x1d2: {  	[sflag:s19] =	ssyncadd.s32 $0xFFFFC000  }
0x1d3: {  	_ =	swait.ge [sflag:s20], $0x4000  }
0x1d4: {  	[sflag:s20] =	ssyncset.done $0x0  }
0x1d5: {  	[sflag:s20] =	ssyncadd.s32 $0xFFFFC000  }
0x1d6: {  	[tilespmem:s12], [sflag:$0x1] =	stream.indirect.gather [hbm4b:s4+s16], $0x80, s23, s16, $0xb8;
	[tilespmem:$0x1D000] =	vst v63  }
0x1d7: {  	_ = 	snop  }
0x1d8: {  	[spmem:s2] =	stream.indirect.scatter.add.f32 [tilespmem:s18], [sflag:$0x4], $0x80, s24, s16, $0xb8;
	[tilespmem:$0x1D000] =	vst v63  }
0x1d9: {  	_ =	swait.ge [sflag:s17], $0x4000  }
0x1da: {  	[sflag:s17] =	ssyncset.done $0x0  }
0x1db: {  	[sflag:s17] =	ssyncadd.s32 $0xFFFFC000  }
0x1dc: {  	_ =	swait.ge [sflag:s21], $0x4000  }
0x1dd: {  	[sflag:s21] =	ssyncset.done $0x0  }
0x1de: {  	[sflag:s21] =	ssyncadd.s32 $0xFFFFC000  }
0x1df: {  	[tilespmem:s18], [sflag:$0x2] =	stream.indirect.gather [hbm4b:s4+s16], $0x80, s25, s16, $0xb8;
	[tilespmem:$0x1D000] =	vst v63  }
0x1e0: {  	_ = 	snop  }
0x1e1: {  	[spmem:s2] =	stream.indirect.scatter.add.f32 [tilespmem:s12], [sflag:$0x3], $0x80, s26, s16, $0xb8;
	[tilespmem:$0x1D000] =	vst v63  }
0x1e2: {  	_ =	swait.ge [sflag:s19], $0x4000  }
0x1e3: {  	[sflag:s19] =	ssyncset.done $0x0  }
0x1e4: {  	[sflag:s19] =	ssyncadd.s32 $0xFFFFC000  }
0x1e5: {  	_ =	swait.ge [sflag:s20], $0x4000  }
0x1e6: {  	[sflag:s20] =	ssyncset.done $0x0  }
0x1e7: {  	[sflag:s20] =	ssyncadd.s32 $0xFFFFC000  }
0x1e8: {  	[tilespmem:s12], [sflag:$0x1] =	stream.indirect.gather [hbm4b:s4+s16], $0x80, s28, s16, $0xb8;
	[tilespmem:$0x1D000] =	vst v63  }
0x1e9: {  	_ = 	snop  }
0x1ea: {  	[spmem:s2] =	stream.indirect.scatter.add.f32 [tilespmem:s18], [sflag:$0x4], $0x80, s29, s16, $0xb8;
	[tilespmem:$0x1D000] =	vst v63  }
0x1eb: {  	_ =	swait.ge [sflag:s17], $0x4000  }
0x1ec: {  	[sflag:s17] =	ssyncset.done $0x0  }
0x1ed: {  	[sflag:s17] =	ssyncadd.s32 $0xFFFFC000  }
0x1ee: {  	_ =	swait.ge [sflag:s21], $0x4000  }
0x1ef: {  	[sflag:s21] =	ssyncset.done $0x0  }
0x1f0: {  	[sflag:s21] =	ssyncadd.s32 $0xFFFFC000  }
0x1f1: {  	[tilespmem:s18], [sflag:$0x2] =	stream.indirect.gather [hbm4b:s4+s16], $0x80, s30, s16, $0xb8;
	[tilespmem:$0x1D000] =	vst v63  }
0x1f2: {  	_ = 	snop  }
0x1f3: {  	[spmem:s2] =	stream.indirect.scatter.add.f32 [tilespmem:s12], [sflag:$0x3], $0x80, s31, s16, $0xb8;
	[tilespmem:$0x1D000] =	vst v63  }
0x1f4: {  	_ =	swait.ge [sflag:s19], $0x4000  }
0x1f5: {  	[sflag:s19] =	ssyncset.done $0x0  }
0x1f6: {  	[sflag:s19] =	ssyncadd.s32 $0xFFFFC000  }
0x1f7: {  	_ =	swait.ge [sflag:s20], $0x4000  }
0x1f8: {  	[sflag:s20] =	ssyncset.done $0x0  }
0x1f9: {  	[sflag:s20] =	ssyncadd.s32 $0xFFFFC000  }
0x1fa: {  	[tilespmem:s12], [sflag:$0x1] =	stream.indirect.gather [hbm4b:s4+s16], $0x80, s1, s16, $0xb8;
	[tilespmem:$0x1D000] =	vst v63  }
0x1fb: {  	_ = 	snop  }
0x1fc: {  	[spmem:s2] =	stream.indirect.scatter.add.f32 [tilespmem:s18], [sflag:$0x4], $0x80, s0, s16, $0xb8;
	[tilespmem:$0x1D000] =	vst v63  }
0x1fd: {  	_ =	swait.ge [sflag:s17], $0x4000  }
0x1fe: {  	[sflag:s17] =	ssyncset.done $0x0  }
0x1ff: {  	[sflag:s17] =	ssyncadd.s32 $0xFFFFC000  }
0x200: {  	_ =	swait.ge [sflag:s21], $0x4000  }
0x201: {  	[sflag:s21] =	ssyncset.done $0x0  }
0x202: {  	[sflag:s21] =	ssyncadd.s32 $0xFFFFC000  }
0x203: {  	[tilespmem:s18], [sflag:$0x2] =	stream.indirect.gather [hbm4b:s4+s16], $0x80, s6, s16, $0xb8;
	[tilespmem:$0x1D000] =	vst v63  }
0x204: {  	_ = 	snop  }
0x205: {  	[spmem:s2] =	stream.indirect.scatter.add.f32 [tilespmem:s12], [sflag:$0x3], $0x80, s7, s16, $0xb8;
	[tilespmem:$0x1D000] =	vst v63  }
0x206: {  	_ =	swait.ge [sflag:s19], $0x4000  }
0x207: {  	[sflag:s19] =	ssyncset.done $0x0  }
0x208: {  	[sflag:s19] =	ssyncadd.s32 $0xFFFFC000  }
0x209: {  	_ =	swait.ge [sflag:s20], $0x4000  }
0x20a: {  	[sflag:s20] =	ssyncset.done $0x0  }
0x20b: {  	[sflag:s20] =	ssyncadd.s32 $0xFFFFC000  }
0x20c: {  	[spmem:s2] =	stream.indirect.scatter.add.f32 [tilespmem:s18], [sflag:$0x4], $0x80, s8, s16, $0xb8;
	[tilespmem:$0x1D000] =	vst v63  }
0x20d: {  	_ =	swait.ge [sflag:s21], $0x4000  }
0x20e: {  	[sflag:s21] =	ssyncset.done $0x0  }
0x20f: {  	[sflag:s21] =	ssyncadd.s32 $0xFFFFC000  }
0x210: {  	s9 =	stileid.u32;
	[bflag:$0x0] =	sbarrier.arrive $0xFFFF  }
0x211: {  	s5 =	sshll.u32 s9, $0x6;
	s10 =	rddreg [dreg:$0x16]  }
0x212: {  	s5 =	sor.u32 $0x1C05, s5;
	s11 =	rddreg [dreg:$0x1b];
	s9 =	sshrl.u32 s10, $0x3  }
0x213: {  	[hbm:s11], [sflag:s5] =	dma.local [spmem:s9], $0x2800  }
0x214: {  	_ =	swait.ge [sflag:s13], $0x2800  }
0x215: {  	s10 =	rddreg [dreg:$0x1d]  }
0x216: {  	s11 =	rddreg [dreg:$0x1c];
	s9 =	sadd.s32 $0x1, s10  }
0x217: {  	p0 =	sne.s32 s9, s11  }
.Ltmp2:
0x218: {  	_ = 	snop;
	(pc) =	sbr.rel @p0 .LBB2_1-.Ltmp2, $3  }
0x219: {  	_ =	sdelay $0x1  }
0x21a: {  	[sflag:s13] =	ssyncset.done $0x0  }
0x21b: {  	[sflag:s13] =	ssyncadd.s32 $0xFFFFD800  }
0x21c: {  	_ =	sfence.sel $0x180000  }
0x21d: {  	[bflag:$0x0] =	sbarrier.arrive $0xFFFF  }
0x21e: {  	_ =	strace $0x90000047  }
0x21f: {  	s0 =	stileid.u32;
	[bflag:$0x2] =	sbarrier.arrive $0xFFFF  }
0x220: {  	p0 =	sne.s32 s0, $0x0;
	s0 =	rddreg [dreg:$0x3]  }
0x221: {  	s0 =	sadd.s32 @!p0 $0x100000, s0  }
0x222: {  	[sflag:s0] =	ssyncadd.tile.s32 @!p0 $0x1;
	_ =	shalt  }
.Lfunc_end2:
_tile_overlayer_lowered:
.L_overlay_start_2:
0x223: {  	(tag) =	ssettag $0x2  }
0x224: {  	s0 =	rddreg [dreg:$0x0];
	s2 =	stileid.u32  }
0x225: {  	s1 =	rddreg [dreg:$0x1];
	p0 =	sne.s32 s2, $0x0  }
0x226: {  	s3 =	rddreg [dreg:$0x2];
	[bflag:$0x3] =	sbarrier.arrive $0xFFFF;
	s2 =	simm.s32 @!p0 $0x1C05  }
0x227: {  	[timem:s3], [sflag:s2] =	dma.local @!p0 [hbm:s0], s1  }
0x228: {  	s0 =	simm.s32 @!p0 $0x5  }
0x229: {  	_ =	swait.ge @!p0 [sflag:s0], s1  }
0x22a: {  	s1 =	ssub.s32 @!p0 $0x0, s1;
	[sflag:s0] =	ssyncset.done @!p0 $0x0  }
0x22b: {  	[sflag:s0] =	ssyncadd.s32 @!p0 s1  }
0x22c: {  	[bflag:$0x3] =	sbarrier.arrive $0xFFFF  }
0x22d: {  	_ =	shalt  }

// kernel: kernel.15.cloned.1.call-start
scs
__scs_entry_jumppad:
0x0: {  	(pc) =	sbr.rel $0x88, $3  }
0x1: {  	(tag) =	ssettag $0x0;
	lr =	simm.s32 $0x1  }
0x2: {  	[smem:$0x3F83] =	sst lr;
	_ =	strace $0xD0000000  }
0x3: {  	_ = 	snop  }
0x4: {  	_ = 	snop  }
0x5: {  	_ = 	snop  }
0x6: {  	_ = 	snop  }
0x7: {  	_ = 	snop  }
__scs_overlays_trampoline_lowered:
0x8: {  	[smem:$0x3F92] =	sst s0  }
0x9: {  	[smem:$0x3F93] =	sst s1  }
0xa: {  	[smem:$0x3F94] =	sst s2  }
0xb: {  	[smem:$0x3F95] =	sst s3  }
0xc: {  	[smem:$0x3F96] =	sst s4  }
0xd: {  	[smem:$0x3F97] =	sst s5  }
0xe: {  	[smem:$0x3F98] =	sst s6  }
0xf: {  	[smem:$0x3F99] =	sst s7  }
0x10: {  	[smem:$0x3F9A] =	sst s8  }
0x11: {  	[smem:$0x3F9B] =	sst s9;
	s0 =	simm.s32 @!p0 $0x0  }
0x12: {  	s1 =	sld [smem:$0x3F81];
	s0 =	simm.s32 @p0 $0x1  }
0x13: {  	[smem:$0x3F9C] =	sst s0;
	s0 =	simm.s32 @!p1 $0x0  }
0x14: {  	s2 =	sld [smem:$0x3F80];
	s0 =	simm.s32 @p1 $0x1  }
0x15: {  	[smem:$0x3F9D] =	sst s0;
	s0 =	simm.s32 @!p2 $0x0  }
0x16: {  	s3 =	sld [smem:$0x3FDB];
	s0 =	simm.s32 @p2 $0x1  }
0x17: {  	s4 =	simm.s32 $0x1BF5;
	[smem:$0x3F9F] =	sst s0  }
0x18: {  	s0 =	sld [smem:$0x3F82];
	_ =	swait.ge [sflag:s4], $0x0  }
0x19: {  	s7 =	sld [smem:$0x3F83]  }
0x1a: {  	s8 =	sadd.s32 $0xFFFFE003, lr  }
0x1b: {  	s9 =	sadd.s32 $0xFFFFFEF7, lr;
	s5 =	simm.s32 $0xFFFFFFFF;
	p2 =	slt.u32 s8, $0xFFFFF086  }
0x1c: {  	p1 =	slt.u32 s9, $0xF7A;
	s5 =	simm.s32 @!p2 $0x0  }
0x1d: {  	s5 =	simm.s32 @p1 $0x1;
	p0 =	seq.s32 s7, s2  }
0x1e: {  	s7 =	smul.u32 @!p0 $0xF7A, s2;
	p2 =	seq.s32 @!p0 s5, $0x0  }
0x1f: {  	s9 =	smul.u32 $0xF7A, s1;
	s8 =	simm.s32 @!p0 $0x1BF5;
	p2 =	por !p2, p0  }
0x20: {  	[sflag:s8] =	ssyncset.s32 @!p0 $0xFFFFF086;
	s6 =	sadd.s32 @!p0 s3, s7;
	s7 =	simm.s32 @!p0 $0x108  }
0x21: {  	s3 =	sadd.s32 s3, s9;
	s6 =	sadd.s32 @!p0 $0x88, s6;
	s7 =	simm.s32 @p2 $0x1082  }
0x22: {  	[simem:s7], [sflag:s8] =	dma.local @!p0 [hbm:s6], $0xF7A  }
0x23: {  	s9 =	sor.u32 $0xD0000000, s2;
	s6 =	simm.s32 $0x108;
	_ =	swait.ge @!p0 [sflag:s8], $0x0  }
0x24: {  	s3 =	sadd.s32 $0x88, s3;
	s6 =	simm.s32 @!p1 $0x1082;
	[sflag:s4] =	ssyncset.s32 $0xFFFFF086  }
0x25: {  	[simem:s6], [sflag:s4] =	dma.local [hbm:s3], $0xF7A  }
0x26: {  	[smem:$0x3F83] =	sst s1;
	(tag) =	ssettag s2;
	_ =	strace s9  }
0x27: {  	s1 =	sld [smem:$0x3F93]  }
0x28: {  	s2 =	sld [smem:$0x3F94]  }
0x29: {  	s4 =	sld [smem:$0x3F96]  }
0x2a: {  	p0 =	seq.s32 s5, $0x0;
	s5 =	sld [smem:$0x3F97]  }
0x2b: {  	s6 =	sld [smem:$0x3F98]  }
0x2c: {  	s7 =	sld [smem:$0x3F99]  }
0x2d: {  	s3 =	simm.s32 $0x108;
	s8 =	sld [smem:$0x3F9A]  }
0x2e: {  	s3 =	simm.s32 @!p0 $0x1082;
	s9 =	sld [smem:$0x3F9B]  }
0x2f: {  	lr =	sadd.s32 s0, s3;
	s0 =	sld [smem:$0x3F92]  }
0x30: {  	s3 =	sld [smem:$0x3F95]  }
0x31: {  	[smem:$0x3F9E] =	sst s10  }
0x32: {  	s10 =	sld [smem:$0x3F9C];
	_ =	sdelay $0x3  }
0x33: {  	p0 =	seq.s32 s10, $0x1;
	s10 =	sld [smem:$0x3F9E];
	_ =	sdelay $0x3  }
0x34: {  	[smem:$0x3F9E] =	sst s10  }
0x35: {  	s10 =	sld [smem:$0x3F9D];
	_ =	sdelay $0x3  }
0x36: {  	p1 =	seq.s32 s10, $0x1;
	s10 =	sld [smem:$0x3F9E];
	_ =	sdelay $0x3  }
0x37: {  	[smem:$0x3F9E] =	sst s10  }
0x38: {  	s10 =	sld [smem:$0x3F9F]  }
0x39: {  	_ = 	snop;
	(pc) =	sbr.ind lr, $3  }
0x3a: {  	_ = 	snop  }
0x3b: {  	_ = 	snop  }
0x3c: {  	p2 =	seq.s32 s10, $0x1;
	s10 =	sld [smem:$0x3F9E]  }
0x3d: {  	_ =	shalt  }
0x3e: {  	_ =	shalt  }
0x3f: {  	_ =	shalt  }
0x40: {  	_ =	shalt  }
0x41: {  	_ =	shalt  }
0x42: {  	_ =	shalt  }
0x43: {  	_ =	shalt  }
0x44: {  	_ =	shalt  }
0x45: {  	_ =	shalt  }
0x46: {  	_ =	shalt  }
0x47: {  	_ =	shalt  }
0x48: {  	_ =	shalt  }
0x49: {  	_ =	shalt  }
0x4a: {  	_ =	shalt  }
0x4b: {  	_ =	shalt  }
0x4c: {  	_ =	shalt  }
0x4d: {  	_ =	shalt  }
0x4e: {  	_ =	shalt  }
0x4f: {  	_ =	shalt  }
0x50: {  	_ =	shalt  }
0x51: {  	_ =	shalt  }
0x52: {  	_ =	shalt  }
0x53: {  	_ =	shalt  }
0x54: {  	_ =	shalt  }
0x55: {  	_ =	shalt  }
0x56: {  	_ =	shalt  }
0x57: {  	_ =	shalt  }
0x58: {  	_ =	shalt  }
0x59: {  	_ =	shalt  }
0x5a: {  	_ =	shalt  }
0x5b: {  	_ =	shalt  }
0x5c: {  	_ =	shalt  }
0x5d: {  	_ =	shalt  }
0x5e: {  	_ =	shalt  }
0x5f: {  	_ =	shalt  }
0x60: {  	_ =	shalt  }
0x61: {  	_ =	shalt  }
0x62: {  	_ =	shalt  }
0x63: {  	_ =	shalt  }
0x64: {  	_ =	shalt  }
0x65: {  	_ =	shalt  }
0x66: {  	_ =	shalt  }
0x67: {  	_ =	shalt  }
0x68: {  	_ =	shalt  }
0x69: {  	_ =	shalt  }
0x6a: {  	_ =	shalt  }
0x6b: {  	_ =	shalt  }
0x6c: {  	_ =	shalt  }
0x6d: {  	_ =	shalt  }
0x6e: {  	_ =	shalt  }
0x6f: {  	_ =	shalt  }
0x70: {  	_ =	shalt  }
0x71: {  	_ =	shalt  }
0x72: {  	_ =	shalt  }
0x73: {  	_ =	shalt  }
0x74: {  	_ =	shalt  }
0x75: {  	_ =	shalt  }
0x76: {  	_ =	shalt  }
0x77: {  	_ =	shalt  }
0x78: {  	_ =	shalt  }
0x79: {  	_ =	shalt  }
0x7a: {  	_ =	shalt  }
0x7b: {  	_ =	shalt  }
0x7c: {  	_ =	shalt  }
0x7d: {  	_ =	shalt  }
0x7e: {  	_ =	shalt  }
0x7f: {  	_ =	shalt  }
0x80: {  	_ =	shalt  }
0x81: {  	_ =	shalt  }
0x82: {  	_ =	shalt  }
0x83: {  	_ =	shalt  }
0x84: {  	_ =	shalt  }
0x85: {  	_ =	shalt  }
0x86: {  	_ =	shalt  }
0x87: {  	_ =	shalt  }
.Lfunc_end0:
.L_simem_size_0:
called_computation.1_lowered:
.L_overlay_start_0:
0x88: {  	s2 =	sld [smem:$0x3FD9]  }
0x89: {  	s3 =	sld [smem:$0x3FFE];
	_ =	sdelay $0x1  }
0x8a: {  	s1 =	srdreg.scid  }
0x8b: {  	s0 =	sand.u32 $0x1, s1  }
0x8c: {  	s14 =	sshll.u32 s0, $0xA;
	s2 =	sadd.s32 s3, s2  }
0x8d: {  	s2 =	sadd.s32 s2, s14  }
0x8e: {  	[smem:$0x3FAA] =	sst s2  }
0x8f: {  	_ = 	snop  }
0x90: {  	s2 =	sld [smem:$0x3FD0];
	_ =	sdelay $0x2  }
0x91: {  	s15 =	simm.s32 $0xA;
	s4 =	simm.s32 $0x10  }
0x92: {  	[smem:s4], [sflag:s15] =	dma.local [hbm:s2], $0x1  }
0x93: {  	_ =	swait.eq [sflag:s15], $0x1  }
0x94: {  	[sflag:s15] =	ssyncset.done $0x0  }
0x95: {  	[sflag:s15] =	ssyncadd.s32 $0xFFFFFFFF  }
0x96: {  	s16 =	sld [smem:$0x11];
	(tm) =	ssettm $0x1  }
0x97: {  	s17 =	sld [smem:$0x3FFB];
	_ =	sdelay $0x3  }
0x98: {  	_ =	strace s17  }
0x99: {  	s3 =	sld [smem:$0x3FFC];
	_ =	sdelay $0x3  }
0x9a: {  	_ =	strace s3  }
0x9b: {  	s3 =	sld [smem:$0x3FFD];
	_ =	sdelay $0x3  }
0x9c: {  	_ =	strace s3  }
0x9d: {  	_ =	strace $0x8FFFFFFF  }
0x9e: {  	s18 =	sld [smem:$0x3FDB];
	_ =	sdelay $0x1  }
0x9f: {  	s19 =	simm.s32 $_scs_section_size  }
0xa0: {  	s5 =	simm.s32 $_size__tile_overlayer_lowered;
	s6 =	simm.s32 $_tile_overlayer_lowered  }
0xa1: {  	s22 =	simm.s32 $0x1BFF;
	s21 =	sshll.u32 s6, $0x1;
	s3 =	sadd.s32 s19, s18  }
0xa2: {  	s7 =	simm.s32 $0x0;
	s20 =	sshll.u32 s5, $0x1;
	s5 =	sadd.s32 s21, s3  }
0xa3: {  	[timem:s7], [sflag:s22] =	dma.local [hbm:s5], s20  }
0xa4: {  	_ =	swait.ge [sflag:s22], s20  }
0xa5: {  	s4 =	ssub.s32 $0x0, s20;
	[sflag:s22] =	ssyncset.done $0x0  }
0xa6: {  	[sflag:s22] =	ssyncadd.s32 s4;
	_ =	sdelay $0x1  }
0xa7: {  	s23 =	simm.s32 $0x1B8B  }
0xa8: {  	_ =	swait.ge [sflag:s23], $0x1  }
0xa9: {  	[sflag:s23] =	ssyncset.done $0x0  }
0xaa: {  	s25 =	simm.s32 $0x1B8E;
	s24 =	sld [smem:$0x3FFE];
	[sflag:s23] =	ssyncadd.s32 $0xFFFFFFFF  }
0xab: {  	s26 =	simm.s32 $execute0_lowered;
	[smem:$0x3FD2] =	sst s25  }
0xac: {  	s5 =	sshll.u32 s26, $0x1;
	_ =	strace $0x80000049;
	[dreg:$0x1] =	wrdreg $0xFFFFFFFF  }
0xad: {  	s28 =	simm.s32 $_size_execute0_lowered;
	s3 =	sadd.s32 s3, s5;
	[dreg:$0x0] =	wrdreg $0x0  }
0xae: {  	s5 =	sshll.u32 s28, $0x1;
	[dreg:$0x2] =	wrdreg s3  }
0xaf: {  	[dreg:$0x3] =	wrdreg s5  }
0xb0: {  	[dreg:$0x4] =	wrdreg $0xC0  }
0xb1: {  	_ =	task [dreg:s7], $0x5FFFF  }
0xb2: {  	[dreg:$0x1] =	wrdreg $0xFFFFFFFF  }
0xb3: {  	[dreg:$0x0] =	wrdreg $0x60  }
0xb4: {  	[dreg:$0x2] =	wrdreg s24  }
0xb5: {  	[dreg:$0x3] =	wrdreg s16  }
0xb6: {  	[dreg:$0x4] =	wrdreg $0x0  }
0xb7: {  	[dreg:$0x5] =	wrdreg $0x9  }
0xb8: {  	_ =	task.clear_ibuf [dreg:s7], $0x6FFFF;
	_ =	strace $0x90000049  }
0xb9: {  	s29 =	simm.s32 $0x9;
	_ =	strace $0x8000004B  }
0xba: {  	_ =	swait.ge [sflag:s29], $0x1  }
0xbb: {  	[sflag:s29] =	ssyncadd.s32 $0xFFFFFFFF  }
0xbc: {  	_ =	strace $0x9000004B  }
0xbd: {  	_ =	sfence  }
0xbe: {  	s30 =	sld [smem:$0x0];
	_ =	sdelay $0x2  }
0xbf: {  	s31 =	sshll.u32 s1, $0xD;
	s1 =	sshrl.u32 s1, $0x2  }
0xc0: {  	s3 =	sand.u32 $0x4000, s31;
	s1 =	sadd.s32 s1, s30  }
0xc1: {  	s0 =	sor.u32 s3, s0;
	s1 =	sshll.u32 s1, $0x11  }
0xc2: {  	s0 =	sor.u32 s1, s0  }
0xc3: {  	s0 =	sadd.s32 $0x8F2B, s0  }
0xc4: {  	[sflag:s0] =	ssyncadd.remote.s32 $0x1  }
0xc5: {  	_ =	sfence.sel $0xFFFF  }
0xc6: {  	[dreg:$0x0] =	wrdreg $0xFFFFFFFF;
	(pc) =	sbr.abs _section_cstart, $3  }
0xc7: {  	[dreg:$0x1] =	wrdreg $0xFFFFFFFF  }
0xc8: {  	_ =	task.clear_ibuf [dreg:s7], $0x2FFFF;
	_ =	strace $0x9FFFFFFF  }
0xc9: {  	(tm) =	ssettm $0x7FFFFFFF  }
tec
execute0_lowered:
.L_overlay_start_1:
0x0: {  	(tag) =	ssettag $0x1  }
0x1: {  	s0 =	srdreg.scid;
	s1 =	rddreg [dreg:$0x0]  }
0x2: {  	s9 =	stileid.u32;
	s5 =	rddreg [dreg:$0x1]  }
0x3: {  	s2 =	rddreg [dreg:$0x2];
	s3 =	simm.s32 $0x0;
	s11 =	simm.s32 $0x14880  }
0x4: {  	s13 =	simm.s32 $0x14180;
	s15 =	simm.s32 $0x14900;
	s16 =	simm.s32 $0x14200  }
0x5: {  	s17 =	simm.s32 $0x14980;
	s18 =	simm.s32 $0x14280;
	[smem:$0x7FF] =	sst s3  }
0x6: {  	s19 =	simm.s32 $0x14A00;
	_ =	strace $0x8000004A;
	[dreg:$0x8] =	wrdreg s11  }
0x7: {  	s20 =	simm.s32 $0x14300;
	s21 =	simm.s32 $0x14A80;
	[dreg:$0x9] =	wrdreg s13  }
0x8: {  	s22 =	simm.s32 $0x14380;
	s23 =	simm.s32 $0x14B00;
	[dreg:$0xa] =	wrdreg s15  }
0x9: {  	s24 =	simm.s32 $0x14400;
	s28 =	simm.s32 $0x14600;
	[dreg:$0xb] =	wrdreg s16  }
0xa: {  	s29 =	simm.s32 $0x14D80;
	s6 =	smul.u32 $0x2800, s9;
	[dreg:$0xc] =	wrdreg s17  }
0xb: {  	s30 =	simm.s32 $0x14680;
	s8 =	smul.u32 $0x14000, s9;
	[dreg:$0xd] =	wrdreg s18  }
0xc: {  	s0 =	sand.u32 $0x1, s0;
	s9 =	smul.u32 $0x50000, s9;
	[dreg:$0xe] =	wrdreg s19  }
0xd: {  	s31 =	simm.s32 $0x14E00;
	s4 =	smul.u32 $0x28000, s0;
	[dreg:$0xf] =	wrdreg s20  }
0xe: {  	s7 =	smul.u32 $0x140000, s0;
	s0 =	ssub.s32 $0x2, s0;
	[dreg:$0x10] =	wrdreg s21  }
0xf: {  	s13 =	simm.s32 $0x5;
	s15 =	simm.s32 $0x14800;
	[dreg:$0x11] =	wrdreg s22  }
0x10: {  	s16 =	simm.s32 $0x80;
	s17 =	simm.s32 $0x1;
	[dreg:$0x12] =	wrdreg s23  }
0x11: {  	s18 =	simm.s32 $0x19000;
	[dreg:$0x13] =	wrdreg s24;
	s19 =	simm.s32 $0x2  }
0x12: {  	s20 =	simm.s32 $0x3;
	s26 =	sshrl.u32 s0, $0x1;
	s6 =	sadd.s32 s6, s4  }
0x13: {  	s7 =	sadd.s32 s8, s7;
	s4 =	sadd.s32 $0xD1600, s1;
	s0 =	ssub.s32 s0, s26  }
0x14: {  	s26 =	simm.s32 $0x14480;
	s6 =	sshrl.u32 s6, $0x3;
	s7 =	sshrl.u32 s7, $0x3  }
0x15: {  	s0 =	smax.u32 s0, $0x1;
	[dreg:$0x15] =	wrdreg s26;
	s25 =	sadd.s32 s6, s1  }
0x16: {  	s1 =	sadd.s32 s7, s1;
	s5 =	sadd.s32 s6, s5;
	[dreg:$0x1c] =	wrdreg s0  }
0x17: {  	s7 =	sshrl.u32 s9, $0x2;
	s9 =	simm.s32 $0x14100;
	[dreg:$0x5] =	wrdreg s5  }
0x18: {  	s21 =	simm.s32 $0x4;
	s8 =	sadd.s32 $0x4000, s25;
	[dreg:$0x7] =	wrdreg s9  }
0x19: {  	s22 =	simm.s32 $0x14C00;
	s6 =	sadd.s32 s7, s2;
	[dreg:$0x4] =	wrdreg s8  }
0x1a: {  	s23 =	simm.s32 $0x14500;
	s1 =	sadd.s32 $0xE000, s1;
	[dreg:$0x16] =	wrdreg s6  }
0x1b: {  	s24 =	simm.s32 $0x14C80;
	s25 =	simm.s32 $0x14B80;
	[dreg:$0x1b] =	wrdreg s1  }
0x1c: {  	s26 =	simm.s32 $0x14D00;
	s8 =	simm.s32 $0x14080;
	[dreg:$0x14] =	wrdreg s25  }
0x1d: {  	s0 =	simm.s32 $0x14E80;
	s10 =	sadd.s32 $0x4000, s6;
	[dreg:$0x6] =	wrdreg s8  }
0x1e: {  	s7 =	simm.s32 $0x14F00;
	s12 =	sadd.s32 $0x8000, s6;
	[dreg:$0x17] =	wrdreg s10  }
0x1f: {  	s9 =	simm.s32 $0x0;
	s14 =	sadd.s32 $0xC000, s6;
	[dreg:$0x18] =	wrdreg s12  }
0x20: {  	s6 =	sadd.s32 $0x10000, s6;
	s25 =	simm.s32 $0x14580;
	[dreg:$0x19] =	wrdreg s14  }
0x21: {  	s1 =	simm.s32 $0x14700;
	[dreg:$0x1a] =	wrdreg s6;
	s12 =	simm.s32 $0x15000  }
0x22: {  	v0 =	vimm.f32 $0.0e+00;
	s14 =	simm.s32 $0x14000;
	s6 =	simm.s32 $0x14780;
	s8 =	simm.s32 $0x14F80  }
.LBB2_1:
0x23: {  	s10 =	simm.s32 $0x0;
	s11 =	simm.s32 $0x200  }
.LBB2_2:
0x24: {  	p0 =	sne.s32 s11, $0xFE00;
	[tilespmem:s10+$0x15070] =	vst v0  }
0x25: {  	[tilespmem:s10+$0x15000] =	vst v0  }
0x26: {  	[tilespmem:s10+$0x15010] =	vst v0  }
.Ltmp0:
0x27: {  	[tilespmem:s10+$0x15020] =	vst v0;
	(pc) =	sbr.rel @p0 .LBB2_2-.Ltmp0, $4  }
0x28: {  	[tilespmem:s10+$0x15030] =	vst v0  }
0x29: {  	[tilespmem:s10+$0x15040] =	vst v0  }
0x2a: {  	[tilespmem:s10+$0x15050] =	vst v0  }
0x2b: {  	[tilespmem:s10+$0x15060] =	vst v0;
	s10 =	sshra.s32 s11, $0x2;
	s11 =	sadd.s32 $0x200, s11  }
0x2c: {  	[tilespmem:s10+$0x15070] =	vst v0  }
0x2d: {  	[tilespmem:s10+$0x15000] =	vst v0  }
0x2e: {  	[tilespmem:s10+$0x15010] =	vst v0  }
0x2f: {  	[tilespmem:s10+$0x15020] =	vst v0  }
0x30: {  	[tilespmem:s10+$0x15030] =	vst v0  }
0x31: {  	[tilespmem:s10+$0x15040] =	vst v0  }
0x32: {  	[dreg:$0x1d] =	wrdreg s9;
	[tilespmem:s10+$0x15050] =	vst v0  }
0x33: {  	[tilespmem:s10+$0x15060] =	vst v0;
	s5 =	rddreg [dreg:$0x16]  }
0x34: {  	[spmem:s5] =	stream.linear.scatter [tilespmem:s12], [sflag:$0x5], $0x4000, $0x38;
	[tilespmem:$0x1D000] =	vst v63  }
0x35: {  	_ =	swait.ge [sflag:s13], $0x4000  }
0x36: {  	[sflag:s13] =	ssyncset.done $0x0  }
0x37: {  	s10 =	rddreg [dreg:$0x17];
	[sflag:s13] =	ssyncadd.s32 $0xFFFFC000  }
0x38: {  	[spmem:s10] =	stream.linear.scatter [tilespmem:s12], [sflag:$0x5], $0x4000, $0x38;
	[tilespmem:$0x1D000] =	vst v63  }
0x39: {  	_ =	swait.ge [sflag:s13], $0x4000  }
0x3a: {  	[sflag:s13] =	ssyncset.done $0x0  }
0x3b: {  	s11 =	rddreg [dreg:$0x18];
	[sflag:s13] =	ssyncadd.s32 $0xFFFFC000  }
0x3c: {  	[spmem:s11] =	stream.linear.scatter [tilespmem:s12], [sflag:$0x5], $0x4000, $0x38;
	[tilespmem:$0x1D000] =	vst v63  }
0x3d: {  	_ =	swait.ge [sflag:s13], $0x4000  }
0x3e: {  	[sflag:s13] =	ssyncset.done $0x0  }
0x3f: {  	s9 =	rddreg [dreg:$0x19];
	[sflag:s13] =	ssyncadd.s32 $0xFFFFC000  }
0x40: {  	[spmem:s9] =	stream.linear.scatter [tilespmem:s12], [sflag:$0x5], $0x4000, $0x38;
	[tilespmem:$0x1D000] =	vst v63  }
0x41: {  	_ =	swait.ge [sflag:s13], $0x4000  }
0x42: {  	[sflag:s13] =	ssyncset.done $0x0  }
0x43: {  	s10 =	rddreg [dreg:$0x1a];
	[sflag:s13] =	ssyncadd.s32 $0xFFFFC000  }
0x44: {  	[spmem:s10] =	stream.linear.scatter [tilespmem:s12], [sflag:$0x5], $0x4000, $0x38;
	[tilespmem:$0x1D000] =	vst v63  }
0x45: {  	_ =	swait.ge [sflag:s13], $0x4000  }
0x46: {  	[sflag:s13] =	ssyncset.done $0x0  }
0x47: {  	[sflag:s13] =	ssyncadd.s32 $0xFFFFC000  }
0x48: {  	[bflag:$0x0] =	sbarrier.arrive $0xFFFF  }
0x49: {  	s11 =	rddreg [dreg:$0x5]  }
0x4a: {  	s5 =	sadd.s32 $0x0, s11  }
0x4b: {  	[tilespmem:s14], [sflag:$0x5] =	stream.linear.gather [hbm4b:s5+s3], $0x800, $0x38;
	[tilespmem:$0x1D000] =	vst v63  }
0x4c: {  	_ =	swait.ge [sflag:s13], $0x800  }
0x4d: {  	s9 =	rddreg [dreg:$0x4];
	[sflag:s13] =	ssyncset.done $0x0  }
0x4e: {  	[sflag:s13] =	ssyncadd.s32 $0xFFFFF800;
	s5 =	sadd.s32 $0x0, s9  }
0x4f: {  	[tilespmem:s15], [sflag:$0x5] =	stream.linear.gather [hbm4b:s5+s3], $0x800, $0x38;
	[tilespmem:$0x1D000] =	vst v63  }
0x50: {  	_ =	swait.ge [sflag:s13], $0x800  }
0x51: {  	[sflag:s13] =	ssyncset.done $0x0  }
0x52: {  	[sflag:s13] =	ssyncadd.s32 $0xFFFFF800  }
0x53: {  	[tilespmem:s12], [sflag:$0x1] =	stream.indirect.gather [hbm4b:s4+s16], $0x80, s14, s16, $0xb8;
	[tilespmem:$0x1D000] =	vst v63  }
0x54: {  	_ =	swait.ge [sflag:s17], $0x4000  }
0x55: {  	[sflag:s17] =	ssyncset.done $0x0  }
0x56: {  	s10 =	rddreg [dreg:$0x6];
	[sflag:s17] =	ssyncadd.s32 $0xFFFFC000  }
0x57: {  	[tilespmem:s18], [sflag:$0x2] =	stream.indirect.gather [hbm4b:s4+s16], $0x80, s10, s16, $0xb8;
	[tilespmem:$0x1D000] =	vst v63  }
0x58: {  	_ = 	snop  }
0x59: {  	[spmem:s2] =	stream.indirect.scatter.add.f32 [tilespmem:s12], [sflag:$0x3], $0x80, s15, s16, $0xb8;
	[tilespmem:$0x1D000] =	vst v63  }
0x5a: {  	_ =	swait.ge [sflag:s19], $0x4000  }
0x5b: {  	[sflag:s19] =	ssyncset.done $0x0  }
0x5c: {  	[sflag:s19] =	ssyncadd.s32 $0xFFFFC000  }
0x5d: {  	_ =	swait.ge [sflag:s20], $0x4000  }
0x5e: {  	[sflag:s20] =	ssyncset.done $0x0  }
0x5f: {  	s11 =	rddreg [dreg:$0x7];
	[sflag:s20] =	ssyncadd.s32 $0xFFFFC000  }
0x60: {  	[tilespmem:s12], [sflag:$0x1] =	stream.indirect.gather [hbm4b:s4+s16], $0x80, s11, s16, $0xb8;
	[tilespmem:$0x1D000] =	vst v63  }
0x61: {  	s9 =	rddreg [dreg:$0x8]  }
0x62: {  	[spmem:s2] =	stream.indirect.scatter.add.f32 [tilespmem:s18], [sflag:$0x4], $0x80, s9, s16, $0xb8;
	[tilespmem:$0x1D000] =	vst v63  }
0x63: {  	_ =	swait.ge [sflag:s17], $0x4000  }
0x64: {  	[sflag:s17] =	ssyncset.done $0x0  }
0x65: {  	[sflag:s17] =	ssyncadd.s32 $0xFFFFC000  }
0x66: {  	_ =	swait.ge [sflag:s21], $0x4000  }
0x67: {  	[sflag:s21] =	ssyncset.done $0x0  }
0x68: {  	s11 =	rddreg [dreg:$0x9];
	[sflag:s21] =	ssyncadd.s32 $0xFFFFC000  }
0x69: {  	[tilespmem:s18], [sflag:$0x2] =	stream.indirect.gather [hbm4b:s4+s16], $0x80, s11, s16, $0xb8;
	[tilespmem:$0x1D000] =	vst v63  }
0x6a: {  	s9 =	rddreg [dreg:$0xa]  }
0x6b: {  	[spmem:s2] =	stream.indirect.scatter.add.f32 [tilespmem:s12], [sflag:$0x3], $0x80, s9, s16, $0xb8;
	[tilespmem:$0x1D000] =	vst v63  }
0x6c: {  	_ =	swait.ge [sflag:s19], $0x4000  }
0x6d: {  	[sflag:s19] =	ssyncset.done $0x0  }
0x6e: {  	[sflag:s19] =	ssyncadd.s32 $0xFFFFC000  }
0x6f: {  	_ =	swait.ge [sflag:s20], $0x4000  }
0x70: {  	[sflag:s20] =	ssyncset.done $0x0  }
0x71: {  	s11 =	rddreg [dreg:$0xb];
	[sflag:s20] =	ssyncadd.s32 $0xFFFFC000  }
0x72: {  	[tilespmem:s12], [sflag:$0x1] =	stream.indirect.gather [hbm4b:s4+s16], $0x80, s11, s16, $0xb8;
	[tilespmem:$0x1D000] =	vst v63  }
0x73: {  	s9 =	rddreg [dreg:$0xc]  }
0x74: {  	[spmem:s2] =	stream.indirect.scatter.add.f32 [tilespmem:s18], [sflag:$0x4], $0x80, s9, s16, $0xb8;
	[tilespmem:$0x1D000] =	vst v63  }
0x75: {  	_ =	swait.ge [sflag:s17], $0x4000  }
0x76: {  	[sflag:s17] =	ssyncset.done $0x0  }
0x77: {  	[sflag:s17] =	ssyncadd.s32 $0xFFFFC000  }
0x78: {  	_ =	swait.ge [sflag:s21], $0x4000  }
0x79: {  	[sflag:s21] =	ssyncset.done $0x0  }
0x7a: {  	s11 =	rddreg [dreg:$0xd];
	[sflag:s21] =	ssyncadd.s32 $0xFFFFC000  }
0x7b: {  	[tilespmem:s18], [sflag:$0x2] =	stream.indirect.gather [hbm4b:s4+s16], $0x80, s11, s16, $0xb8;
	[tilespmem:$0x1D000] =	vst v63  }
0x7c: {  	s9 =	rddreg [dreg:$0xe]  }
0x7d: {  	[spmem:s2] =	stream.indirect.scatter.add.f32 [tilespmem:s12], [sflag:$0x3], $0x80, s9, s16, $0xb8;
	[tilespmem:$0x1D000] =	vst v63  }
0x7e: {  	_ =	swait.ge [sflag:s19], $0x4000  }
0x7f: {  	[sflag:s19] =	ssyncset.done $0x0  }
0x80: {  	[sflag:s19] =	ssyncadd.s32 $0xFFFFC000  }
0x81: {  	_ =	swait.ge [sflag:s20], $0x4000  }
0x82: {  	[sflag:s20] =	ssyncset.done $0x0  }
0x83: {  	s11 =	rddreg [dreg:$0xf];
	[sflag:s20] =	ssyncadd.s32 $0xFFFFC000  }
0x84: {  	[tilespmem:s12], [sflag:$0x1] =	stream.indirect.gather [hbm4b:s4+s16], $0x80, s11, s16, $0xb8;
	[tilespmem:$0x1D000] =	vst v63  }
0x85: {  	s9 =	rddreg [dreg:$0x10]  }
0x86: {  	[spmem:s2] =	stream.indirect.scatter.add.f32 [tilespmem:s18], [sflag:$0x4], $0x80, s9, s16, $0xb8;
	[tilespmem:$0x1D000] =	vst v63  }
0x87: {  	_ =	swait.ge [sflag:s17], $0x4000  }
0x88: {  	[sflag:s17] =	ssyncset.done $0x0  }
0x89: {  	[sflag:s17] =	ssyncadd.s32 $0xFFFFC000  }
0x8a: {  	_ =	swait.ge [sflag:s21], $0x4000  }
0x8b: {  	[sflag:s21] =	ssyncset.done $0x0  }
0x8c: {  	s11 =	rddreg [dreg:$0x11];
	[sflag:s21] =	ssyncadd.s32 $0xFFFFC000  }
0x8d: {  	[tilespmem:s18], [sflag:$0x2] =	stream.indirect.gather [hbm4b:s4+s16], $0x80, s11, s16, $0xb8;
	[tilespmem:$0x1D000] =	vst v63  }
0x8e: {  	s9 =	rddreg [dreg:$0x12]  }
0x8f: {  	[spmem:s2] =	stream.indirect.scatter.add.f32 [tilespmem:s12], [sflag:$0x3], $0x80, s9, s16, $0xb8;
	[tilespmem:$0x1D000] =	vst v63  }
0x90: {  	_ =	swait.ge [sflag:s19], $0x4000  }
0x91: {  	[sflag:s19] =	ssyncset.done $0x0  }
0x92: {  	[sflag:s19] =	ssyncadd.s32 $0xFFFFC000  }
0x93: {  	_ =	swait.ge [sflag:s20], $0x4000  }
0x94: {  	[sflag:s20] =	ssyncset.done $0x0  }
0x95: {  	s11 =	rddreg [dreg:$0x13];
	[sflag:s20] =	ssyncadd.s32 $0xFFFFC000  }
0x96: {  	[tilespmem:s12], [sflag:$0x1] =	stream.indirect.gather [hbm4b:s4+s16], $0x80, s11, s16, $0xb8;
	[tilespmem:$0x1D000] =	vst v63  }
0x97: {  	s9 =	rddreg [dreg:$0x14]  }
0x98: {  	[spmem:s2] =	stream.indirect.scatter.add.f32 [tilespmem:s18], [sflag:$0x4], $0x80, s9, s16, $0xb8;
	[tilespmem:$0x1D000] =	vst v63  }
0x99: {  	_ =	swait.ge [sflag:s17], $0x4000  }
0x9a: {  	[sflag:s17] =	ssyncset.done $0x0  }
0x9b: {  	[sflag:s17] =	ssyncadd.s32 $0xFFFFC000  }
0x9c: {  	_ =	swait.ge [sflag:s21], $0x4000  }
0x9d: {  	[sflag:s21] =	ssyncset.done $0x0  }
0x9e: {  	s11 =	rddreg [dreg:$0x15];
	[sflag:s21] =	ssyncadd.s32 $0xFFFFC000  }
0x9f: {  	[tilespmem:s18], [sflag:$0x2] =	stream.indirect.gather [hbm4b:s4+s16], $0x80, s11, s16, $0xb8;
	[tilespmem:$0x1D000] =	vst v63  }
0xa0: {  	_ = 	snop  }
0xa1: {  	[spmem:s2] =	stream.indirect.scatter.add.f32 [tilespmem:s12], [sflag:$0x3], $0x80, s22, s16, $0xb8;
	[tilespmem:$0x1D000] =	vst v63  }
0xa2: {  	_ =	swait.ge [sflag:s19], $0x4000  }
0xa3: {  	[sflag:s19] =	ssyncset.done $0x0  }
0xa4: {  	[sflag:s19] =	ssyncadd.s32 $0xFFFFC000  }
0xa5: {  	_ =	swait.ge [sflag:s20], $0x4000  }
0xa6: {  	[sflag:s20] =	ssyncset.done $0x0  }
0xa7: {  	[sflag:s20] =	ssyncadd.s32 $0xFFFFC000  }
0xa8: {  	[tilespmem:s12], [sflag:$0x1] =	stream.indirect.gather [hbm4b:s4+s16], $0x80, s23, s16, $0xb8;
	[tilespmem:$0x1D000] =	vst v63  }
0xa9: {  	_ = 	snop  }
0xaa: {  	[spmem:s2] =	stream.indirect.scatter.add.f32 [tilespmem:s18], [sflag:$0x4], $0x80, s24, s16, $0xb8;
	[tilespmem:$0x1D000] =	vst v63  }
0xab: {  	_ =	swait.ge [sflag:s17], $0x4000  }
0xac: {  	[sflag:s17] =	ssyncset.done $0x0  }
0xad: {  	[sflag:s17] =	ssyncadd.s32 $0xFFFFC000  }
0xae: {  	_ =	swait.ge [sflag:s21], $0x4000  }
0xaf: {  	[sflag:s21] =	ssyncset.done $0x0  }
0xb0: {  	[sflag:s21] =	ssyncadd.s32 $0xFFFFC000  }
0xb1: {  	[tilespmem:s18], [sflag:$0x2] =	stream.indirect.gather [hbm4b:s4+s16], $0x80, s25, s16, $0xb8;
	[tilespmem:$0x1D000] =	vst v63  }
0xb2: {  	_ = 	snop  }
0xb3: {  	[spmem:s2] =	stream.indirect.scatter.add.f32 [tilespmem:s12], [sflag:$0x3], $0x80, s26, s16, $0xb8;
	[tilespmem:$0x1D000] =	vst v63  }
0xb4: {  	_ =	swait.ge [sflag:s19], $0x4000  }
0xb5: {  	[sflag:s19] =	ssyncset.done $0x0  }
0xb6: {  	[sflag:s19] =	ssyncadd.s32 $0xFFFFC000  }
0xb7: {  	_ =	swait.ge [sflag:s20], $0x4000  }
0xb8: {  	[sflag:s20] =	ssyncset.done $0x0  }
0xb9: {  	[sflag:s20] =	ssyncadd.s32 $0xFFFFC000  }
0xba: {  	[tilespmem:s12], [sflag:$0x1] =	stream.indirect.gather [hbm4b:s4+s16], $0x80, s28, s16, $0xb8;
	[tilespmem:$0x1D000] =	vst v63  }
0xbb: {  	_ = 	snop  }
0xbc: {  	[spmem:s2] =	stream.indirect.scatter.add.f32 [tilespmem:s18], [sflag:$0x4], $0x80, s29, s16, $0xb8;
	[tilespmem:$0x1D000] =	vst v63  }
0xbd: {  	_ =	swait.ge [sflag:s17], $0x4000  }
0xbe: {  	[sflag:s17] =	ssyncset.done $0x0  }
0xbf: {  	[sflag:s17] =	ssyncadd.s32 $0xFFFFC000  }
0xc0: {  	_ =	swait.ge [sflag:s21], $0x4000  }
0xc1: {  	[sflag:s21] =	ssyncset.done $0x0  }
0xc2: {  	[sflag:s21] =	ssyncadd.s32 $0xFFFFC000  }
0xc3: {  	[tilespmem:s18], [sflag:$0x2] =	stream.indirect.gather [hbm4b:s4+s16], $0x80, s30, s16, $0xb8;
	[tilespmem:$0x1D000] =	vst v63  }
0xc4: {  	_ = 	snop  }
0xc5: {  	[spmem:s2] =	stream.indirect.scatter.add.f32 [tilespmem:s12], [sflag:$0x3], $0x80, s31, s16, $0xb8;
	[tilespmem:$0x1D000] =	vst v63  }
0xc6: {  	_ =	swait.ge [sflag:s19], $0x4000  }
0xc7: {  	[sflag:s19] =	ssyncset.done $0x0  }
0xc8: {  	[sflag:s19] =	ssyncadd.s32 $0xFFFFC000  }
0xc9: {  	_ =	swait.ge [sflag:s20], $0x4000  }
0xca: {  	[sflag:s20] =	ssyncset.done $0x0  }
0xcb: {  	[sflag:s20] =	ssyncadd.s32 $0xFFFFC000  }
0xcc: {  	[tilespmem:s12], [sflag:$0x1] =	stream.indirect.gather [hbm4b:s4+s16], $0x80, s1, s16, $0xb8;
	[tilespmem:$0x1D000] =	vst v63  }
0xcd: {  	_ = 	snop  }
0xce: {  	[spmem:s2] =	stream.indirect.scatter.add.f32 [tilespmem:s18], [sflag:$0x4], $0x80, s0, s16, $0xb8;
	[tilespmem:$0x1D000] =	vst v63  }
0xcf: {  	_ =	swait.ge [sflag:s17], $0x4000  }
0xd0: {  	[sflag:s17] =	ssyncset.done $0x0  }
0xd1: {  	[sflag:s17] =	ssyncadd.s32 $0xFFFFC000  }
0xd2: {  	_ =	swait.ge [sflag:s21], $0x4000  }
0xd3: {  	[sflag:s21] =	ssyncset.done $0x0  }
0xd4: {  	[sflag:s21] =	ssyncadd.s32 $0xFFFFC000  }
0xd5: {  	[tilespmem:s18], [sflag:$0x2] =	stream.indirect.gather [hbm4b:s4+s16], $0x80, s6, s16, $0xb8;
	[tilespmem:$0x1D000] =	vst v63  }
0xd6: {  	_ = 	snop  }
0xd7: {  	[spmem:s2] =	stream.indirect.scatter.add.f32 [tilespmem:s12], [sflag:$0x3], $0x80, s7, s16, $0xb8;
	[tilespmem:$0x1D000] =	vst v63  }
0xd8: {  	_ =	swait.ge [sflag:s19], $0x4000  }
0xd9: {  	[sflag:s19] =	ssyncset.done $0x0  }
0xda: {  	[sflag:s19] =	ssyncadd.s32 $0xFFFFC000  }
0xdb: {  	_ =	swait.ge [sflag:s20], $0x4000  }
0xdc: {  	[sflag:s20] =	ssyncset.done $0x0  }
0xdd: {  	[sflag:s20] =	ssyncadd.s32 $0xFFFFC000  }
0xde: {  	[spmem:s2] =	stream.indirect.scatter.add.f32 [tilespmem:s18], [sflag:$0x4], $0x80, s8, s16, $0xb8;
	[tilespmem:$0x1D000] =	vst v63  }
0xdf: {  	s10 =	simm.s32 $0x100;
	_ =	swait.ge [sflag:s21], $0x4000  }
0xe0: {  	s11 =	simm.s32 $0x200;
	s5 =	rddreg [dreg:$0x5];
	[sflag:s21] =	ssyncset.done $0x0  }
.LBB2_4:
0xe1: {  	[sflag:s21] =	ssyncadd.s32 $0xFFFFC000;
	s5 =	sadd.s32 s10, s5  }
0xe2: {  	[tilespmem:s14], [sflag:$0x5] =	stream.linear.gather [hbm4b:s5+s3], $0x800, $0x38;
	[tilespmem:$0x1D000] =	vst v63  }
0xe3: {  	_ =	swait.ge [sflag:s13], $0x800  }
0xe4: {  	s5 =	rddreg [dreg:$0x4];
	[sflag:s13] =	ssyncset.done $0x0  }
0xe5: {  	[sflag:s13] =	ssyncadd.s32 $0xFFFFF800;
	s5 =	sadd.s32 s10, s5  }
0xe6: {  	[tilespmem:s15], [sflag:$0x5] =	stream.linear.gather [hbm4b:s5+s3], $0x800, $0x38;
	[tilespmem:$0x1D000] =	vst v63  }
0xe7: {  	_ =	swait.ge [sflag:s13], $0x800  }
0xe8: {  	[sflag:s13] =	ssyncset.done $0x0  }
0xe9: {  	[sflag:s13] =	ssyncadd.s32 $0xFFFFF800  }
0xea: {  	[tilespmem:s12], [sflag:$0x1] =	stream.indirect.gather [hbm4b:s4+s16], $0x80, s14, s16, $0xb8;
	[tilespmem:$0x1D000] =	vst v63  }
0xeb: {  	_ =	swait.ge [sflag:s17], $0x4000  }
0xec: {  	s9 =	smov.u32 s11;
	[sflag:s17] =	ssyncset.done $0x0  }
0xed: {  	s10 =	smov.u32 s9;
	s9 =	rddreg [dreg:$0x6];
	[sflag:s17] =	ssyncadd.s32 $0xFFFFC000  }
0xee: {  	[tilespmem:s18], [sflag:$0x2] =	stream.indirect.gather [hbm4b:s4+s16], $0x80, s9, s16, $0xb8;
	[tilespmem:$0x1D000] =	vst v63  }
0xef: {  	_ = 	snop  }
0xf0: {  	[spmem:s2] =	stream.indirect.scatter.add.f32 [tilespmem:s12], [sflag:$0x3], $0x80, s15, s16, $0xb8;
	[tilespmem:$0x1D000] =	vst v63  }
0xf1: {  	_ =	swait.ge [sflag:s19], $0x4000  }
0xf2: {  	[sflag:s19] =	ssyncset.done $0x0  }
0xf3: {  	[sflag:s19] =	ssyncadd.s32 $0xFFFFC000  }
0xf4: {  	_ =	swait.ge [sflag:s20], $0x4000  }
0xf5: {  	[sflag:s20] =	ssyncset.done $0x0  }
0xf6: {  	s5 =	rddreg [dreg:$0x7];
	[sflag:s20] =	ssyncadd.s32 $0xFFFFC000  }
0xf7: {  	[tilespmem:s12], [sflag:$0x1] =	stream.indirect.gather [hbm4b:s4+s16], $0x80, s5, s16, $0xb8;
	[tilespmem:$0x1D000] =	vst v63  }
0xf8: {  	s9 =	rddreg [dreg:$0x8]  }
0xf9: {  	[spmem:s2] =	stream.indirect.scatter.add.f32 [tilespmem:s18], [sflag:$0x4], $0x80, s9, s16, $0xb8;
	[tilespmem:$0x1D000] =	vst v63  }
0xfa: {  	_ =	swait.ge [sflag:s17], $0x4000  }
0xfb: {  	[sflag:s17] =	ssyncset.done $0x0  }
0xfc: {  	[sflag:s17] =	ssyncadd.s32 $0xFFFFC000  }
0xfd: {  	_ =	swait.ge [sflag:s21], $0x4000  }
0xfe: {  	[sflag:s21] =	ssyncset.done $0x0  }
0xff: {  	s5 =	rddreg [dreg:$0x9];
	[sflag:s21] =	ssyncadd.s32 $0xFFFFC000  }
0x100: {  	[tilespmem:s18], [sflag:$0x2] =	stream.indirect.gather [hbm4b:s4+s16], $0x80, s5, s16, $0xb8;
	[tilespmem:$0x1D000] =	vst v63  }
0x101: {  	s9 =	rddreg [dreg:$0xa]  }
0x102: {  	[spmem:s2] =	stream.indirect.scatter.add.f32 [tilespmem:s12], [sflag:$0x3], $0x80, s9, s16, $0xb8;
	[tilespmem:$0x1D000] =	vst v63  }
0x103: {  	_ =	swait.ge [sflag:s19], $0x4000  }
0x104: {  	[sflag:s19] =	ssyncset.done $0x0  }
0x105: {  	[sflag:s19] =	ssyncadd.s32 $0xFFFFC000  }
0x106: {  	_ =	swait.ge [sflag:s20], $0x4000  }
0x107: {  	[sflag:s20] =	ssyncset.done $0x0  }
0x108: {  	s5 =	rddreg [dreg:$0xb];
	[sflag:s20] =	ssyncadd.s32 $0xFFFFC000  }
0x109: {  	[tilespmem:s12], [sflag:$0x1] =	stream.indirect.gather [hbm4b:s4+s16], $0x80, s5, s16, $0xb8;
	[tilespmem:$0x1D000] =	vst v63  }
0x10a: {  	s9 =	rddreg [dreg:$0xc]  }
0x10b: {  	[spmem:s2] =	stream.indirect.scatter.add.f32 [tilespmem:s18], [sflag:$0x4], $0x80, s9, s16, $0xb8;
	[tilespmem:$0x1D000] =	vst v63  }
0x10c: {  	_ =	swait.ge [sflag:s17], $0x4000  }
0x10d: {  	[sflag:s17] =	ssyncset.done $0x0  }
0x10e: {  	[sflag:s17] =	ssyncadd.s32 $0xFFFFC000  }
0x10f: {  	_ =	swait.ge [sflag:s21], $0x4000  }
0x110: {  	[sflag:s21] =	ssyncset.done $0x0  }
0x111: {  	s5 =	rddreg [dreg:$0xd];
	[sflag:s21] =	ssyncadd.s32 $0xFFFFC000  }
0x112: {  	[tilespmem:s18], [sflag:$0x2] =	stream.indirect.gather [hbm4b:s4+s16], $0x80, s5, s16, $0xb8;
	[tilespmem:$0x1D000] =	vst v63  }
0x113: {  	s9 =	rddreg [dreg:$0xe]  }
0x114: {  	[spmem:s2] =	stream.indirect.scatter.add.f32 [tilespmem:s12], [sflag:$0x3], $0x80, s9, s16, $0xb8;
	[tilespmem:$0x1D000] =	vst v63  }
0x115: {  	_ =	swait.ge [sflag:s19], $0x4000  }
0x116: {  	[sflag:s19] =	ssyncset.done $0x0  }
0x117: {  	[sflag:s19] =	ssyncadd.s32 $0xFFFFC000  }
0x118: {  	_ =	swait.ge [sflag:s20], $0x4000  }
0x119: {  	[sflag:s20] =	ssyncset.done $0x0  }
0x11a: {  	s5 =	rddreg [dreg:$0xf];
	[sflag:s20] =	ssyncadd.s32 $0xFFFFC000  }
0x11b: {  	[tilespmem:s12], [sflag:$0x1] =	stream.indirect.gather [hbm4b:s4+s16], $0x80, s5, s16, $0xb8;
	[tilespmem:$0x1D000] =	vst v63  }
0x11c: {  	s9 =	rddreg [dreg:$0x10]  }
0x11d: {  	[spmem:s2] =	stream.indirect.scatter.add.f32 [tilespmem:s18], [sflag:$0x4], $0x80, s9, s16, $0xb8;
	[tilespmem:$0x1D000] =	vst v63  }
0x11e: {  	_ =	swait.ge [sflag:s17], $0x4000  }
0x11f: {  	[sflag:s17] =	ssyncset.done $0x0  }
0x120: {  	[sflag:s17] =	ssyncadd.s32 $0xFFFFC000  }
0x121: {  	_ =	swait.ge [sflag:s21], $0x4000  }
0x122: {  	[sflag:s21] =	ssyncset.done $0x0  }
0x123: {  	s5 =	rddreg [dreg:$0x11];
	[sflag:s21] =	ssyncadd.s32 $0xFFFFC000  }
0x124: {  	[tilespmem:s18], [sflag:$0x2] =	stream.indirect.gather [hbm4b:s4+s16], $0x80, s5, s16, $0xb8;
	[tilespmem:$0x1D000] =	vst v63  }
0x125: {  	s9 =	rddreg [dreg:$0x12]  }
0x126: {  	[spmem:s2] =	stream.indirect.scatter.add.f32 [tilespmem:s12], [sflag:$0x3], $0x80, s9, s16, $0xb8;
	[tilespmem:$0x1D000] =	vst v63  }
0x127: {  	_ =	swait.ge [sflag:s19], $0x4000  }
0x128: {  	[sflag:s19] =	ssyncset.done $0x0  }
0x129: {  	[sflag:s19] =	ssyncadd.s32 $0xFFFFC000  }
0x12a: {  	_ =	swait.ge [sflag:s20], $0x4000  }
0x12b: {  	[sflag:s20] =	ssyncset.done $0x0  }
0x12c: {  	s5 =	rddreg [dreg:$0x13];
	[sflag:s20] =	ssyncadd.s32 $0xFFFFC000  }
0x12d: {  	[tilespmem:s12], [sflag:$0x1] =	stream.indirect.gather [hbm4b:s4+s16], $0x80, s5, s16, $0xb8;
	[tilespmem:$0x1D000] =	vst v63  }
0x12e: {  	s9 =	rddreg [dreg:$0x14]  }
0x12f: {  	[spmem:s2] =	stream.indirect.scatter.add.f32 [tilespmem:s18], [sflag:$0x4], $0x80, s9, s16, $0xb8;
	[tilespmem:$0x1D000] =	vst v63  }
0x130: {  	_ =	swait.ge [sflag:s17], $0x4000  }
0x131: {  	[sflag:s17] =	ssyncset.done $0x0  }
0x132: {  	[sflag:s17] =	ssyncadd.s32 $0xFFFFC000  }
0x133: {  	_ =	swait.ge [sflag:s21], $0x4000  }
0x134: {  	[sflag:s21] =	ssyncset.done $0x0  }
0x135: {  	s9 =	rddreg [dreg:$0x15];
	[sflag:s21] =	ssyncadd.s32 $0xFFFFC000  }
0x136: {  	[tilespmem:s18], [sflag:$0x2] =	stream.indirect.gather [hbm4b:s4+s16], $0x80, s9, s16, $0xb8;
	[tilespmem:$0x1D000] =	vst v63  }
0x137: {  	_ = 	snop  }
0x138: {  	[spmem:s2] =	stream.indirect.scatter.add.f32 [tilespmem:s12], [sflag:$0x3], $0x80, s22, s16, $0xb8;
	[tilespmem:$0x1D000] =	vst v63  }
0x139: {  	_ =	swait.ge [sflag:s19], $0x4000  }
0x13a: {  	[sflag:s19] =	ssyncset.done $0x0  }
0x13b: {  	[sflag:s19] =	ssyncadd.s32 $0xFFFFC000  }
0x13c: {  	_ =	swait.ge [sflag:s20], $0x4000  }
0x13d: {  	[sflag:s20] =	ssyncset.done $0x0  }
0x13e: {  	[sflag:s20] =	ssyncadd.s32 $0xFFFFC000  }
0x13f: {  	[tilespmem:s12], [sflag:$0x1] =	stream.indirect.gather [hbm4b:s4+s16], $0x80, s23, s16, $0xb8;
	[tilespmem:$0x1D000] =	vst v63  }
0x140: {  	_ = 	snop  }
0x141: {  	[spmem:s2] =	stream.indirect.scatter.add.f32 [tilespmem:s18], [sflag:$0x4], $0x80, s24, s16, $0xb8;
	[tilespmem:$0x1D000] =	vst v63  }
0x142: {  	_ =	swait.ge [sflag:s17], $0x4000  }
0x143: {  	[sflag:s17] =	ssyncset.done $0x0  }
0x144: {  	[sflag:s17] =	ssyncadd.s32 $0xFFFFC000  }
0x145: {  	_ =	swait.ge [sflag:s21], $0x4000  }
0x146: {  	[sflag:s21] =	ssyncset.done $0x0  }
0x147: {  	[sflag:s21] =	ssyncadd.s32 $0xFFFFC000  }
0x148: {  	[tilespmem:s18], [sflag:$0x2] =	stream.indirect.gather [hbm4b:s4+s16], $0x80, s25, s16, $0xb8;
	[tilespmem:$0x1D000] =	vst v63  }
0x149: {  	_ = 	snop  }
0x14a: {  	[spmem:s2] =	stream.indirect.scatter.add.f32 [tilespmem:s12], [sflag:$0x3], $0x80, s26, s16, $0xb8;
	[tilespmem:$0x1D000] =	vst v63  }
0x14b: {  	_ =	swait.ge [sflag:s19], $0x4000  }
0x14c: {  	[sflag:s19] =	ssyncset.done $0x0  }
0x14d: {  	[sflag:s19] =	ssyncadd.s32 $0xFFFFC000  }
0x14e: {  	_ =	swait.ge [sflag:s20], $0x4000  }
0x14f: {  	[sflag:s20] =	ssyncset.done $0x0  }
0x150: {  	[sflag:s20] =	ssyncadd.s32 $0xFFFFC000  }
0x151: {  	[tilespmem:s12], [sflag:$0x1] =	stream.indirect.gather [hbm4b:s4+s16], $0x80, s28, s16, $0xb8;
	[tilespmem:$0x1D000] =	vst v63  }
0x152: {  	_ = 	snop  }
0x153: {  	[spmem:s2] =	stream.indirect.scatter.add.f32 [tilespmem:s18], [sflag:$0x4], $0x80, s29, s16, $0xb8;
	[tilespmem:$0x1D000] =	vst v63  }
0x154: {  	_ =	swait.ge [sflag:s17], $0x4000  }
0x155: {  	[sflag:s17] =	ssyncset.done $0x0  }
0x156: {  	[sflag:s17] =	ssyncadd.s32 $0xFFFFC000  }
0x157: {  	_ =	swait.ge [sflag:s21], $0x4000  }
0x158: {  	[sflag:s21] =	ssyncset.done $0x0  }
0x159: {  	[sflag:s21] =	ssyncadd.s32 $0xFFFFC000  }
0x15a: {  	[tilespmem:s18], [sflag:$0x2] =	stream.indirect.gather [hbm4b:s4+s16], $0x80, s30, s16, $0xb8;
	[tilespmem:$0x1D000] =	vst v63  }
0x15b: {  	_ = 	snop  }
0x15c: {  	[spmem:s2] =	stream.indirect.scatter.add.f32 [tilespmem:s12], [sflag:$0x3], $0x80, s31, s16, $0xb8;
	[tilespmem:$0x1D000] =	vst v63  }
0x15d: {  	_ =	swait.ge [sflag:s19], $0x4000  }
0x15e: {  	[sflag:s19] =	ssyncset.done $0x0  }
0x15f: {  	[sflag:s19] =	ssyncadd.s32 $0xFFFFC000  }
0x160: {  	_ =	swait.ge [sflag:s20], $0x4000  }
0x161: {  	[sflag:s20] =	ssyncset.done $0x0  }
0x162: {  	[sflag:s20] =	ssyncadd.s32 $0xFFFFC000  }
0x163: {  	[tilespmem:s12], [sflag:$0x1] =	stream.indirect.gather [hbm4b:s4+s16], $0x80, s1, s16, $0xb8;
	[tilespmem:$0x1D000] =	vst v63  }
0x164: {  	_ = 	snop  }
0x165: {  	[spmem:s2] =	stream.indirect.scatter.add.f32 [tilespmem:s18], [sflag:$0x4], $0x80, s0, s16, $0xb8;
	[tilespmem:$0x1D000] =	vst v63  }
0x166: {  	_ =	swait.ge [sflag:s17], $0x4000  }
0x167: {  	[sflag:s17] =	ssyncset.done $0x0  }
0x168: {  	[sflag:s17] =	ssyncadd.s32 $0xFFFFC000  }
0x169: {  	_ =	swait.ge [sflag:s21], $0x4000  }
0x16a: {  	[sflag:s21] =	ssyncset.done $0x0  }
0x16b: {  	[sflag:s21] =	ssyncadd.s32 $0xFFFFC000  }
0x16c: {  	[tilespmem:s18], [sflag:$0x2] =	stream.indirect.gather [hbm4b:s4+s16], $0x80, s6, s16, $0xb8;
	[tilespmem:$0x1D000] =	vst v63  }
0x16d: {  	_ = 	snop  }
0x16e: {  	[spmem:s2] =	stream.indirect.scatter.add.f32 [tilespmem:s12], [sflag:$0x3], $0x80, s7, s16, $0xb8;
	[tilespmem:$0x1D000] =	vst v63  }
0x16f: {  	_ =	swait.ge [sflag:s19], $0x4000  }
0x170: {  	[sflag:s19] =	ssyncset.done $0x0  }
0x171: {  	[sflag:s19] =	ssyncadd.s32 $0xFFFFC000  }
0x172: {  	p0 =	sne.s32 s11, $0x400;
	_ =	swait.ge [sflag:s20], $0x4000  }
.Ltmp1:
0x173: {  	[sflag:s20] =	ssyncset.done $0x0;
	(pc) =	sbr.rel @p0 .LBB2_4-.Ltmp1, $4  }
0x174: {  	[sflag:s20] =	ssyncadd.s32 $0xFFFFC000  }
0x175: {  	[spmem:s2] =	stream.indirect.scatter.add.f32 [tilespmem:s18], [sflag:$0x4], $0x80, s8, s16, $0xb8;
	[tilespmem:$0x1D000] =	vst v63  }
0x176: {  	_ =	swait.ge [sflag:s21], $0x4000  }
0x177: {  	s11 =	sadd.s32 $0x100, s11;
	s5 =	rddreg [dreg:$0x5];
	[sflag:s21] =	ssyncset.done $0x0  }
0x178: {  	[sflag:s21] =	ssyncadd.s32 $0xFFFFC000;
	s5 =	sadd.s32 s10, s5  }
0x179: {  	[tilespmem:s14], [sflag:$0x5] =	stream.linear.gather [hbm4b:s5+s3], $0x800, $0x38;
	[tilespmem:$0x1D000] =	vst v63  }
0x17a: {  	_ =	swait.ge [sflag:s13], $0x800  }
0x17b: {  	s9 =	rddreg [dreg:$0x4];
	[sflag:s13] =	ssyncset.done $0x0  }
0x17c: {  	[sflag:s13] =	ssyncadd.s32 $0xFFFFF800;
	s5 =	sadd.s32 s10, s9  }
0x17d: {  	[tilespmem:s15], [sflag:$0x5] =	stream.linear.gather [hbm4b:s5+s3], $0x800, $0x38;
	[tilespmem:$0x1D000] =	vst v63  }
0x17e: {  	_ =	swait.ge [sflag:s13], $0x800  }
0x17f: {  	[sflag:s13] =	ssyncset.done $0x0  }
0x180: {  	[sflag:s13] =	ssyncadd.s32 $0xFFFFF800  }
0x181: {  	[tilespmem:s12], [sflag:$0x1] =	stream.indirect.gather [hbm4b:s4+s16], $0x80, s14, s16, $0xb8;
	[tilespmem:$0x1D000] =	vst v63  }
0x182: {  	_ =	swait.ge [sflag:s17], $0x4000  }
0x183: {  	[sflag:s17] =	ssyncset.done $0x0  }
0x184: {  	s10 =	rddreg [dreg:$0x6];
	[sflag:s17] =	ssyncadd.s32 $0xFFFFC000  }
0x185: {  	[tilespmem:s18], [sflag:$0x2] =	stream.indirect.gather [hbm4b:s4+s16], $0x80, s10, s16, $0xb8;
	[tilespmem:$0x1D000] =	vst v63  }
0x186: {  	_ = 	snop  }
0x187: {  	[spmem:s2] =	stream.indirect.scatter.add.f32 [tilespmem:s12], [sflag:$0x3], $0x80, s15, s16, $0xb8;
	[tilespmem:$0x1D000] =	vst v63  }
0x188: {  	_ =	swait.ge [sflag:s19], $0x4000  }
0x189: {  	[sflag:s19] =	ssyncset.done $0x0  }
0x18a: {  	[sflag:s19] =	ssyncadd.s32 $0xFFFFC000  }
0x18b: {  	_ =	swait.ge [sflag:s20], $0x4000  }
0x18c: {  	[sflag:s20] =	ssyncset.done $0x0  }
0x18d: {  	s11 =	rddreg [dreg:$0x7];
	[sflag:s20] =	ssyncadd.s32 $0xFFFFC000  }
0x18e: {  	[tilespmem:s12], [sflag:$0x1] =	stream.indirect.gather [hbm4b:s4+s16], $0x80, s11, s16, $0xb8;
	[tilespmem:$0x1D000] =	vst v63  }
0x18f: {  	s9 =	rddreg [dreg:$0x8]  }
0x190: {  	[spmem:s2] =	stream.indirect.scatter.add.f32 [tilespmem:s18], [sflag:$0x4], $0x80, s9, s16, $0xb8;
	[tilespmem:$0x1D000] =	vst v63  }
0x191: {  	_ =	swait.ge [sflag:s17], $0x4000  }
0x192: {  	[sflag:s17] =	ssyncset.done $0x0  }
0x193: {  	[sflag:s17] =	ssyncadd.s32 $0xFFFFC000  }
0x194: {  	_ =	swait.ge [sflag:s21], $0x4000  }
0x195: {  	[sflag:s21] =	ssyncset.done $0x0  }
0x196: {  	s10 =	rddreg [dreg:$0x9];
	[sflag:s21] =	ssyncadd.s32 $0xFFFFC000  }
0x197: {  	[tilespmem:s18], [sflag:$0x2] =	stream.indirect.gather [hbm4b:s4+s16], $0x80, s10, s16, $0xb8;
	[tilespmem:$0x1D000] =	vst v63  }
0x198: {  	s11 =	rddreg [dreg:$0xa]  }
0x199: {  	[spmem:s2] =	stream.indirect.scatter.add.f32 [tilespmem:s12], [sflag:$0x3], $0x80, s11, s16, $0xb8;
	[tilespmem:$0x1D000] =	vst v63  }
0x19a: {  	_ =	swait.ge [sflag:s19], $0x4000  }
0x19b: {  	[sflag:s19] =	ssyncset.done $0x0  }
0x19c: {  	[sflag:s19] =	ssyncadd.s32 $0xFFFFC000  }
0x19d: {  	_ =	swait.ge [sflag:s20], $0x4000  }
0x19e: {  	[sflag:s20] =	ssyncset.done $0x0  }
0x19f: {  	s10 =	rddreg [dreg:$0xb];
	[sflag:s20] =	ssyncadd.s32 $0xFFFFC000  }
0x1a0: {  	[tilespmem:s12], [sflag:$0x1] =	stream.indirect.gather [hbm4b:s4+s16], $0x80, s10, s16, $0xb8;
	[tilespmem:$0x1D000] =	vst v63  }
0x1a1: {  	s11 =	rddreg [dreg:$0xc]  }
0x1a2: {  	[spmem:s2] =	stream.indirect.scatter.add.f32 [tilespmem:s18], [sflag:$0x4], $0x80, s11, s16, $0xb8;
	[tilespmem:$0x1D000] =	vst v63  }
0x1a3: {  	_ =	swait.ge [sflag:s17], $0x4000  }
0x1a4: {  	[sflag:s17] =	ssyncset.done $0x0  }
0x1a5: {  	[sflag:s17] =	ssyncadd.s32 $0xFFFFC000  }
0x1a6: {  	_ =	swait.ge [sflag:s21], $0x4000  }
0x1a7: {  	[sflag:s21] =	ssyncset.done $0x0  }
0x1a8: {  	s10 =	rddreg [dreg:$0xd];
	[sflag:s21] =	ssyncadd.s32 $0xFFFFC000  }
0x1a9: {  	[tilespmem:s18], [sflag:$0x2] =	stream.indirect.gather [hbm4b:s4+s16], $0x80, s10, s16, $0xb8;
	[tilespmem:$0x1D000] =	vst v63  }
0x1aa: {  	s11 =	rddreg [dreg:$0xe]  }
0x1ab: {  	[spmem:s2] =	stream.indirect.scatter.add.f32 [tilespmem:s12], [sflag:$0x3], $0x80, s11, s16, $0xb8;
	[tilespmem:$0x1D000] =	vst v63  }
0x1ac: {  	_ =	swait.ge [sflag:s19], $0x4000  }
0x1ad: {  	[sflag:s19] =	ssyncset.done $0x0  }
0x1ae: {  	[sflag:s19] =	ssyncadd.s32 $0xFFFFC000  }
0x1af: {  	_ =	swait.ge [sflag:s20], $0x4000  }
0x1b0: {  	[sflag:s20] =	ssyncset.done $0x0  }
0x1b1: {  	s10 =	rddreg [dreg:$0xf];
	[sflag:s20] =	ssyncadd.s32 $0xFFFFC000  }
0x1b2: {  	[tilespmem:s12], [sflag:$0x1] =	stream.indirect.gather [hbm4b:s4+s16], $0x80, s10, s16, $0xb8;
	[tilespmem:$0x1D000] =	vst v63  }
0x1b3: {  	s11 =	rddreg [dreg:$0x10]  }
0x1b4: {  	[spmem:s2] =	stream.indirect.scatter.add.f32 [tilespmem:s18], [sflag:$0x4], $0x80, s11, s16, $0xb8;
	[tilespmem:$0x1D000] =	vst v63  }
0x1b5: {  	_ =	swait.ge [sflag:s17], $0x4000  }
0x1b6: {  	[sflag:s17] =	ssyncset.done $0x0  }
0x1b7: {  	[sflag:s17] =	ssyncadd.s32 $0xFFFFC000  }
0x1b8: {  	_ =	swait.ge [sflag:s21], $0x4000  }
0x1b9: {  	[sflag:s21] =	ssyncset.done $0x0  }
0x1ba: {  	s10 =	rddreg [dreg:$0x11];
	[sflag:s21] =	ssyncadd.s32 $0xFFFFC000  }
0x1bb: {  	[tilespmem:s18], [sflag:$0x2] =	stream.indirect.gather [hbm4b:s4+s16], $0x80, s10, s16, $0xb8;
	[tilespmem:$0x1D000] =	vst v63  }
0x1bc: {  	s11 =	rddreg [dreg:$0x12]  }
0x1bd: {  	[spmem:s2] =	stream.indirect.scatter.add.f32 [tilespmem:s12], [sflag:$0x3], $0x80, s11, s16, $0xb8;
	[tilespmem:$0x1D000] =	vst v63  }
0x1be: {  	_ =	swait.ge [sflag:s19], $0x4000  }
0x1bf: {  	[sflag:s19] =	ssyncset.done $0x0  }
0x1c0: {  	[sflag:s19] =	ssyncadd.s32 $0xFFFFC000  }
0x1c1: {  	_ =	swait.ge [sflag:s20], $0x4000  }
0x1c2: {  	[sflag:s20] =	ssyncset.done $0x0  }
0x1c3: {  	s9 =	rddreg [dreg:$0x13];
	[sflag:s20] =	ssyncadd.s32 $0xFFFFC000  }
0x1c4: {  	[tilespmem:s12], [sflag:$0x1] =	stream.indirect.gather [hbm4b:s4+s16], $0x80, s9, s16, $0xb8;
	[tilespmem:$0x1D000] =	vst v63  }
0x1c5: {  	s10 =	rddreg [dreg:$0x14]  }
0x1c6: {  	[spmem:s2] =	stream.indirect.scatter.add.f32 [tilespmem:s18], [sflag:$0x4], $0x80, s10, s16, $0xb8;
	[tilespmem:$0x1D000] =	vst v63  }
0x1c7: {  	_ =	swait.ge [sflag:s17], $0x4000  }
0x1c8: {  	[sflag:s17] =	ssyncset.done $0x0  }
0x1c9: {  	[sflag:s17] =	ssyncadd.s32 $0xFFFFC000  }
0x1ca: {  	_ =	swait.ge [sflag:s21], $0x4000  }
0x1cb: {  	[sflag:s21] =	ssyncset.done $0x0  }
0x1cc: {  	s11 =	rddreg [dreg:$0x15];
	[sflag:s21] =	ssyncadd.s32 $0xFFFFC000  }
0x1cd: {  	[tilespmem:s18], [sflag:$0x2] =	stream.indirect.gather [hbm4b:s4+s16], $0x80, s11, s16, $0xb8;
	[tilespmem:$0x1D000] =	vst v63  }
0x1ce: {  	_ = 	snop  }
0x1cf: {  	[spmem:s2] =	stream.indirect.scatter.add.f32 [tilespmem:s12], [sflag:$0x3], $0x80, s22, s16, $0xb8;
	[tilespmem:$0x1D000] =	vst v63  }
0x1d0: {  	_ =	swait.ge [sflag:s19], $0x4000  }
0x1d1: {  	[sflag:s19] =	ssyncset.done $0x0  }
0x1d2: {  	[sflag:s19] =	ssyncadd.s32 $0xFFFFC000  }
0x1d3: {  	_ =	swait.ge [sflag:s20], $0x4000  }
0x1d4: {  	[sflag:s20] =	ssyncset.done $0x0  }
0x1d5: {  	[sflag:s20] =	ssyncadd.s32 $0xFFFFC000  }
0x1d6: {  	[tilespmem:s12], [sflag:$0x1] =	stream.indirect.gather [hbm4b:s4+s16], $0x80, s23, s16, $0xb8;
	[tilespmem:$0x1D000] =	vst v63  }
0x1d7: {  	_ = 	snop  }
0x1d8: {  	[spmem:s2] =	stream.indirect.scatter.add.f32 [tilespmem:s18], [sflag:$0x4], $0x80, s24, s16, $0xb8;
	[tilespmem:$0x1D000] =	vst v63  }
0x1d9: {  	_ =	swait.ge [sflag:s17], $0x4000  }
0x1da: {  	[sflag:s17] =	ssyncset.done $0x0  }
0x1db: {  	[sflag:s17] =	ssyncadd.s32 $0xFFFFC000  }
0x1dc: {  	_ =	swait.ge [sflag:s21], $0x4000  }
0x1dd: {  	[sflag:s21] =	ssyncset.done $0x0  }
0x1de: {  	[sflag:s21] =	ssyncadd.s32 $0xFFFFC000  }
0x1df: {  	[tilespmem:s18], [sflag:$0x2] =	stream.indirect.gather [hbm4b:s4+s16], $0x80, s25, s16, $0xb8;
	[tilespmem:$0x1D000] =	vst v63  }
0x1e0: {  	_ = 	snop  }
0x1e1: {  	[spmem:s2] =	stream.indirect.scatter.add.f32 [tilespmem:s12], [sflag:$0x3], $0x80, s26, s16, $0xb8;
	[tilespmem:$0x1D000] =	vst v63  }
0x1e2: {  	_ =	swait.ge [sflag:s19], $0x4000  }
0x1e3: {  	[sflag:s19] =	ssyncset.done $0x0  }
0x1e4: {  	[sflag:s19] =	ssyncadd.s32 $0xFFFFC000  }
0x1e5: {  	_ =	swait.ge [sflag:s20], $0x4000  }
0x1e6: {  	[sflag:s20] =	ssyncset.done $0x0  }
0x1e7: {  	[sflag:s20] =	ssyncadd.s32 $0xFFFFC000  }
0x1e8: {  	[tilespmem:s12], [sflag:$0x1] =	stream.indirect.gather [hbm4b:s4+s16], $0x80, s28, s16, $0xb8;
	[tilespmem:$0x1D000] =	vst v63  }
0x1e9: {  	_ = 	snop  }
0x1ea: {  	[spmem:s2] =	stream.indirect.scatter.add.f32 [tilespmem:s18], [sflag:$0x4], $0x80, s29, s16, $0xb8;
	[tilespmem:$0x1D000] =	vst v63  }
0x1eb: {  	_ =	swait.ge [sflag:s17], $0x4000  }
0x1ec: {  	[sflag:s17] =	ssyncset.done $0x0  }
0x1ed: {  	[sflag:s17] =	ssyncadd.s32 $0xFFFFC000  }
0x1ee: {  	_ =	swait.ge [sflag:s21], $0x4000  }
0x1ef: {  	[sflag:s21] =	ssyncset.done $0x0  }
0x1f0: {  	[sflag:s21] =	ssyncadd.s32 $0xFFFFC000  }
0x1f1: {  	[tilespmem:s18], [sflag:$0x2] =	stream.indirect.gather [hbm4b:s4+s16], $0x80, s30, s16, $0xb8;
	[tilespmem:$0x1D000] =	vst v63  }
0x1f2: {  	_ = 	snop  }
0x1f3: {  	[spmem:s2] =	stream.indirect.scatter.add.f32 [tilespmem:s12], [sflag:$0x3], $0x80, s31, s16, $0xb8;
	[tilespmem:$0x1D000] =	vst v63  }
0x1f4: {  	_ =	swait.ge [sflag:s19], $0x4000  }
0x1f5: {  	[sflag:s19] =	ssyncset.done $0x0  }
0x1f6: {  	[sflag:s19] =	ssyncadd.s32 $0xFFFFC000  }
0x1f7: {  	_ =	swait.ge [sflag:s20], $0x4000  }
0x1f8: {  	[sflag:s20] =	ssyncset.done $0x0  }
0x1f9: {  	[sflag:s20] =	ssyncadd.s32 $0xFFFFC000  }
0x1fa: {  	[tilespmem:s12], [sflag:$0x1] =	stream.indirect.gather [hbm4b:s4+s16], $0x80, s1, s16, $0xb8;
	[tilespmem:$0x1D000] =	vst v63  }
0x1fb: {  	_ = 	snop  }
0x1fc: {  	[spmem:s2] =	stream.indirect.scatter.add.f32 [tilespmem:s18], [sflag:$0x4], $0x80, s0, s16, $0xb8;
	[tilespmem:$0x1D000] =	vst v63  }
0x1fd: {  	_ =	swait.ge [sflag:s17], $0x4000  }
0x1fe: {  	[sflag:s17] =	ssyncset.done $0x0  }
0x1ff: {  	[sflag:s17] =	ssyncadd.s32 $0xFFFFC000  }
0x200: {  	_ =	swait.ge [sflag:s21], $0x4000  }
0x201: {  	[sflag:s21] =	ssyncset.done $0x0  }
0x202: {  	[sflag:s21] =	ssyncadd.s32 $0xFFFFC000  }
0x203: {  	[tilespmem:s18], [sflag:$0x2] =	stream.indirect.gather [hbm4b:s4+s16], $0x80, s6, s16, $0xb8;
	[tilespmem:$0x1D000] =	vst v63  }
0x204: {  	_ = 	snop  }
0x205: {  	[spmem:s2] =	stream.indirect.scatter.add.f32 [tilespmem:s12], [sflag:$0x3], $0x80, s7, s16, $0xb8;
	[tilespmem:$0x1D000] =	vst v63  }
0x206: {  	_ =	swait.ge [sflag:s19], $0x4000  }
0x207: {  	[sflag:s19] =	ssyncset.done $0x0  }
0x208: {  	[sflag:s19] =	ssyncadd.s32 $0xFFFFC000  }
0x209: {  	_ =	swait.ge [sflag:s20], $0x4000  }
0x20a: {  	[sflag:s20] =	ssyncset.done $0x0  }
0x20b: {  	[sflag:s20] =	ssyncadd.s32 $0xFFFFC000  }
0x20c: {  	[spmem:s2] =	stream.indirect.scatter.add.f32 [tilespmem:s18], [sflag:$0x4], $0x80, s8, s16, $0xb8;
	[tilespmem:$0x1D000] =	vst v63  }
0x20d: {  	_ =	swait.ge [sflag:s21], $0x4000  }
0x20e: {  	[sflag:s21] =	ssyncset.done $0x0  }
0x20f: {  	[sflag:s21] =	ssyncadd.s32 $0xFFFFC000  }
0x210: {  	s9 =	stileid.u32;
	[bflag:$0x0] =	sbarrier.arrive $0xFFFF  }
0x211: {  	s5 =	sshll.u32 s9, $0x6;
	s10 =	rddreg [dreg:$0x16]  }
0x212: {  	s5 =	sor.u32 $0x1C05, s5;
	s11 =	rddreg [dreg:$0x1b];
	s9 =	sshrl.u32 s10, $0x3  }
0x213: {  	[hbm:s11], [sflag:s5] =	dma.local [spmem:s9], $0x2800  }
0x214: {  	_ =	swait.ge [sflag:s13], $0x2800  }
0x215: {  	s10 =	rddreg [dreg:$0x1d]  }
0x216: {  	s11 =	rddreg [dreg:$0x1c];
	s9 =	sadd.s32 $0x1, s10  }
0x217: {  	p0 =	sne.s32 s9, s11  }
.Ltmp2:
0x218: {  	_ = 	snop;
	(pc) =	sbr.rel @p0 .LBB2_1-.Ltmp2, $3  }
0x219: {  	_ =	sdelay $0x1  }
0x21a: {  	[sflag:s13] =	ssyncset.done $0x0  }
0x21b: {  	[sflag:s13] =	ssyncadd.s32 $0xFFFFD800  }
0x21c: {  	_ =	sfence.sel $0x180000  }
0x21d: {  	[bflag:$0x0] =	sbarrier.arrive $0xFFFF  }
0x21e: {  	_ =	strace $0x9000004A  }
0x21f: {  	s0 =	stileid.u32;
	[bflag:$0x2] =	sbarrier.arrive $0xFFFF  }
0x220: {  	p0 =	sne.s32 s0, $0x0;
	s0 =	rddreg [dreg:$0x3]  }
0x221: {  	s0 =	sadd.s32 @!p0 $0x100000, s0  }
0x222: {  	[sflag:s0] =	ssyncadd.tile.s32 @!p0 $0x1;
	_ =	shalt  }
.Lfunc_end2:
_tile_overlayer_lowered:
.L_overlay_start_2:
0x223: {  	(tag) =	ssettag $0x2  }
0x224: {  	s0 =	rddreg [dreg:$0x0];
	s2 =	stileid.u32  }
0x225: {  	s1 =	rddreg [dreg:$0x1];
	p0 =	sne.s32 s2, $0x0  }
0x226: {  	s3 =	rddreg [dreg:$0x2];
	[bflag:$0x3] =	sbarrier.arrive $0xFFFF;
	s2 =	simm.s32 @!p0 $0x1C05  }
0x227: {  	[timem:s3], [sflag:s2] =	dma.local @!p0 [hbm:s0], s1  }
0x228: {  	s0 =	simm.s32 @!p0 $0x5  }
0x229: {  	_ =	swait.ge @!p0 [sflag:s0], s1  }
0x22a: {  	s1 =	ssub.s32 @!p0 $0x0, s1;
	[sflag:s0] =	ssyncset.done @!p0 $0x0  }
0x22b: {  	[sflag:s0] =	ssyncadd.s32 @!p0 s1  }
0x22c: {  	[bflag:$0x3] =	sbarrier.arrive $0xFFFF  }
0x22d: {  	_ =	shalt  }

// kernel: kernel.18.cloned.1.call-start
scs
__scs_entry_jumppad:
0x0: {  	(pc) =	sbr.rel $0x88, $3  }
0x1: {  	(tag) =	ssettag $0x0;
	lr =	simm.s32 $0x1  }
0x2: {  	[smem:$0x3F83] =	sst lr;
	_ =	strace $0xD0000000  }
0x3: {  	_ = 	snop  }
0x4: {  	_ = 	snop  }
0x5: {  	_ = 	snop  }
0x6: {  	_ = 	snop  }
0x7: {  	_ = 	snop  }
__scs_overlays_trampoline_lowered:
0x8: {  	[smem:$0x3F92] =	sst s0  }
0x9: {  	[smem:$0x3F93] =	sst s1  }
0xa: {  	[smem:$0x3F94] =	sst s2  }
0xb: {  	[smem:$0x3F95] =	sst s3  }
0xc: {  	[smem:$0x3F96] =	sst s4  }
0xd: {  	[smem:$0x3F97] =	sst s5  }
0xe: {  	[smem:$0x3F98] =	sst s6  }
0xf: {  	[smem:$0x3F99] =	sst s7  }
0x10: {  	[smem:$0x3F9A] =	sst s8  }
0x11: {  	[smem:$0x3F9B] =	sst s9;
	s0 =	simm.s32 @!p0 $0x0  }
0x12: {  	s1 =	sld [smem:$0x3F81];
	s0 =	simm.s32 @p0 $0x1  }
0x13: {  	[smem:$0x3F9C] =	sst s0;
	s0 =	simm.s32 @!p1 $0x0  }
0x14: {  	s2 =	sld [smem:$0x3F80];
	s0 =	simm.s32 @p1 $0x1  }
0x15: {  	[smem:$0x3F9D] =	sst s0;
	s0 =	simm.s32 @!p2 $0x0  }
0x16: {  	s3 =	sld [smem:$0x3FDB];
	s0 =	simm.s32 @p2 $0x1  }
0x17: {  	s4 =	simm.s32 $0x1BF5;
	[smem:$0x3F9F] =	sst s0  }
0x18: {  	s0 =	sld [smem:$0x3F82];
	_ =	swait.ge [sflag:s4], $0x0  }
0x19: {  	s7 =	sld [smem:$0x3F83]  }
0x1a: {  	s8 =	sadd.s32 $0xFFFFE003, lr  }
0x1b: {  	s9 =	sadd.s32 $0xFFFFFEF7, lr;
	s5 =	simm.s32 $0xFFFFFFFF;
	p2 =	slt.u32 s8, $0xFFFFF086  }
0x1c: {  	p1 =	slt.u32 s9, $0xF7A;
	s5 =	simm.s32 @!p2 $0x0  }
0x1d: {  	s5 =	simm.s32 @p1 $0x1;
	p0 =	seq.s32 s7, s2  }
0x1e: {  	s7 =	smul.u32 @!p0 $0xF7A, s2;
	p2 =	seq.s32 @!p0 s5, $0x0  }
0x1f: {  	s9 =	smul.u32 $0xF7A, s1;
	s8 =	simm.s32 @!p0 $0x1BF5;
	p2 =	por !p2, p0  }
0x20: {  	[sflag:s8] =	ssyncset.s32 @!p0 $0xFFFFF086;
	s6 =	sadd.s32 @!p0 s3, s7;
	s7 =	simm.s32 @!p0 $0x108  }
0x21: {  	s3 =	sadd.s32 s3, s9;
	s6 =	sadd.s32 @!p0 $0x88, s6;
	s7 =	simm.s32 @p2 $0x1082  }
0x22: {  	[simem:s7], [sflag:s8] =	dma.local @!p0 [hbm:s6], $0xF7A  }
0x23: {  	s9 =	sor.u32 $0xD0000000, s2;
	s6 =	simm.s32 $0x108;
	_ =	swait.ge @!p0 [sflag:s8], $0x0  }
0x24: {  	s3 =	sadd.s32 $0x88, s3;
	s6 =	simm.s32 @!p1 $0x1082;
	[sflag:s4] =	ssyncset.s32 $0xFFFFF086  }
0x25: {  	[simem:s6], [sflag:s4] =	dma.local [hbm:s3], $0xF7A  }
0x26: {  	[smem:$0x3F83] =	sst s1;
	(tag) =	ssettag s2;
	_ =	strace s9  }
0x27: {  	s1 =	sld [smem:$0x3F93]  }
0x28: {  	s2 =	sld [smem:$0x3F94]  }
0x29: {  	s4 =	sld [smem:$0x3F96]  }
0x2a: {  	p0 =	seq.s32 s5, $0x0;
	s5 =	sld [smem:$0x3F97]  }
0x2b: {  	s6 =	sld [smem:$0x3F98]  }
0x2c: {  	s7 =	sld [smem:$0x3F99]  }
0x2d: {  	s3 =	simm.s32 $0x108;
	s8 =	sld [smem:$0x3F9A]  }
0x2e: {  	s3 =	simm.s32 @!p0 $0x1082;
	s9 =	sld [smem:$0x3F9B]  }
0x2f: {  	lr =	sadd.s32 s0, s3;
	s0 =	sld [smem:$0x3F92]  }
0x30: {  	s3 =	sld [smem:$0x3F95]  }
0x31: {  	[smem:$0x3F9E] =	sst s10  }
0x32: {  	s10 =	sld [smem:$0x3F9C];
	_ =	sdelay $0x3  }
0x33: {  	p0 =	seq.s32 s10, $0x1;
	s10 =	sld [smem:$0x3F9E];
	_ =	sdelay $0x3  }
0x34: {  	[smem:$0x3F9E] =	sst s10  }
0x35: {  	s10 =	sld [smem:$0x3F9D];
	_ =	sdelay $0x3  }
0x36: {  	p1 =	seq.s32 s10, $0x1;
	s10 =	sld [smem:$0x3F9E];
	_ =	sdelay $0x3  }
0x37: {  	[smem:$0x3F9E] =	sst s10  }
0x38: {  	s10 =	sld [smem:$0x3F9F]  }
0x39: {  	_ = 	snop;
	(pc) =	sbr.ind lr, $3  }
0x3a: {  	_ = 	snop  }
0x3b: {  	_ = 	snop  }
0x3c: {  	p2 =	seq.s32 s10, $0x1;
	s10 =	sld [smem:$0x3F9E]  }
0x3d: {  	_ =	shalt  }
0x3e: {  	_ =	shalt  }
0x3f: {  	_ =	shalt  }
0x40: {  	_ =	shalt  }
0x41: {  	_ =	shalt  }
0x42: {  	_ =	shalt  }
0x43: {  	_ =	shalt  }
0x44: {  	_ =	shalt  }
0x45: {  	_ =	shalt  }
0x46: {  	_ =	shalt  }
0x47: {  	_ =	shalt  }
0x48: {  	_ =	shalt  }
0x49: {  	_ =	shalt  }
0x4a: {  	_ =	shalt  }
0x4b: {  	_ =	shalt  }
0x4c: {  	_ =	shalt  }
0x4d: {  	_ =	shalt  }
0x4e: {  	_ =	shalt  }
0x4f: {  	_ =	shalt  }
0x50: {  	_ =	shalt  }
0x51: {  	_ =	shalt  }
0x52: {  	_ =	shalt  }
0x53: {  	_ =	shalt  }
0x54: {  	_ =	shalt  }
0x55: {  	_ =	shalt  }
0x56: {  	_ =	shalt  }
0x57: {  	_ =	shalt  }
0x58: {  	_ =	shalt  }
0x59: {  	_ =	shalt  }
0x5a: {  	_ =	shalt  }
0x5b: {  	_ =	shalt  }
0x5c: {  	_ =	shalt  }
0x5d: {  	_ =	shalt  }
0x5e: {  	_ =	shalt  }
0x5f: {  	_ =	shalt  }
0x60: {  	_ =	shalt  }
0x61: {  	_ =	shalt  }
0x62: {  	_ =	shalt  }
0x63: {  	_ =	shalt  }
0x64: {  	_ =	shalt  }
0x65: {  	_ =	shalt  }
0x66: {  	_ =	shalt  }
0x67: {  	_ =	shalt  }
0x68: {  	_ =	shalt  }
0x69: {  	_ =	shalt  }
0x6a: {  	_ =	shalt  }
0x6b: {  	_ =	shalt  }
0x6c: {  	_ =	shalt  }
0x6d: {  	_ =	shalt  }
0x6e: {  	_ =	shalt  }
0x6f: {  	_ =	shalt  }
0x70: {  	_ =	shalt  }
0x71: {  	_ =	shalt  }
0x72: {  	_ =	shalt  }
0x73: {  	_ =	shalt  }
0x74: {  	_ =	shalt  }
0x75: {  	_ =	shalt  }
0x76: {  	_ =	shalt  }
0x77: {  	_ =	shalt  }
0x78: {  	_ =	shalt  }
0x79: {  	_ =	shalt  }
0x7a: {  	_ =	shalt  }
0x7b: {  	_ =	shalt  }
0x7c: {  	_ =	shalt  }
0x7d: {  	_ =	shalt  }
0x7e: {  	_ =	shalt  }
0x7f: {  	_ =	shalt  }
0x80: {  	_ =	shalt  }
0x81: {  	_ =	shalt  }
0x82: {  	_ =	shalt  }
0x83: {  	_ =	shalt  }
0x84: {  	_ =	shalt  }
0x85: {  	_ =	shalt  }
0x86: {  	_ =	shalt  }
0x87: {  	_ =	shalt  }
.Lfunc_end0:
.L_simem_size_0:
called_computation.2_lowered:
.L_overlay_start_0:
0x88: {  	s2 =	sld [smem:$0x3FD9]  }
0x89: {  	s3 =	sld [smem:$0x3FFE];
	_ =	sdelay $0x1  }
0x8a: {  	s1 =	srdreg.scid  }
0x8b: {  	s0 =	sand.u32 $0x1, s1  }
0x8c: {  	s14 =	sshll.u32 s0, $0xA;
	s2 =	sadd.s32 s3, s2  }
0x8d: {  	s2 =	sadd.s32 s2, s14  }
0x8e: {  	[smem:$0x3FAA] =	sst s2  }
0x8f: {  	_ = 	snop  }
0x90: {  	s2 =	sld [smem:$0x3FD0];
	_ =	sdelay $0x2  }
0x91: {  	s15 =	simm.s32 $0xA;
	s4 =	simm.s32 $0x10  }
0x92: {  	[smem:s4], [sflag:s15] =	dma.local [hbm:s2], $0x1  }
0x93: {  	_ =	swait.eq [sflag:s15], $0x1  }
0x94: {  	[sflag:s15] =	ssyncset.done $0x0  }
0x95: {  	[sflag:s15] =	ssyncadd.s32 $0xFFFFFFFF  }
0x96: {  	s16 =	sld [smem:$0x11];
	(tm) =	ssettm $0x1  }
0x97: {  	s17 =	sld [smem:$0x3FFB];
	_ =	sdelay $0x3  }
0x98: {  	_ =	strace s17  }
0x99: {  	s3 =	sld [smem:$0x3FFC];
	_ =	sdelay $0x3  }
0x9a: {  	_ =	strace s3  }
0x9b: {  	s3 =	sld [smem:$0x3FFD];
	_ =	sdelay $0x3  }
0x9c: {  	_ =	strace s3  }
0x9d: {  	_ =	strace $0x8FFFFFFF  }
0x9e: {  	s18 =	sld [smem:$0x3FDB];
	_ =	sdelay $0x1  }
0x9f: {  	s19 =	simm.s32 $_scs_section_size  }
0xa0: {  	s5 =	simm.s32 $_size__tile_overlayer_lowered;
	s6 =	simm.s32 $_tile_overlayer_lowered  }
0xa1: {  	s22 =	simm.s32 $0x1BFF;
	s21 =	sshll.u32 s6, $0x1;
	s3 =	sadd.s32 s19, s18  }
0xa2: {  	s7 =	simm.s32 $0x0;
	s20 =	sshll.u32 s5, $0x1;
	s5 =	sadd.s32 s21, s3  }
0xa3: {  	[timem:s7], [sflag:s22] =	dma.local [hbm:s5], s20  }
0xa4: {  	_ =	swait.ge [sflag:s22], s20  }
0xa5: {  	s4 =	ssub.s32 $0x0, s20;
	[sflag:s22] =	ssyncset.done $0x0  }
0xa6: {  	[sflag:s22] =	ssyncadd.s32 s4;
	_ =	sdelay $0x1  }
0xa7: {  	s23 =	simm.s32 $0x1B8B  }
0xa8: {  	_ =	swait.ge [sflag:s23], $0x1  }
0xa9: {  	[sflag:s23] =	ssyncset.done $0x0  }
0xaa: {  	s25 =	simm.s32 $0x1B8E;
	s24 =	sld [smem:$0x3FFE];
	[sflag:s23] =	ssyncadd.s32 $0xFFFFFFFF  }
0xab: {  	s26 =	simm.s32 $execute0_lowered;
	[smem:$0x3FD2] =	sst s25  }
0xac: {  	s5 =	sshll.u32 s26, $0x1;
	_ =	strace $0x8000004C;
	[dreg:$0x1] =	wrdreg $0xFFFFFFFF  }
0xad: {  	s28 =	simm.s32 $_size_execute0_lowered;
	s3 =	sadd.s32 s3, s5;
	[dreg:$0x0] =	wrdreg $0x0  }
0xae: {  	s5 =	sshll.u32 s28, $0x1;
	[dreg:$0x2] =	wrdreg s3  }
0xaf: {  	[dreg:$0x3] =	wrdreg s5  }
0xb0: {  	[dreg:$0x4] =	wrdreg $0xC0  }
0xb1: {  	_ =	task [dreg:s7], $0x5FFFF  }
0xb2: {  	[dreg:$0x1] =	wrdreg $0xFFFFFFFF  }
0xb3: {  	[dreg:$0x0] =	wrdreg $0x60  }
0xb4: {  	[dreg:$0x2] =	wrdreg s24  }
0xb5: {  	[dreg:$0x3] =	wrdreg s16  }
0xb6: {  	[dreg:$0x4] =	wrdreg $0x0  }
0xb7: {  	[dreg:$0x5] =	wrdreg $0x9  }
0xb8: {  	_ =	task.clear_ibuf [dreg:s7], $0x6FFFF;
	_ =	strace $0x9000004C  }
0xb9: {  	s29 =	simm.s32 $0x9;
	_ =	strace $0x8000004E  }
0xba: {  	_ =	swait.ge [sflag:s29], $0x1  }
0xbb: {  	[sflag:s29] =	ssyncadd.s32 $0xFFFFFFFF  }
0xbc: {  	_ =	strace $0x9000004E  }
0xbd: {  	_ =	sfence  }
0xbe: {  	s30 =	sld [smem:$0x0];
	_ =	sdelay $0x2  }
0xbf: {  	s31 =	sshll.u32 s1, $0xD;
	s1 =	sshrl.u32 s1, $0x2  }
0xc0: {  	s3 =	sand.u32 $0x4000, s31;
	s1 =	sadd.s32 s1, s30  }
0xc1: {  	s0 =	sor.u32 s3, s0;
	s1 =	sshll.u32 s1, $0x11  }
0xc2: {  	s0 =	sor.u32 s1, s0  }
0xc3: {  	s0 =	sadd.s32 $0x8F2B, s0  }
0xc4: {  	[sflag:s0] =	ssyncadd.remote.s32 $0x1  }
0xc5: {  	_ =	sfence.sel $0xFFFF  }
0xc6: {  	[dreg:$0x0] =	wrdreg $0xFFFFFFFF;
	(pc) =	sbr.abs _section_cstart, $3  }
0xc7: {  	[dreg:$0x1] =	wrdreg $0xFFFFFFFF  }
0xc8: {  	_ =	task.clear_ibuf [dreg:s7], $0x2FFFF;
	_ =	strace $0x9FFFFFFF  }
0xc9: {  	(tm) =	ssettm $0x7FFFFFFF  }
tec
execute0_lowered:
.L_overlay_start_1:
0x0: {  	(tag) =	ssettag $0x1  }
0x1: {  	s0 =	srdreg.scid;
	s1 =	rddreg [dreg:$0x0]  }
0x2: {  	s9 =	stileid.u32;
	s5 =	rddreg [dreg:$0x1]  }
0x3: {  	s2 =	rddreg [dreg:$0x2];
	s3 =	simm.s32 $0x0;
	s11 =	simm.s32 $0x14880  }
0x4: {  	s13 =	simm.s32 $0x14180;
	s15 =	simm.s32 $0x14900;
	s16 =	simm.s32 $0x14200  }
0x5: {  	s17 =	simm.s32 $0x14980;
	s18 =	simm.s32 $0x14280;
	[smem:$0x7FF] =	sst s3  }
0x6: {  	s19 =	simm.s32 $0x14A00;
	_ =	strace $0x8000004D;
	[dreg:$0x8] =	wrdreg s11  }
0x7: {  	s20 =	simm.s32 $0x14300;
	s21 =	simm.s32 $0x14A80;
	[dreg:$0x9] =	wrdreg s13  }
0x8: {  	s22 =	simm.s32 $0x14380;
	s23 =	simm.s32 $0x14B00;
	[dreg:$0xa] =	wrdreg s15  }
0x9: {  	s24 =	simm.s32 $0x14400;
	s28 =	simm.s32 $0x14600;
	[dreg:$0xb] =	wrdreg s16  }
0xa: {  	s29 =	simm.s32 $0x14D80;
	s6 =	smul.u32 $0x2800, s9;
	[dreg:$0xc] =	wrdreg s17  }
0xb: {  	s30 =	simm.s32 $0x14680;
	s8 =	smul.u32 $0x14000, s9;
	[dreg:$0xd] =	wrdreg s18  }
0xc: {  	s0 =	sand.u32 $0x1, s0;
	s9 =	smul.u32 $0x50000, s9;
	[dreg:$0xe] =	wrdreg s19  }
0xd: {  	s31 =	simm.s32 $0x14E00;
	s4 =	smul.u32 $0x28000, s0;
	[dreg:$0xf] =	wrdreg s20  }
0xe: {  	s7 =	smul.u32 $0x140000, s0;
	s0 =	ssub.s32 $0x2, s0;
	[dreg:$0x10] =	wrdreg s21  }
0xf: {  	s13 =	simm.s32 $0x5;
	s15 =	simm.s32 $0x14800;
	[dreg:$0x11] =	wrdreg s22  }
0x10: {  	s16 =	simm.s32 $0x80;
	s17 =	simm.s32 $0x1;
	[dreg:$0x12] =	wrdreg s23  }
0x11: {  	s18 =	simm.s32 $0x19000;
	[dreg:$0x13] =	wrdreg s24;
	s19 =	simm.s32 $0x2  }
0x12: {  	s20 =	simm.s32 $0x3;
	s26 =	sshrl.u32 s0, $0x1;
	s6 =	sadd.s32 s6, s4  }
0x13: {  	s7 =	sadd.s32 s8, s7;
	s4 =	sadd.s32 $0xD1600, s1;
	s0 =	ssub.s32 s0, s26  }
0x14: {  	s26 =	simm.s32 $0x14480;
	s6 =	sshrl.u32 s6, $0x3;
	s7 =	sshrl.u32 s7, $0x3  }
0x15: {  	s0 =	smax.u32 s0, $0x1;
	[dreg:$0x15] =	wrdreg s26;
	s25 =	sadd.s32 s6, s1  }
0x16: {  	s1 =	sadd.s32 s7, s1;
	s5 =	sadd.s32 s6, s5;
	[dreg:$0x1c] =	wrdreg s0  }
0x17: {  	s7 =	sshrl.u32 s9, $0x2;
	s9 =	simm.s32 $0x14100;
	[dreg:$0x5] =	wrdreg s5  }
0x18: {  	s21 =	simm.s32 $0x4;
	s8 =	sadd.s32 $0x4000, s25;
	[dreg:$0x7] =	wrdreg s9  }
0x19: {  	s22 =	simm.s32 $0x14C00;
	s6 =	sadd.s32 s7, s2;
	[dreg:$0x4] =	wrdreg s8  }
0x1a: {  	s23 =	simm.s32 $0x14500;
	s1 =	sadd.s32 $0xE000, s1;
	[dreg:$0x16] =	wrdreg s6  }
0x1b: {  	s24 =	simm.s32 $0x14C80;
	s25 =	simm.s32 $0x14B80;
	[dreg:$0x1b] =	wrdreg s1  }
0x1c: {  	s26 =	simm.s32 $0x14D00;
	s8 =	simm.s32 $0x14080;
	[dreg:$0x14] =	wrdreg s25  }
0x1d: {  	s0 =	simm.s32 $0x14E80;
	s10 =	sadd.s32 $0x4000, s6;
	[dreg:$0x6] =	wrdreg s8  }
0x1e: {  	s7 =	simm.s32 $0x14F00;
	s12 =	sadd.s32 $0x8000, s6;
	[dreg:$0x17] =	wrdreg s10  }
0x1f: {  	s9 =	simm.s32 $0x0;
	s14 =	sadd.s32 $0xC000, s6;
	[dreg:$0x18] =	wrdreg s12  }
0x20: {  	s6 =	sadd.s32 $0x10000, s6;
	s25 =	simm.s32 $0x14580;
	[dreg:$0x19] =	wrdreg s14  }
0x21: {  	s1 =	simm.s32 $0x14700;
	[dreg:$0x1a] =	wrdreg s6;
	s12 =	simm.s32 $0x15000  }
0x22: {  	v0 =	vimm.f32 $0.0e+00;
	s14 =	simm.s32 $0x14000;
	s6 =	simm.s32 $0x14780;
	s8 =	simm.s32 $0x14F80  }
.LBB2_1:
0x23: {  	s10 =	simm.s32 $0x0;
	s11 =	simm.s32 $0x200  }
.LBB2_2:
0x24: {  	p0 =	sne.s32 s11, $0xFE00;
	[tilespmem:s10+$0x15070] =	vst v0  }
0x25: {  	[tilespmem:s10+$0x15000] =	vst v0  }
0x26: {  	[tilespmem:s10+$0x15010] =	vst v0  }
.Ltmp0:
0x27: {  	[tilespmem:s10+$0x15020] =	vst v0;
	(pc) =	sbr.rel @p0 .LBB2_2-.Ltmp0, $4  }
0x28: {  	[tilespmem:s10+$0x15030] =	vst v0  }
0x29: {  	[tilespmem:s10+$0x15040] =	vst v0  }
0x2a: {  	[tilespmem:s10+$0x15050] =	vst v0  }
0x2b: {  	[tilespmem:s10+$0x15060] =	vst v0;
	s10 =	sshra.s32 s11, $0x2;
	s11 =	sadd.s32 $0x200, s11  }
0x2c: {  	[tilespmem:s10+$0x15070] =	vst v0  }
0x2d: {  	[tilespmem:s10+$0x15000] =	vst v0  }
0x2e: {  	[tilespmem:s10+$0x15010] =	vst v0  }
0x2f: {  	[tilespmem:s10+$0x15020] =	vst v0  }
0x30: {  	[tilespmem:s10+$0x15030] =	vst v0  }
0x31: {  	[tilespmem:s10+$0x15040] =	vst v0  }
0x32: {  	[dreg:$0x1d] =	wrdreg s9;
	[tilespmem:s10+$0x15050] =	vst v0  }
0x33: {  	[tilespmem:s10+$0x15060] =	vst v0;
	s5 =	rddreg [dreg:$0x16]  }
0x34: {  	[spmem:s5] =	stream.linear.scatter [tilespmem:s12], [sflag:$0x5], $0x4000, $0x38;
	[tilespmem:$0x1D000] =	vst v63  }
0x35: {  	_ =	swait.ge [sflag:s13], $0x4000  }
0x36: {  	[sflag:s13] =	ssyncset.done $0x0  }
0x37: {  	s10 =	rddreg [dreg:$0x17];
	[sflag:s13] =	ssyncadd.s32 $0xFFFFC000  }
0x38: {  	[spmem:s10] =	stream.linear.scatter [tilespmem:s12], [sflag:$0x5], $0x4000, $0x38;
	[tilespmem:$0x1D000] =	vst v63  }
0x39: {  	_ =	swait.ge [sflag:s13], $0x4000  }
0x3a: {  	[sflag:s13] =	ssyncset.done $0x0  }
0x3b: {  	s11 =	rddreg [dreg:$0x18];
	[sflag:s13] =	ssyncadd.s32 $0xFFFFC000  }
0x3c: {  	[spmem:s11] =	stream.linear.scatter [tilespmem:s12], [sflag:$0x5], $0x4000, $0x38;
	[tilespmem:$0x1D000] =	vst v63  }
0x3d: {  	_ =	swait.ge [sflag:s13], $0x4000  }
0x3e: {  	[sflag:s13] =	ssyncset.done $0x0  }
0x3f: {  	s9 =	rddreg [dreg:$0x19];
	[sflag:s13] =	ssyncadd.s32 $0xFFFFC000  }
0x40: {  	[spmem:s9] =	stream.linear.scatter [tilespmem:s12], [sflag:$0x5], $0x4000, $0x38;
	[tilespmem:$0x1D000] =	vst v63  }
0x41: {  	_ =	swait.ge [sflag:s13], $0x4000  }
0x42: {  	[sflag:s13] =	ssyncset.done $0x0  }
0x43: {  	s10 =	rddreg [dreg:$0x1a];
	[sflag:s13] =	ssyncadd.s32 $0xFFFFC000  }
0x44: {  	[spmem:s10] =	stream.linear.scatter [tilespmem:s12], [sflag:$0x5], $0x4000, $0x38;
	[tilespmem:$0x1D000] =	vst v63  }
0x45: {  	_ =	swait.ge [sflag:s13], $0x4000  }
0x46: {  	[sflag:s13] =	ssyncset.done $0x0  }
0x47: {  	[sflag:s13] =	ssyncadd.s32 $0xFFFFC000  }
0x48: {  	[bflag:$0x0] =	sbarrier.arrive $0xFFFF  }
0x49: {  	s11 =	rddreg [dreg:$0x5]  }
0x4a: {  	s5 =	sadd.s32 $0x0, s11  }
0x4b: {  	[tilespmem:s14], [sflag:$0x5] =	stream.linear.gather [hbm4b:s5+s3], $0x800, $0x38;
	[tilespmem:$0x1D000] =	vst v63  }
0x4c: {  	_ =	swait.ge [sflag:s13], $0x800  }
0x4d: {  	s9 =	rddreg [dreg:$0x4];
	[sflag:s13] =	ssyncset.done $0x0  }
0x4e: {  	[sflag:s13] =	ssyncadd.s32 $0xFFFFF800;
	s5 =	sadd.s32 $0x0, s9  }
0x4f: {  	[tilespmem:s15], [sflag:$0x5] =	stream.linear.gather [hbm4b:s5+s3], $0x800, $0x38;
	[tilespmem:$0x1D000] =	vst v63  }
0x50: {  	_ =	swait.ge [sflag:s13], $0x800  }
0x51: {  	[sflag:s13] =	ssyncset.done $0x0  }
0x52: {  	[sflag:s13] =	ssyncadd.s32 $0xFFFFF800  }
0x53: {  	[tilespmem:s12], [sflag:$0x1] =	stream.indirect.gather [hbm4b:s4+s16], $0x80, s14, s16, $0xb8;
	[tilespmem:$0x1D000] =	vst v63  }
0x54: {  	_ =	swait.ge [sflag:s17], $0x4000  }
0x55: {  	[sflag:s17] =	ssyncset.done $0x0  }
0x56: {  	s10 =	rddreg [dreg:$0x6];
	[sflag:s17] =	ssyncadd.s32 $0xFFFFC000  }
0x57: {  	[tilespmem:s18], [sflag:$0x2] =	stream.indirect.gather [hbm4b:s4+s16], $0x80, s10, s16, $0xb8;
	[tilespmem:$0x1D000] =	vst v63  }
0x58: {  	_ = 	snop  }
0x59: {  	[spmem:s2] =	stream.indirect.scatter.add.f32 [tilespmem:s12], [sflag:$0x3], $0x80, s15, s16, $0xb8;
	[tilespmem:$0x1D000] =	vst v63  }
0x5a: {  	_ =	swait.ge [sflag:s19], $0x4000  }
0x5b: {  	[sflag:s19] =	ssyncset.done $0x0  }
0x5c: {  	[sflag:s19] =	ssyncadd.s32 $0xFFFFC000  }
0x5d: {  	_ =	swait.ge [sflag:s20], $0x4000  }
0x5e: {  	[sflag:s20] =	ssyncset.done $0x0  }
0x5f: {  	s11 =	rddreg [dreg:$0x7];
	[sflag:s20] =	ssyncadd.s32 $0xFFFFC000  }
0x60: {  	[tilespmem:s12], [sflag:$0x1] =	stream.indirect.gather [hbm4b:s4+s16], $0x80, s11, s16, $0xb8;
	[tilespmem:$0x1D000] =	vst v63  }
0x61: {  	s9 =	rddreg [dreg:$0x8]  }
0x62: {  	[spmem:s2] =	stream.indirect.scatter.add.f32 [tilespmem:s18], [sflag:$0x4], $0x80, s9, s16, $0xb8;
	[tilespmem:$0x1D000] =	vst v63  }
0x63: {  	_ =	swait.ge [sflag:s17], $0x4000  }
0x64: {  	[sflag:s17] =	ssyncset.done $0x0  }
0x65: {  	[sflag:s17] =	ssyncadd.s32 $0xFFFFC000  }
0x66: {  	_ =	swait.ge [sflag:s21], $0x4000  }
0x67: {  	[sflag:s21] =	ssyncset.done $0x0  }
0x68: {  	s11 =	rddreg [dreg:$0x9];
	[sflag:s21] =	ssyncadd.s32 $0xFFFFC000  }
0x69: {  	[tilespmem:s18], [sflag:$0x2] =	stream.indirect.gather [hbm4b:s4+s16], $0x80, s11, s16, $0xb8;
	[tilespmem:$0x1D000] =	vst v63  }
0x6a: {  	s9 =	rddreg [dreg:$0xa]  }
0x6b: {  	[spmem:s2] =	stream.indirect.scatter.add.f32 [tilespmem:s12], [sflag:$0x3], $0x80, s9, s16, $0xb8;
	[tilespmem:$0x1D000] =	vst v63  }
0x6c: {  	_ =	swait.ge [sflag:s19], $0x4000  }
0x6d: {  	[sflag:s19] =	ssyncset.done $0x0  }
0x6e: {  	[sflag:s19] =	ssyncadd.s32 $0xFFFFC000  }
0x6f: {  	_ =	swait.ge [sflag:s20], $0x4000  }
0x70: {  	[sflag:s20] =	ssyncset.done $0x0  }
0x71: {  	s11 =	rddreg [dreg:$0xb];
	[sflag:s20] =	ssyncadd.s32 $0xFFFFC000  }
0x72: {  	[tilespmem:s12], [sflag:$0x1] =	stream.indirect.gather [hbm4b:s4+s16], $0x80, s11, s16, $0xb8;
	[tilespmem:$0x1D000] =	vst v63  }
0x73: {  	s9 =	rddreg [dreg:$0xc]  }
0x74: {  	[spmem:s2] =	stream.indirect.scatter.add.f32 [tilespmem:s18], [sflag:$0x4], $0x80, s9, s16, $0xb8;
	[tilespmem:$0x1D000] =	vst v63  }
0x75: {  	_ =	swait.ge [sflag:s17], $0x4000  }
0x76: {  	[sflag:s17] =	ssyncset.done $0x0  }
0x77: {  	[sflag:s17] =	ssyncadd.s32 $0xFFFFC000  }
0x78: {  	_ =	swait.ge [sflag:s21], $0x4000  }
0x79: {  	[sflag:s21] =	ssyncset.done $0x0  }
0x7a: {  	s11 =	rddreg [dreg:$0xd];
	[sflag:s21] =	ssyncadd.s32 $0xFFFFC000  }
0x7b: {  	[tilespmem:s18], [sflag:$0x2] =	stream.indirect.gather [hbm4b:s4+s16], $0x80, s11, s16, $0xb8;
	[tilespmem:$0x1D000] =	vst v63  }
0x7c: {  	s9 =	rddreg [dreg:$0xe]  }
0x7d: {  	[spmem:s2] =	stream.indirect.scatter.add.f32 [tilespmem:s12], [sflag:$0x3], $0x80, s9, s16, $0xb8;
	[tilespmem:$0x1D000] =	vst v63  }
0x7e: {  	_ =	swait.ge [sflag:s19], $0x4000  }
0x7f: {  	[sflag:s19] =	ssyncset.done $0x0  }
0x80: {  	[sflag:s19] =	ssyncadd.s32 $0xFFFFC000  }
0x81: {  	_ =	swait.ge [sflag:s20], $0x4000  }
0x82: {  	[sflag:s20] =	ssyncset.done $0x0  }
0x83: {  	s11 =	rddreg [dreg:$0xf];
	[sflag:s20] =	ssyncadd.s32 $0xFFFFC000  }
0x84: {  	[tilespmem:s12], [sflag:$0x1] =	stream.indirect.gather [hbm4b:s4+s16], $0x80, s11, s16, $0xb8;
	[tilespmem:$0x1D000] =	vst v63  }
0x85: {  	s9 =	rddreg [dreg:$0x10]  }
0x86: {  	[spmem:s2] =	stream.indirect.scatter.add.f32 [tilespmem:s18], [sflag:$0x4], $0x80, s9, s16, $0xb8;
	[tilespmem:$0x1D000] =	vst v63  }
0x87: {  	_ =	swait.ge [sflag:s17], $0x4000  }
0x88: {  	[sflag:s17] =	ssyncset.done $0x0  }
0x89: {  	[sflag:s17] =	ssyncadd.s32 $0xFFFFC000  }
0x8a: {  	_ =	swait.ge [sflag:s21], $0x4000  }
0x8b: {  	[sflag:s21] =	ssyncset.done $0x0  }
0x8c: {  	s11 =	rddreg [dreg:$0x11];
	[sflag:s21] =	ssyncadd.s32 $0xFFFFC000  }
0x8d: {  	[tilespmem:s18], [sflag:$0x2] =	stream.indirect.gather [hbm4b:s4+s16], $0x80, s11, s16, $0xb8;
	[tilespmem:$0x1D000] =	vst v63  }
0x8e: {  	s9 =	rddreg [dreg:$0x12]  }
0x8f: {  	[spmem:s2] =	stream.indirect.scatter.add.f32 [tilespmem:s12], [sflag:$0x3], $0x80, s9, s16, $0xb8;
	[tilespmem:$0x1D000] =	vst v63  }
0x90: {  	_ =	swait.ge [sflag:s19], $0x4000  }
0x91: {  	[sflag:s19] =	ssyncset.done $0x0  }
0x92: {  	[sflag:s19] =	ssyncadd.s32 $0xFFFFC000  }
0x93: {  	_ =	swait.ge [sflag:s20], $0x4000  }
0x94: {  	[sflag:s20] =	ssyncset.done $0x0  }
0x95: {  	s11 =	rddreg [dreg:$0x13];
	[sflag:s20] =	ssyncadd.s32 $0xFFFFC000  }
0x96: {  	[tilespmem:s12], [sflag:$0x1] =	stream.indirect.gather [hbm4b:s4+s16], $0x80, s11, s16, $0xb8;
	[tilespmem:$0x1D000] =	vst v63  }
0x97: {  	s9 =	rddreg [dreg:$0x14]  }
0x98: {  	[spmem:s2] =	stream.indirect.scatter.add.f32 [tilespmem:s18], [sflag:$0x4], $0x80, s9, s16, $0xb8;
	[tilespmem:$0x1D000] =	vst v63  }
0x99: {  	_ =	swait.ge [sflag:s17], $0x4000  }
0x9a: {  	[sflag:s17] =	ssyncset.done $0x0  }
0x9b: {  	[sflag:s17] =	ssyncadd.s32 $0xFFFFC000  }
0x9c: {  	_ =	swait.ge [sflag:s21], $0x4000  }
0x9d: {  	[sflag:s21] =	ssyncset.done $0x0  }
0x9e: {  	s11 =	rddreg [dreg:$0x15];
	[sflag:s21] =	ssyncadd.s32 $0xFFFFC000  }
0x9f: {  	[tilespmem:s18], [sflag:$0x2] =	stream.indirect.gather [hbm4b:s4+s16], $0x80, s11, s16, $0xb8;
	[tilespmem:$0x1D000] =	vst v63  }
0xa0: {  	_ = 	snop  }
0xa1: {  	[spmem:s2] =	stream.indirect.scatter.add.f32 [tilespmem:s12], [sflag:$0x3], $0x80, s22, s16, $0xb8;
	[tilespmem:$0x1D000] =	vst v63  }
0xa2: {  	_ =	swait.ge [sflag:s19], $0x4000  }
0xa3: {  	[sflag:s19] =	ssyncset.done $0x0  }
0xa4: {  	[sflag:s19] =	ssyncadd.s32 $0xFFFFC000  }
0xa5: {  	_ =	swait.ge [sflag:s20], $0x4000  }
0xa6: {  	[sflag:s20] =	ssyncset.done $0x0  }
0xa7: {  	[sflag:s20] =	ssyncadd.s32 $0xFFFFC000  }
0xa8: {  	[tilespmem:s12], [sflag:$0x1] =	stream.indirect.gather [hbm4b:s4+s16], $0x80, s23, s16, $0xb8;
	[tilespmem:$0x1D000] =	vst v63  }
0xa9: {  	_ = 	snop  }
0xaa: {  	[spmem:s2] =	stream.indirect.scatter.add.f32 [tilespmem:s18], [sflag:$0x4], $0x80, s24, s16, $0xb8;
	[tilespmem:$0x1D000] =	vst v63  }
0xab: {  	_ =	swait.ge [sflag:s17], $0x4000  }
0xac: {  	[sflag:s17] =	ssyncset.done $0x0  }
0xad: {  	[sflag:s17] =	ssyncadd.s32 $0xFFFFC000  }
0xae: {  	_ =	swait.ge [sflag:s21], $0x4000  }
0xaf: {  	[sflag:s21] =	ssyncset.done $0x0  }
0xb0: {  	[sflag:s21] =	ssyncadd.s32 $0xFFFFC000  }
0xb1: {  	[tilespmem:s18], [sflag:$0x2] =	stream.indirect.gather [hbm4b:s4+s16], $0x80, s25, s16, $0xb8;
	[tilespmem:$0x1D000] =	vst v63  }
0xb2: {  	_ = 	snop  }
0xb3: {  	[spmem:s2] =	stream.indirect.scatter.add.f32 [tilespmem:s12], [sflag:$0x3], $0x80, s26, s16, $0xb8;
	[tilespmem:$0x1D000] =	vst v63  }
0xb4: {  	_ =	swait.ge [sflag:s19], $0x4000  }
0xb5: {  	[sflag:s19] =	ssyncset.done $0x0  }
0xb6: {  	[sflag:s19] =	ssyncadd.s32 $0xFFFFC000  }
0xb7: {  	_ =	swait.ge [sflag:s20], $0x4000  }
0xb8: {  	[sflag:s20] =	ssyncset.done $0x0  }
0xb9: {  	[sflag:s20] =	ssyncadd.s32 $0xFFFFC000  }
0xba: {  	[tilespmem:s12], [sflag:$0x1] =	stream.indirect.gather [hbm4b:s4+s16], $0x80, s28, s16, $0xb8;
	[tilespmem:$0x1D000] =	vst v63  }
0xbb: {  	_ = 	snop  }
0xbc: {  	[spmem:s2] =	stream.indirect.scatter.add.f32 [tilespmem:s18], [sflag:$0x4], $0x80, s29, s16, $0xb8;
	[tilespmem:$0x1D000] =	vst v63  }
0xbd: {  	_ =	swait.ge [sflag:s17], $0x4000  }
0xbe: {  	[sflag:s17] =	ssyncset.done $0x0  }
0xbf: {  	[sflag:s17] =	ssyncadd.s32 $0xFFFFC000  }
0xc0: {  	_ =	swait.ge [sflag:s21], $0x4000  }
0xc1: {  	[sflag:s21] =	ssyncset.done $0x0  }
0xc2: {  	[sflag:s21] =	ssyncadd.s32 $0xFFFFC000  }
0xc3: {  	[tilespmem:s18], [sflag:$0x2] =	stream.indirect.gather [hbm4b:s4+s16], $0x80, s30, s16, $0xb8;
	[tilespmem:$0x1D000] =	vst v63  }
0xc4: {  	_ = 	snop  }
0xc5: {  	[spmem:s2] =	stream.indirect.scatter.add.f32 [tilespmem:s12], [sflag:$0x3], $0x80, s31, s16, $0xb8;
	[tilespmem:$0x1D000] =	vst v63  }
0xc6: {  	_ =	swait.ge [sflag:s19], $0x4000  }
0xc7: {  	[sflag:s19] =	ssyncset.done $0x0  }
0xc8: {  	[sflag:s19] =	ssyncadd.s32 $0xFFFFC000  }
0xc9: {  	_ =	swait.ge [sflag:s20], $0x4000  }
0xca: {  	[sflag:s20] =	ssyncset.done $0x0  }
0xcb: {  	[sflag:s20] =	ssyncadd.s32 $0xFFFFC000  }
0xcc: {  	[tilespmem:s12], [sflag:$0x1] =	stream.indirect.gather [hbm4b:s4+s16], $0x80, s1, s16, $0xb8;
	[tilespmem:$0x1D000] =	vst v63  }
0xcd: {  	_ = 	snop  }
0xce: {  	[spmem:s2] =	stream.indirect.scatter.add.f32 [tilespmem:s18], [sflag:$0x4], $0x80, s0, s16, $0xb8;
	[tilespmem:$0x1D000] =	vst v63  }
0xcf: {  	_ =	swait.ge [sflag:s17], $0x4000  }
0xd0: {  	[sflag:s17] =	ssyncset.done $0x0  }
0xd1: {  	[sflag:s17] =	ssyncadd.s32 $0xFFFFC000  }
0xd2: {  	_ =	swait.ge [sflag:s21], $0x4000  }
0xd3: {  	[sflag:s21] =	ssyncset.done $0x0  }
0xd4: {  	[sflag:s21] =	ssyncadd.s32 $0xFFFFC000  }
0xd5: {  	[tilespmem:s18], [sflag:$0x2] =	stream.indirect.gather [hbm4b:s4+s16], $0x80, s6, s16, $0xb8;
	[tilespmem:$0x1D000] =	vst v63  }
0xd6: {  	_ = 	snop  }
0xd7: {  	[spmem:s2] =	stream.indirect.scatter.add.f32 [tilespmem:s12], [sflag:$0x3], $0x80, s7, s16, $0xb8;
	[tilespmem:$0x1D000] =	vst v63  }
0xd8: {  	_ =	swait.ge [sflag:s19], $0x4000  }
0xd9: {  	[sflag:s19] =	ssyncset.done $0x0  }
0xda: {  	[sflag:s19] =	ssyncadd.s32 $0xFFFFC000  }
0xdb: {  	_ =	swait.ge [sflag:s20], $0x4000  }
0xdc: {  	[sflag:s20] =	ssyncset.done $0x0  }
0xdd: {  	[sflag:s20] =	ssyncadd.s32 $0xFFFFC000  }
0xde: {  	[spmem:s2] =	stream.indirect.scatter.add.f32 [tilespmem:s18], [sflag:$0x4], $0x80, s8, s16, $0xb8;
	[tilespmem:$0x1D000] =	vst v63  }
0xdf: {  	s10 =	simm.s32 $0x100;
	_ =	swait.ge [sflag:s21], $0x4000  }
0xe0: {  	s11 =	simm.s32 $0x200;
	s5 =	rddreg [dreg:$0x5];
	[sflag:s21] =	ssyncset.done $0x0  }
.LBB2_4:
0xe1: {  	[sflag:s21] =	ssyncadd.s32 $0xFFFFC000;
	s5 =	sadd.s32 s10, s5  }
0xe2: {  	[tilespmem:s14], [sflag:$0x5] =	stream.linear.gather [hbm4b:s5+s3], $0x800, $0x38;
	[tilespmem:$0x1D000] =	vst v63  }
0xe3: {  	_ =	swait.ge [sflag:s13], $0x800  }
0xe4: {  	s5 =	rddreg [dreg:$0x4];
	[sflag:s13] =	ssyncset.done $0x0  }
0xe5: {  	[sflag:s13] =	ssyncadd.s32 $0xFFFFF800;
	s5 =	sadd.s32 s10, s5  }
0xe6: {  	[tilespmem:s15], [sflag:$0x5] =	stream.linear.gather [hbm4b:s5+s3], $0x800, $0x38;
	[tilespmem:$0x1D000] =	vst v63  }
0xe7: {  	_ =	swait.ge [sflag:s13], $0x800  }
0xe8: {  	[sflag:s13] =	ssyncset.done $0x0  }
0xe9: {  	[sflag:s13] =	ssyncadd.s32 $0xFFFFF800  }
0xea: {  	[tilespmem:s12], [sflag:$0x1] =	stream.indirect.gather [hbm4b:s4+s16], $0x80, s14, s16, $0xb8;
	[tilespmem:$0x1D000] =	vst v63  }
0xeb: {  	_ =	swait.ge [sflag:s17], $0x4000  }
0xec: {  	s9 =	smov.u32 s11;
	[sflag:s17] =	ssyncset.done $0x0  }
0xed: {  	s10 =	smov.u32 s9;
	s9 =	rddreg [dreg:$0x6];
	[sflag:s17] =	ssyncadd.s32 $0xFFFFC000  }
0xee: {  	[tilespmem:s18], [sflag:$0x2] =	stream.indirect.gather [hbm4b:s4+s16], $0x80, s9, s16, $0xb8;
	[tilespmem:$0x1D000] =	vst v63  }
0xef: {  	_ = 	snop  }
0xf0: {  	[spmem:s2] =	stream.indirect.scatter.add.f32 [tilespmem:s12], [sflag:$0x3], $0x80, s15, s16, $0xb8;
	[tilespmem:$0x1D000] =	vst v63  }
0xf1: {  	_ =	swait.ge [sflag:s19], $0x4000  }
0xf2: {  	[sflag:s19] =	ssyncset.done $0x0  }
0xf3: {  	[sflag:s19] =	ssyncadd.s32 $0xFFFFC000  }
0xf4: {  	_ =	swait.ge [sflag:s20], $0x4000  }
0xf5: {  	[sflag:s20] =	ssyncset.done $0x0  }
0xf6: {  	s5 =	rddreg [dreg:$0x7];
	[sflag:s20] =	ssyncadd.s32 $0xFFFFC000  }
0xf7: {  	[tilespmem:s12], [sflag:$0x1] =	stream.indirect.gather [hbm4b:s4+s16], $0x80, s5, s16, $0xb8;
	[tilespmem:$0x1D000] =	vst v63  }
0xf8: {  	s9 =	rddreg [dreg:$0x8]  }
0xf9: {  	[spmem:s2] =	stream.indirect.scatter.add.f32 [tilespmem:s18], [sflag:$0x4], $0x80, s9, s16, $0xb8;
	[tilespmem:$0x1D000] =	vst v63  }
0xfa: {  	_ =	swait.ge [sflag:s17], $0x4000  }
0xfb: {  	[sflag:s17] =	ssyncset.done $0x0  }
0xfc: {  	[sflag:s17] =	ssyncadd.s32 $0xFFFFC000  }
0xfd: {  	_ =	swait.ge [sflag:s21], $0x4000  }
0xfe: {  	[sflag:s21] =	ssyncset.done $0x0  }
0xff: {  	s5 =	rddreg [dreg:$0x9];
	[sflag:s21] =	ssyncadd.s32 $0xFFFFC000  }
0x100: {  	[tilespmem:s18], [sflag:$0x2] =	stream.indirect.gather [hbm4b:s4+s16], $0x80, s5, s16, $0xb8;
	[tilespmem:$0x1D000] =	vst v63  }
0x101: {  	s9 =	rddreg [dreg:$0xa]  }
0x102: {  	[spmem:s2] =	stream.indirect.scatter.add.f32 [tilespmem:s12], [sflag:$0x3], $0x80, s9, s16, $0xb8;
	[tilespmem:$0x1D000] =	vst v63  }
0x103: {  	_ =	swait.ge [sflag:s19], $0x4000  }
0x104: {  	[sflag:s19] =	ssyncset.done $0x0  }
0x105: {  	[sflag:s19] =	ssyncadd.s32 $0xFFFFC000  }
0x106: {  	_ =	swait.ge [sflag:s20], $0x4000  }
0x107: {  	[sflag:s20] =	ssyncset.done $0x0  }
0x108: {  	s5 =	rddreg [dreg:$0xb];
	[sflag:s20] =	ssyncadd.s32 $0xFFFFC000  }
0x109: {  	[tilespmem:s12], [sflag:$0x1] =	stream.indirect.gather [hbm4b:s4+s16], $0x80, s5, s16, $0xb8;
	[tilespmem:$0x1D000] =	vst v63  }
0x10a: {  	s9 =	rddreg [dreg:$0xc]  }
0x10b: {  	[spmem:s2] =	stream.indirect.scatter.add.f32 [tilespmem:s18], [sflag:$0x4], $0x80, s9, s16, $0xb8;
	[tilespmem:$0x1D000] =	vst v63  }
0x10c: {  	_ =	swait.ge [sflag:s17], $0x4000  }
0x10d: {  	[sflag:s17] =	ssyncset.done $0x0  }
0x10e: {  	[sflag:s17] =	ssyncadd.s32 $0xFFFFC000  }
0x10f: {  	_ =	swait.ge [sflag:s21], $0x4000  }
0x110: {  	[sflag:s21] =	ssyncset.done $0x0  }
0x111: {  	s5 =	rddreg [dreg:$0xd];
	[sflag:s21] =	ssyncadd.s32 $0xFFFFC000  }
0x112: {  	[tilespmem:s18], [sflag:$0x2] =	stream.indirect.gather [hbm4b:s4+s16], $0x80, s5, s16, $0xb8;
	[tilespmem:$0x1D000] =	vst v63  }
0x113: {  	s9 =	rddreg [dreg:$0xe]  }
0x114: {  	[spmem:s2] =	stream.indirect.scatter.add.f32 [tilespmem:s12], [sflag:$0x3], $0x80, s9, s16, $0xb8;
	[tilespmem:$0x1D000] =	vst v63  }
0x115: {  	_ =	swait.ge [sflag:s19], $0x4000  }
0x116: {  	[sflag:s19] =	ssyncset.done $0x0  }
0x117: {  	[sflag:s19] =	ssyncadd.s32 $0xFFFFC000  }
0x118: {  	_ =	swait.ge [sflag:s20], $0x4000  }
0x119: {  	[sflag:s20] =	ssyncset.done $0x0  }
0x11a: {  	s5 =	rddreg [dreg:$0xf];
	[sflag:s20] =	ssyncadd.s32 $0xFFFFC000  }
0x11b: {  	[tilespmem:s12], [sflag:$0x1] =	stream.indirect.gather [hbm4b:s4+s16], $0x80, s5, s16, $0xb8;
	[tilespmem:$0x1D000] =	vst v63  }
0x11c: {  	s9 =	rddreg [dreg:$0x10]  }
0x11d: {  	[spmem:s2] =	stream.indirect.scatter.add.f32 [tilespmem:s18], [sflag:$0x4], $0x80, s9, s16, $0xb8;
	[tilespmem:$0x1D000] =	vst v63  }
0x11e: {  	_ =	swait.ge [sflag:s17], $0x4000  }
0x11f: {  	[sflag:s17] =	ssyncset.done $0x0  }
0x120: {  	[sflag:s17] =	ssyncadd.s32 $0xFFFFC000  }
0x121: {  	_ =	swait.ge [sflag:s21], $0x4000  }
0x122: {  	[sflag:s21] =	ssyncset.done $0x0  }
0x123: {  	s5 =	rddreg [dreg:$0x11];
	[sflag:s21] =	ssyncadd.s32 $0xFFFFC000  }
0x124: {  	[tilespmem:s18], [sflag:$0x2] =	stream.indirect.gather [hbm4b:s4+s16], $0x80, s5, s16, $0xb8;
	[tilespmem:$0x1D000] =	vst v63  }
0x125: {  	s9 =	rddreg [dreg:$0x12]  }
0x126: {  	[spmem:s2] =	stream.indirect.scatter.add.f32 [tilespmem:s12], [sflag:$0x3], $0x80, s9, s16, $0xb8;
	[tilespmem:$0x1D000] =	vst v63  }
0x127: {  	_ =	swait.ge [sflag:s19], $0x4000  }
0x128: {  	[sflag:s19] =	ssyncset.done $0x0  }
0x129: {  	[sflag:s19] =	ssyncadd.s32 $0xFFFFC000  }
0x12a: {  	_ =	swait.ge [sflag:s20], $0x4000  }
0x12b: {  	[sflag:s20] =	ssyncset.done $0x0  }
0x12c: {  	s5 =	rddreg [dreg:$0x13];
	[sflag:s20] =	ssyncadd.s32 $0xFFFFC000  }
0x12d: {  	[tilespmem:s12], [sflag:$0x1] =	stream.indirect.gather [hbm4b:s4+s16], $0x80, s5, s16, $0xb8;
	[tilespmem:$0x1D000] =	vst v63  }
0x12e: {  	s9 =	rddreg [dreg:$0x14]  }
0x12f: {  	[spmem:s2] =	stream.indirect.scatter.add.f32 [tilespmem:s18], [sflag:$0x4], $0x80, s9, s16, $0xb8;
	[tilespmem:$0x1D000] =	vst v63  }
0x130: {  	_ =	swait.ge [sflag:s17], $0x4000  }
0x131: {  	[sflag:s17] =	ssyncset.done $0x0  }
0x132: {  	[sflag:s17] =	ssyncadd.s32 $0xFFFFC000  }
0x133: {  	_ =	swait.ge [sflag:s21], $0x4000  }
0x134: {  	[sflag:s21] =	ssyncset.done $0x0  }
0x135: {  	s9 =	rddreg [dreg:$0x15];
	[sflag:s21] =	ssyncadd.s32 $0xFFFFC000  }
0x136: {  	[tilespmem:s18], [sflag:$0x2] =	stream.indirect.gather [hbm4b:s4+s16], $0x80, s9, s16, $0xb8;
	[tilespmem:$0x1D000] =	vst v63  }
0x137: {  	_ = 	snop  }
0x138: {  	[spmem:s2] =	stream.indirect.scatter.add.f32 [tilespmem:s12], [sflag:$0x3], $0x80, s22, s16, $0xb8;
	[tilespmem:$0x1D000] =	vst v63  }
0x139: {  	_ =	swait.ge [sflag:s19], $0x4000  }
0x13a: {  	[sflag:s19] =	ssyncset.done $0x0  }
0x13b: {  	[sflag:s19] =	ssyncadd.s32 $0xFFFFC000  }
0x13c: {  	_ =	swait.ge [sflag:s20], $0x4000  }
0x13d: {  	[sflag:s20] =	ssyncset.done $0x0  }
0x13e: {  	[sflag:s20] =	ssyncadd.s32 $0xFFFFC000  }
0x13f: {  	[tilespmem:s12], [sflag:$0x1] =	stream.indirect.gather [hbm4b:s4+s16], $0x80, s23, s16, $0xb8;
	[tilespmem:$0x1D000] =	vst v63  }
0x140: {  	_ = 	snop  }
0x141: {  	[spmem:s2] =	stream.indirect.scatter.add.f32 [tilespmem:s18], [sflag:$0x4], $0x80, s24, s16, $0xb8;
	[tilespmem:$0x1D000] =	vst v63  }
0x142: {  	_ =	swait.ge [sflag:s17], $0x4000  }
0x143: {  	[sflag:s17] =	ssyncset.done $0x0  }
0x144: {  	[sflag:s17] =	ssyncadd.s32 $0xFFFFC000  }
0x145: {  	_ =	swait.ge [sflag:s21], $0x4000  }
0x146: {  	[sflag:s21] =	ssyncset.done $0x0  }
0x147: {  	[sflag:s21] =	ssyncadd.s32 $0xFFFFC000  }
0x148: {  	[tilespmem:s18], [sflag:$0x2] =	stream.indirect.gather [hbm4b:s4+s16], $0x80, s25, s16, $0xb8;
	[tilespmem:$0x1D000] =	vst v63  }
0x149: {  	_ = 	snop  }
0x14a: {  	[spmem:s2] =	stream.indirect.scatter.add.f32 [tilespmem:s12], [sflag:$0x3], $0x80, s26, s16, $0xb8;
	[tilespmem:$0x1D000] =	vst v63  }
0x14b: {  	_ =	swait.ge [sflag:s19], $0x4000  }
0x14c: {  	[sflag:s19] =	ssyncset.done $0x0  }
0x14d: {  	[sflag:s19] =	ssyncadd.s32 $0xFFFFC000  }
0x14e: {  	_ =	swait.ge [sflag:s20], $0x4000  }
0x14f: {  	[sflag:s20] =	ssyncset.done $0x0  }
0x150: {  	[sflag:s20] =	ssyncadd.s32 $0xFFFFC000  }
0x151: {  	[tilespmem:s12], [sflag:$0x1] =	stream.indirect.gather [hbm4b:s4+s16], $0x80, s28, s16, $0xb8;
	[tilespmem:$0x1D000] =	vst v63  }
0x152: {  	_ = 	snop  }
0x153: {  	[spmem:s2] =	stream.indirect.scatter.add.f32 [tilespmem:s18], [sflag:$0x4], $0x80, s29, s16, $0xb8;
	[tilespmem:$0x1D000] =	vst v63  }
0x154: {  	_ =	swait.ge [sflag:s17], $0x4000  }
0x155: {  	[sflag:s17] =	ssyncset.done $0x0  }
0x156: {  	[sflag:s17] =	ssyncadd.s32 $0xFFFFC000  }
0x157: {  	_ =	swait.ge [sflag:s21], $0x4000  }
0x158: {  	[sflag:s21] =	ssyncset.done $0x0  }
0x159: {  	[sflag:s21] =	ssyncadd.s32 $0xFFFFC000  }
0x15a: {  	[tilespmem:s18], [sflag:$0x2] =	stream.indirect.gather [hbm4b:s4+s16], $0x80, s30, s16, $0xb8;
	[tilespmem:$0x1D000] =	vst v63  }
0x15b: {  	_ = 	snop  }
0x15c: {  	[spmem:s2] =	stream.indirect.scatter.add.f32 [tilespmem:s12], [sflag:$0x3], $0x80, s31, s16, $0xb8;
	[tilespmem:$0x1D000] =	vst v63  }
0x15d: {  	_ =	swait.ge [sflag:s19], $0x4000  }
0x15e: {  	[sflag:s19] =	ssyncset.done $0x0  }
0x15f: {  	[sflag:s19] =	ssyncadd.s32 $0xFFFFC000  }
0x160: {  	_ =	swait.ge [sflag:s20], $0x4000  }
0x161: {  	[sflag:s20] =	ssyncset.done $0x0  }
0x162: {  	[sflag:s20] =	ssyncadd.s32 $0xFFFFC000  }
0x163: {  	[tilespmem:s12], [sflag:$0x1] =	stream.indirect.gather [hbm4b:s4+s16], $0x80, s1, s16, $0xb8;
	[tilespmem:$0x1D000] =	vst v63  }
0x164: {  	_ = 	snop  }
0x165: {  	[spmem:s2] =	stream.indirect.scatter.add.f32 [tilespmem:s18], [sflag:$0x4], $0x80, s0, s16, $0xb8;
	[tilespmem:$0x1D000] =	vst v63  }
0x166: {  	_ =	swait.ge [sflag:s17], $0x4000  }
0x167: {  	[sflag:s17] =	ssyncset.done $0x0  }
0x168: {  	[sflag:s17] =	ssyncadd.s32 $0xFFFFC000  }
0x169: {  	_ =	swait.ge [sflag:s21], $0x4000  }
0x16a: {  	[sflag:s21] =	ssyncset.done $0x0  }
0x16b: {  	[sflag:s21] =	ssyncadd.s32 $0xFFFFC000  }
0x16c: {  	[tilespmem:s18], [sflag:$0x2] =	stream.indirect.gather [hbm4b:s4+s16], $0x80, s6, s16, $0xb8;
	[tilespmem:$0x1D000] =	vst v63  }
0x16d: {  	_ = 	snop  }
0x16e: {  	[spmem:s2] =	stream.indirect.scatter.add.f32 [tilespmem:s12], [sflag:$0x3], $0x80, s7, s16, $0xb8;
	[tilespmem:$0x1D000] =	vst v63  }
0x16f: {  	_ =	swait.ge [sflag:s19], $0x4000  }
0x170: {  	[sflag:s19] =	ssyncset.done $0x0  }
0x171: {  	[sflag:s19] =	ssyncadd.s32 $0xFFFFC000  }
0x172: {  	p0 =	sne.s32 s11, $0x400;
	_ =	swait.ge [sflag:s20], $0x4000  }
.Ltmp1:
0x173: {  	[sflag:s20] =	ssyncset.done $0x0;
	(pc) =	sbr.rel @p0 .LBB2_4-.Ltmp1, $4  }
0x174: {  	[sflag:s20] =	ssyncadd.s32 $0xFFFFC000  }
0x175: {  	[spmem:s2] =	stream.indirect.scatter.add.f32 [tilespmem:s18], [sflag:$0x4], $0x80, s8, s16, $0xb8;
	[tilespmem:$0x1D000] =	vst v63  }
0x176: {  	_ =	swait.ge [sflag:s21], $0x4000  }
0x177: {  	s11 =	sadd.s32 $0x100, s11;
	s5 =	rddreg [dreg:$0x5];
	[sflag:s21] =	ssyncset.done $0x0  }
0x178: {  	[sflag:s21] =	ssyncadd.s32 $0xFFFFC000;
	s5 =	sadd.s32 s10, s5  }
0x179: {  	[tilespmem:s14], [sflag:$0x5] =	stream.linear.gather [hbm4b:s5+s3], $0x800, $0x38;
	[tilespmem:$0x1D000] =	vst v63  }
0x17a: {  	_ =	swait.ge [sflag:s13], $0x800  }
0x17b: {  	s9 =	rddreg [dreg:$0x4];
	[sflag:s13] =	ssyncset.done $0x0  }
0x17c: {  	[sflag:s13] =	ssyncadd.s32 $0xFFFFF800;
	s5 =	sadd.s32 s10, s9  }
0x17d: {  	[tilespmem:s15], [sflag:$0x5] =	stream.linear.gather [hbm4b:s5+s3], $0x800, $0x38;
	[tilespmem:$0x1D000] =	vst v63  }
0x17e: {  	_ =	swait.ge [sflag:s13], $0x800  }
0x17f: {  	[sflag:s13] =	ssyncset.done $0x0  }
0x180: {  	[sflag:s13] =	ssyncadd.s32 $0xFFFFF800  }
0x181: {  	[tilespmem:s12], [sflag:$0x1] =	stream.indirect.gather [hbm4b:s4+s16], $0x80, s14, s16, $0xb8;
	[tilespmem:$0x1D000] =	vst v63  }
0x182: {  	_ =	swait.ge [sflag:s17], $0x4000  }
0x183: {  	[sflag:s17] =	ssyncset.done $0x0  }
0x184: {  	s10 =	rddreg [dreg:$0x6];
	[sflag:s17] =	ssyncadd.s32 $0xFFFFC000  }
0x185: {  	[tilespmem:s18], [sflag:$0x2] =	stream.indirect.gather [hbm4b:s4+s16], $0x80, s10, s16, $0xb8;
	[tilespmem:$0x1D000] =	vst v63  }
0x186: {  	_ = 	snop  }
0x187: {  	[spmem:s2] =	stream.indirect.scatter.add.f32 [tilespmem:s12], [sflag:$0x3], $0x80, s15, s16, $0xb8;
	[tilespmem:$0x1D000] =	vst v63  }
0x188: {  	_ =	swait.ge [sflag:s19], $0x4000  }
0x189: {  	[sflag:s19] =	ssyncset.done $0x0  }
0x18a: {  	[sflag:s19] =	ssyncadd.s32 $0xFFFFC000  }
0x18b: {  	_ =	swait.ge [sflag:s20], $0x4000  }
0x18c: {  	[sflag:s20] =	ssyncset.done $0x0  }
0x18d: {  	s11 =	rddreg [dreg:$0x7];
	[sflag:s20] =	ssyncadd.s32 $0xFFFFC000  }
0x18e: {  	[tilespmem:s12], [sflag:$0x1] =	stream.indirect.gather [hbm4b:s4+s16], $0x80, s11, s16, $0xb8;
	[tilespmem:$0x1D000] =	vst v63  }
0x18f: {  	s9 =	rddreg [dreg:$0x8]  }
0x190: {  	[spmem:s2] =	stream.indirect.scatter.add.f32 [tilespmem:s18], [sflag:$0x4], $0x80, s9, s16, $0xb8;
	[tilespmem:$0x1D000] =	vst v63  }
0x191: {  	_ =	swait.ge [sflag:s17], $0x4000  }
0x192: {  	[sflag:s17] =	ssyncset.done $0x0  }
0x193: {  	[sflag:s17] =	ssyncadd.s32 $0xFFFFC000  }
0x194: {  	_ =	swait.ge [sflag:s21], $0x4000  }
0x195: {  	[sflag:s21] =	ssyncset.done $0x0  }
0x196: {  	s10 =	rddreg [dreg:$0x9];
	[sflag:s21] =	ssyncadd.s32 $0xFFFFC000  }
0x197: {  	[tilespmem:s18], [sflag:$0x2] =	stream.indirect.gather [hbm4b:s4+s16], $0x80, s10, s16, $0xb8;
	[tilespmem:$0x1D000] =	vst v63  }
0x198: {  	s11 =	rddreg [dreg:$0xa]  }
0x199: {  	[spmem:s2] =	stream.indirect.scatter.add.f32 [tilespmem:s12], [sflag:$0x3], $0x80, s11, s16, $0xb8;
	[tilespmem:$0x1D000] =	vst v63  }
0x19a: {  	_ =	swait.ge [sflag:s19], $0x4000  }
0x19b: {  	[sflag:s19] =	ssyncset.done $0x0  }
0x19c: {  	[sflag:s19] =	ssyncadd.s32 $0xFFFFC000  }
0x19d: {  	_ =	swait.ge [sflag:s20], $0x4000  }
0x19e: {  	[sflag:s20] =	ssyncset.done $0x0  }
0x19f: {  	s10 =	rddreg [dreg:$0xb];
	[sflag:s20] =	ssyncadd.s32 $0xFFFFC000  }
0x1a0: {  	[tilespmem:s12], [sflag:$0x1] =	stream.indirect.gather [hbm4b:s4+s16], $0x80, s10, s16, $0xb8;
	[tilespmem:$0x1D000] =	vst v63  }
0x1a1: {  	s11 =	rddreg [dreg:$0xc]  }
0x1a2: {  	[spmem:s2] =	stream.indirect.scatter.add.f32 [tilespmem:s18], [sflag:$0x4], $0x80, s11, s16, $0xb8;
	[tilespmem:$0x1D000] =	vst v63  }
0x1a3: {  	_ =	swait.ge [sflag:s17], $0x4000  }
0x1a4: {  	[sflag:s17] =	ssyncset.done $0x0  }
0x1a5: {  	[sflag:s17] =	ssyncadd.s32 $0xFFFFC000  }
0x1a6: {  	_ =	swait.ge [sflag:s21], $0x4000  }
0x1a7: {  	[sflag:s21] =	ssyncset.done $0x0  }
0x1a8: {  	s10 =	rddreg [dreg:$0xd];
	[sflag:s21] =	ssyncadd.s32 $0xFFFFC000  }
0x1a9: {  	[tilespmem:s18], [sflag:$0x2] =	stream.indirect.gather [hbm4b:s4+s16], $0x80, s10, s16, $0xb8;
	[tilespmem:$0x1D000] =	vst v63  }
0x1aa: {  	s11 =	rddreg [dreg:$0xe]  }
0x1ab: {  	[spmem:s2] =	stream.indirect.scatter.add.f32 [tilespmem:s12], [sflag:$0x3], $0x80, s11, s16, $0xb8;
	[tilespmem:$0x1D000] =	vst v63  }
0x1ac: {  	_ =	swait.ge [sflag:s19], $0x4000  }
0x1ad: {  	[sflag:s19] =	ssyncset.done $0x0  }
0x1ae: {  	[sflag:s19] =	ssyncadd.s32 $0xFFFFC000  }
0x1af: {  	_ =	swait.ge [sflag:s20], $0x4000  }
0x1b0: {  	[sflag:s20] =	ssyncset.done $0x0  }
0x1b1: {  	s10 =	rddreg [dreg:$0xf];
	[sflag:s20] =	ssyncadd.s32 $0xFFFFC000  }
0x1b2: {  	[tilespmem:s12], [sflag:$0x1] =	stream.indirect.gather [hbm4b:s4+s16], $0x80, s10, s16, $0xb8;
	[tilespmem:$0x1D000] =	vst v63  }
0x1b3: {  	s11 =	rddreg [dreg:$0x10]  }
0x1b4: {  	[spmem:s2] =	stream.indirect.scatter.add.f32 [tilespmem:s18], [sflag:$0x4], $0x80, s11, s16, $0xb8;
	[tilespmem:$0x1D000] =	vst v63  }
0x1b5: {  	_ =	swait.ge [sflag:s17], $0x4000  }
0x1b6: {  	[sflag:s17] =	ssyncset.done $0x0  }
0x1b7: {  	[sflag:s17] =	ssyncadd.s32 $0xFFFFC000  }
0x1b8: {  	_ =	swait.ge [sflag:s21], $0x4000  }
0x1b9: {  	[sflag:s21] =	ssyncset.done $0x0  }
0x1ba: {  	s10 =	rddreg [dreg:$0x11];
	[sflag:s21] =	ssyncadd.s32 $0xFFFFC000  }
0x1bb: {  	[tilespmem:s18], [sflag:$0x2] =	stream.indirect.gather [hbm4b:s4+s16], $0x80, s10, s16, $0xb8;
	[tilespmem:$0x1D000] =	vst v63  }
0x1bc: {  	s11 =	rddreg [dreg:$0x12]  }
0x1bd: {  	[spmem:s2] =	stream.indirect.scatter.add.f32 [tilespmem:s12], [sflag:$0x3], $0x80, s11, s16, $0xb8;
	[tilespmem:$0x1D000] =	vst v63  }
0x1be: {  	_ =	swait.ge [sflag:s19], $0x4000  }
0x1bf: {  	[sflag:s19] =	ssyncset.done $0x0  }
0x1c0: {  	[sflag:s19] =	ssyncadd.s32 $0xFFFFC000  }
0x1c1: {  	_ =	swait.ge [sflag:s20], $0x4000  }
0x1c2: {  	[sflag:s20] =	ssyncset.done $0x0  }
0x1c3: {  	s9 =	rddreg [dreg:$0x13];
	[sflag:s20] =	ssyncadd.s32 $0xFFFFC000  }
0x1c4: {  	[tilespmem:s12], [sflag:$0x1] =	stream.indirect.gather [hbm4b:s4+s16], $0x80, s9, s16, $0xb8;
	[tilespmem:$0x1D000] =	vst v63  }
0x1c5: {  	s10 =	rddreg [dreg:$0x14]  }
0x1c6: {  	[spmem:s2] =	stream.indirect.scatter.add.f32 [tilespmem:s18], [sflag:$0x4], $0x80, s10, s16, $0xb8;
	[tilespmem:$0x1D000] =	vst v63  }
0x1c7: {  	_ =	swait.ge [sflag:s17], $0x4000  }
0x1c8: {  	[sflag:s17] =	ssyncset.done $0x0  }
0x1c9: {  	[sflag:s17] =	ssyncadd.s32 $0xFFFFC000  }
0x1ca: {  	_ =	swait.ge [sflag:s21], $0x4000  }
0x1cb: {  	[sflag:s21] =	ssyncset.done $0x0  }
0x1cc: {  	s11 =	rddreg [dreg:$0x15];
	[sflag:s21] =	ssyncadd.s32 $0xFFFFC000  }
0x1cd: {  	[tilespmem:s18], [sflag:$0x2] =	stream.indirect.gather [hbm4b:s4+s16], $0x80, s11, s16, $0xb8;
	[tilespmem:$0x1D000] =	vst v63  }
0x1ce: {  	_ = 	snop  }
0x1cf: {  	[spmem:s2] =	stream.indirect.scatter.add.f32 [tilespmem:s12], [sflag:$0x3], $0x80, s22, s16, $0xb8;
	[tilespmem:$0x1D000] =	vst v63  }
0x1d0: {  	_ =	swait.ge [sflag:s19], $0x4000  }
0x1d1: {  	[sflag:s19] =	ssyncset.done $0x0  }
0x1d2: {  	[sflag:s19] =	ssyncadd.s32 $0xFFFFC000  }
0x1d3: {  	_ =	swait.ge [sflag:s20], $0x4000  }
0x1d4: {  	[sflag:s20] =	ssyncset.done $0x0  }
0x1d5: {  	[sflag:s20] =	ssyncadd.s32 $0xFFFFC000  }
0x1d6: {  	[tilespmem:s12], [sflag:$0x1] =	stream.indirect.gather [hbm4b:s4+s16], $0x80, s23, s16, $0xb8;
	[tilespmem:$0x1D000] =	vst v63  }
0x1d7: {  	_ = 	snop  }
0x1d8: {  	[spmem:s2] =	stream.indirect.scatter.add.f32 [tilespmem:s18], [sflag:$0x4], $0x80, s24, s16, $0xb8;
	[tilespmem:$0x1D000] =	vst v63  }
0x1d9: {  	_ =	swait.ge [sflag:s17], $0x4000  }
0x1da: {  	[sflag:s17] =	ssyncset.done $0x0  }
0x1db: {  	[sflag:s17] =	ssyncadd.s32 $0xFFFFC000  }
0x1dc: {  	_ =	swait.ge [sflag:s21], $0x4000  }
0x1dd: {  	[sflag:s21] =	ssyncset.done $0x0  }
0x1de: {  	[sflag:s21] =	ssyncadd.s32 $0xFFFFC000  }
0x1df: {  	[tilespmem:s18], [sflag:$0x2] =	stream.indirect.gather [hbm4b:s4+s16], $0x80, s25, s16, $0xb8;
	[tilespmem:$0x1D000] =	vst v63  }
0x1e0: {  	_ = 	snop  }
0x1e1: {  	[spmem:s2] =	stream.indirect.scatter.add.f32 [tilespmem:s12], [sflag:$0x3], $0x80, s26, s16, $0xb8;
	[tilespmem:$0x1D000] =	vst v63  }
0x1e2: {  	_ =	swait.ge [sflag:s19], $0x4000  }
0x1e3: {  	[sflag:s19] =	ssyncset.done $0x0  }
0x1e4: {  	[sflag:s19] =	ssyncadd.s32 $0xFFFFC000  }
0x1e5: {  	_ =	swait.ge [sflag:s20], $0x4000  }
0x1e6: {  	[sflag:s20] =	ssyncset.done $0x0  }
0x1e7: {  	[sflag:s20] =	ssyncadd.s32 $0xFFFFC000  }
0x1e8: {  	[tilespmem:s12], [sflag:$0x1] =	stream.indirect.gather [hbm4b:s4+s16], $0x80, s28, s16, $0xb8;
	[tilespmem:$0x1D000] =	vst v63  }
0x1e9: {  	_ = 	snop  }
0x1ea: {  	[spmem:s2] =	stream.indirect.scatter.add.f32 [tilespmem:s18], [sflag:$0x4], $0x80, s29, s16, $0xb8;
	[tilespmem:$0x1D000] =	vst v63  }
0x1eb: {  	_ =	swait.ge [sflag:s17], $0x4000  }
0x1ec: {  	[sflag:s17] =	ssyncset.done $0x0  }
0x1ed: {  	[sflag:s17] =	ssyncadd.s32 $0xFFFFC000  }
0x1ee: {  	_ =	swait.ge [sflag:s21], $0x4000  }
0x1ef: {  	[sflag:s21] =	ssyncset.done $0x0  }
0x1f0: {  	[sflag:s21] =	ssyncadd.s32 $0xFFFFC000  }
0x1f1: {  	[tilespmem:s18], [sflag:$0x2] =	stream.indirect.gather [hbm4b:s4+s16], $0x80, s30, s16, $0xb8;
	[tilespmem:$0x1D000] =	vst v63  }
0x1f2: {  	_ = 	snop  }
0x1f3: {  	[spmem:s2] =	stream.indirect.scatter.add.f32 [tilespmem:s12], [sflag:$0x3], $0x80, s31, s16, $0xb8;
	[tilespmem:$0x1D000] =	vst v63  }
0x1f4: {  	_ =	swait.ge [sflag:s19], $0x4000  }
0x1f5: {  	[sflag:s19] =	ssyncset.done $0x0  }
0x1f6: {  	[sflag:s19] =	ssyncadd.s32 $0xFFFFC000  }
0x1f7: {  	_ =	swait.ge [sflag:s20], $0x4000  }
0x1f8: {  	[sflag:s20] =	ssyncset.done $0x0  }
0x1f9: {  	[sflag:s20] =	ssyncadd.s32 $0xFFFFC000  }
0x1fa: {  	[tilespmem:s12], [sflag:$0x1] =	stream.indirect.gather [hbm4b:s4+s16], $0x80, s1, s16, $0xb8;
	[tilespmem:$0x1D000] =	vst v63  }
0x1fb: {  	_ = 	snop  }
0x1fc: {  	[spmem:s2] =	stream.indirect.scatter.add.f32 [tilespmem:s18], [sflag:$0x4], $0x80, s0, s16, $0xb8;
	[tilespmem:$0x1D000] =	vst v63  }
0x1fd: {  	_ =	swait.ge [sflag:s17], $0x4000  }
0x1fe: {  	[sflag:s17] =	ssyncset.done $0x0  }
0x1ff: {  	[sflag:s17] =	ssyncadd.s32 $0xFFFFC000  }
0x200: {  	_ =	swait.ge [sflag:s21], $0x4000  }
0x201: {  	[sflag:s21] =	ssyncset.done $0x0  }
0x202: {  	[sflag:s21] =	ssyncadd.s32 $0xFFFFC000  }
0x203: {  	[tilespmem:s18], [sflag:$0x2] =	stream.indirect.gather [hbm4b:s4+s16], $0x80, s6, s16, $0xb8;
	[tilespmem:$0x1D000] =	vst v63  }
0x204: {  	_ = 	snop  }
0x205: {  	[spmem:s2] =	stream.indirect.scatter.add.f32 [tilespmem:s12], [sflag:$0x3], $0x80, s7, s16, $0xb8;
	[tilespmem:$0x1D000] =	vst v63  }
0x206: {  	_ =	swait.ge [sflag:s19], $0x4000  }
0x207: {  	[sflag:s19] =	ssyncset.done $0x0  }
0x208: {  	[sflag:s19] =	ssyncadd.s32 $0xFFFFC000  }
0x209: {  	_ =	swait.ge [sflag:s20], $0x4000  }
0x20a: {  	[sflag:s20] =	ssyncset.done $0x0  }
0x20b: {  	[sflag:s20] =	ssyncadd.s32 $0xFFFFC000  }
0x20c: {  	[spmem:s2] =	stream.indirect.scatter.add.f32 [tilespmem:s18], [sflag:$0x4], $0x80, s8, s16, $0xb8;
	[tilespmem:$0x1D000] =	vst v63  }
0x20d: {  	_ =	swait.ge [sflag:s21], $0x4000  }
0x20e: {  	[sflag:s21] =	ssyncset.done $0x0  }
0x20f: {  	[sflag:s21] =	ssyncadd.s32 $0xFFFFC000  }
0x210: {  	s9 =	stileid.u32;
	[bflag:$0x0] =	sbarrier.arrive $0xFFFF  }
0x211: {  	s5 =	sshll.u32 s9, $0x6;
	s10 =	rddreg [dreg:$0x16]  }
0x212: {  	s5 =	sor.u32 $0x1C05, s5;
	s11 =	rddreg [dreg:$0x1b];
	s9 =	sshrl.u32 s10, $0x3  }
0x213: {  	[hbm:s11], [sflag:s5] =	dma.local [spmem:s9], $0x2800  }
0x214: {  	_ =	swait.ge [sflag:s13], $0x2800  }
0x215: {  	s10 =	rddreg [dreg:$0x1d]  }
0x216: {  	s11 =	rddreg [dreg:$0x1c];
	s9 =	sadd.s32 $0x1, s10  }
0x217: {  	p0 =	sne.s32 s9, s11  }
.Ltmp2:
0x218: {  	_ = 	snop;
	(pc) =	sbr.rel @p0 .LBB2_1-.Ltmp2, $3  }
0x219: {  	_ =	sdelay $0x1  }
0x21a: {  	[sflag:s13] =	ssyncset.done $0x0  }
0x21b: {  	[sflag:s13] =	ssyncadd.s32 $0xFFFFD800  }
0x21c: {  	_ =	sfence.sel $0x180000  }
0x21d: {  	[bflag:$0x0] =	sbarrier.arrive $0xFFFF  }
0x21e: {  	_ =	strace $0x9000004D  }
0x21f: {  	s0 =	stileid.u32;
	[bflag:$0x2] =	sbarrier.arrive $0xFFFF  }
0x220: {  	p0 =	sne.s32 s0, $0x0;
	s0 =	rddreg [dreg:$0x3]  }
0x221: {  	s0 =	sadd.s32 @!p0 $0x100000, s0  }
0x222: {  	[sflag:s0] =	ssyncadd.tile.s32 @!p0 $0x1;
	_ =	shalt  }
.Lfunc_end2:
_tile_overlayer_lowered:
.L_overlay_start_2:
0x223: {  	(tag) =	ssettag $0x2  }
0x224: {  	s0 =	rddreg [dreg:$0x0];
	s2 =	stileid.u32  }
0x225: {  	s1 =	rddreg [dreg:$0x1];
	p0 =	sne.s32 s2, $0x0  }
0x226: {  	s3 =	rddreg [dreg:$0x2];
	[bflag:$0x3] =	sbarrier.arrive $0xFFFF;
	s2 =	simm.s32 @!p0 $0x1C05  }
0x227: {  	[timem:s3], [sflag:s2] =	dma.local @!p0 [hbm:s0], s1  }
0x228: {  	s0 =	simm.s32 @!p0 $0x5  }
0x229: {  	_ =	swait.ge @!p0 [sflag:s0], s1  }
0x22a: {  	s1 =	ssub.s32 @!p0 $0x0, s1;
	[sflag:s0] =	ssyncset.done @!p0 $0x0  }
0x22b: {  	[sflag:s0] =	ssyncadd.s32 @!p0 s1  }
0x22c: {  	[bflag:$0x3] =	sbarrier.arrive $0xFFFF  }
0x22d: {  	_ =	shalt  }

</sc_bundles>
